<compile_context>
chip_gen: v7x
topology: tpu7x:2x2x1
jax: 0.10.2.dev20260603
libtpu: 0.0.44.dev20260713+nightly
codegen_flags: <defaults>
</compile_context>

<pallas_src>
import functools
import math

import jax
import jax.numpy as jnp
from jax import lax
from jax.experimental import pallas as pl
from jax.experimental.pallas import tpu as pltpu
from jax.experimental.pallas import tpu_sc as plsc

_NC = 2
_NS = 16
_NW = _NC * _NS
_CHUNK = 128
_LANES = 16
_RING = 4
_AHEAD = 2


@jax.jit
def _lookup(x_flat, table):
    B = x_flat.shape[0]
    V, D = table.shape
    b_per_w = B // _NW
    n_chunks = b_per_w // _CHUNK
    scale = float(math.sqrt(D))
    mesh = plsc.VectorSubcoreMesh(core_axis_name="c", subcore_axis_name="s")

    idx2d = x_flat.reshape(_NW * n_chunks, _CHUNK)

    @functools.partial(
        pl.kernel,
        out_type=jax.ShapeDtypeStruct((B, D), jnp.float32),
        mesh=mesh,
        compiler_params=pltpu.CompilerParams(
            use_tc_tiling_on_sc=False, needs_layout_passes=False),
        scratch_types=[
            pltpu.VMEM((n_chunks, _CHUNK), jnp.int32),
            pltpu.VMEM((_RING, _CHUNK, D), jnp.float32),
            pltpu.SemaphoreType.DMA((_RING,)),
            pltpu.SemaphoreType.DMA((_RING,)),
        ],
    )
    def look(idx_hbm, table_hbm, out_hbm, idx_v, bufs, sem_g, sem_s):
        wid = lax.axis_index("s") * _NC + lax.axis_index("c")
        base = wid * b_per_w
        pltpu.sync_copy(idx_hbm.at[pl.ds(wid * n_chunks, n_chunks)], idx_v)

        def gather(j, b):
            return pltpu.make_async_copy(
                table_hbm.at[idx_v.at[j]], bufs.at[b], sem_g.at[b])

        def scatter(j, b):
            return pltpu.make_async_copy(
                bufs.at[b], out_hbm.at[pl.ds(base + j * _CHUNK, _CHUNK)],
                sem_s.at[b])

        for b in range(_AHEAD):
            gather(b, b).start()

        @pl.loop(0, n_chunks, step=_RING)
        def outer(j0):
            for b in range(_RING):
                j = j0 + b
                bb = (b + _AHEAD) % _RING
                jg = j + _AHEAD

                @pl.when(jg < n_chunks)
                def _():
                    @pl.when(jg >= _RING)
                    def _():
                        scatter(jg - _RING, bb).wait()

                    gather(jg, bb).start()

                gather(j, b).wait()

                @pl.loop(0, _CHUNK, unroll=8)
                def scale_body(i):
                    for t in range(D // _LANES):
                        sl = pl.ds(t * _LANES, _LANES)
                        bufs[b, i, sl] = bufs[b, i, sl] * scale

                scatter(j, b).start()

        for b in range(_RING):
            scatter(n_chunks - _RING + b, b).wait()

    return look(idx2d, table)


def kernel(x, table):
    out = _lookup(x.reshape(-1).astype(jnp.int32), table)
    return out.reshape(x.shape[0], x.shape[1], table.shape[1])

# --- scband reference (transcript-rebuilt; emitter-appended) ---
"""Pipeline reference for scband-input-embedding-51496657879153 (READ-ONLY COPY).

The authoritative reference and input builder live on the scoring server;
editing this copy changes nothing except your own understanding.
"""

import jax, jax.numpy as jnp
import numpy as np
import math

VOCAB = 1000000
DIM = 64

def setup_inputs(seed: int = 0) -> dict:
    key = jax.random.key(seed)
    k1, k2 = jax.random.split(key)
    x = jax.random.randint(k1, (4096, 200), 0, VOCAB, dtype=jnp.int64 if jax.config.jax_enable_x64 else jnp.int32)
    table = jax.random.normal(k2, (VOCAB, DIM), dtype=jnp.float32)
    return {"x": x, "table": table}

def reference(x, table):
    emb = jnp.take(table, x, axis=0)
    return emb * math.sqrt(DIM)

if __name__ == "__main__":
    import jax
    _d = setup_inputs()
    print(jax.jit(kernel)(*tuple(_d.values())))

</pallas_src>

<mosaic_0001>
#map = affine_map<(d0, d1) -> (0, 0)>
module attributes {stable_mosaic.version = 14 : i64} {
  func.func @look(%arg0: i32, %arg1: i32, %arg2: memref<6400x128xi32, #tpu.memory_space<hbm>>, %arg3: memref<1000000x64xf32, #tpu.memory_space<hbm>>, %arg4: memref<819200x64xf32, #tpu.memory_space<hbm>>, %arg5: memref<200x128xi32, #tpu.memory_space<vmem>>, %arg6: memref<4x128x64xf32, #tpu.memory_space<vmem>>, %arg7: memref<4x!tpu.dma_semaphore, #tpu.memory_space<semaphore_mem>>, %arg8: memref<4x!tpu.dma_semaphore, #tpu.memory_space<semaphore_mem>>) attributes {dimension_semantics = [#tpu.dimension_semantics<core_parallel>, #tpu.dimension_semantics<subcore_parallel>], iteration_bounds = array<i64: 2, 16>, scalar_prefetch = 0 : i64, scratch_operands = 4 : i64, tpu.core_type = #tpu.core_type<sc_vector_subcore>, window_params = [{transform_indices = #map}, {transform_indices = #map}, {transform_indices = #map}]} {
    %mul3A = arith.constant 2 : i32
    %mul3A_0 = arith.muli %arg1, %mul3A : i32
    %add3A = arith.addi %mul3A_0, %arg0 : i32
    %mul3A_1 = arith.constant 25600 : i32
    %mul3A_2 = arith.muli %add3A, %mul3A_1 : i32
    %mul3A_3 = arith.constant 200 : i32
    %mul3A_4 = arith.muli %add3A, %mul3A_3 : i32
    "tpu.region"() ({
      %run_scoped3A = tpu.sem_alloc : memref<!tpu.dma_semaphore, #tpu.memory_space<semaphore_mem>>
      %dma_start3A_109 = arith.constant 0 : i32
      %dma_start3A_110 = tpu.memref_slice %arg2[%mul3A_4, %dma_start3A_109] : memref<6400x128xi32, #tpu.memory_space<hbm>> -> memref<200x128xi32, #tpu.memory_space<hbm>>
      %dma_start3A_111 = arith.constant 0 : i32
      %dma_start3A_112 = tpu.memref_slice %arg2[%mul3A_4, %dma_start3A_111] : memref<6400x128xi32, #tpu.memory_space<hbm>> -> memref<200x128xi32, #tpu.memory_space<hbm>>
      tpu.enqueue_dma source(%dma_start3A_112 : memref<200x128xi32, #tpu.memory_space<hbm>>) target(%arg5 : memref<200x128xi32, #tpu.memory_space<vmem>>) target_semaphore(%run_scoped3A : memref<!tpu.dma_semaphore, #tpu.memory_space<semaphore_mem>>)
      %dma_wait3A_113 = arith.constant 0 : i32
      %dma_wait3A_114 = tpu.memref_slice %arg2[%mul3A_4, %dma_wait3A_113] : memref<6400x128xi32, #tpu.memory_space<hbm>> -> memref<200x128xi32, #tpu.memory_space<hbm>>
      %dma_wait3A_115 = arith.constant 0 : i32
      %dma_wait3A_116 = tpu.memref_slice %arg2[%mul3A_4, %dma_wait3A_115] : memref<6400x128xi32, #tpu.memory_space<hbm>> -> memref<200x128xi32, #tpu.memory_space<hbm>>
      tpu.wait_dma2 semaphore(%run_scoped3A : memref<!tpu.dma_semaphore, #tpu.memory_space<semaphore_mem>>) src(%dma_wait3A_116 : memref<200x128xi32, #tpu.memory_space<hbm>>) dst(%arg5 : memref<200x128xi32, #tpu.memory_space<vmem>>)
      tpu.yield
    }) : () -> ()
    %dma_start3A = arith.constant 0 : i32
    %dma_start3A_5 = arith.constant 0 : i32
    %dma_start3A_6 = arith.constant 0 : i32
    %dma_start3A_7 = arith.constant 0 : i32
    %dma_start3A_8 = arith.constant 0 : i32
    %dma_start3A_9 = tpu.memref_slice %arg6[%dma_start3A_5, %dma_start3A_7, %dma_start3A_8] : memref<4x128x64xf32, #tpu.memory_space<vmem>> -> memref<1x128x64xf32, #tpu.memory_space<vmem>>
    %dma_start3A_10 = tpu.memref_squeeze %dma_start3A_9 : memref<1x128x64xf32, #tpu.memory_space<vmem>> -> memref<128x64xf32, #tpu.memory_space<vmem>>
    %dma_start3A_11 = arith.constant 0 : i32
    %dma_start3A_12 = tpu.memref_slice %arg5[%dma_start3A, %dma_start3A_11] : memref<200x128xi32, #tpu.memory_space<vmem>> -> memref<1x128xi32, #tpu.memory_space<vmem>>
    %dma_start3A_13 = tpu.memref_squeeze %dma_start3A_12 : memref<1x128xi32, #tpu.memory_space<vmem>> -> memref<128xi32, #tpu.memory_space<vmem>>
    %dma_start3A_14 = arith.constant 0 : i32
    %dma_start3A_15 = arith.constant 0 : i32
    %dma_start3A_16 = tpu.memref_slice %arg3[%dma_start3A_14, %dma_start3A_15] : memref<1000000x64xf32, #tpu.memory_space<hbm>> -> memref<1000000x64xf32, #tpu.memory_space<hbm>>
    %dma_start3A_17 = tpu.memref_slice %arg7[%dma_start3A_6] : memref<4x!tpu.dma_semaphore, #tpu.memory_space<semaphore_mem>> -> memref<1x!tpu.dma_semaphore, #tpu.memory_space<semaphore_mem>>
    %dma_start3A_18 = tpu.memref_squeeze %dma_start3A_17 : memref<1x!tpu.dma_semaphore, #tpu.memory_space<semaphore_mem>> -> memref<!tpu.dma_semaphore, #tpu.memory_space<semaphore_mem>>
    tpu.enqueue_indirect_dma source(%dma_start3A_16 : memref<1000000x64xf32, #tpu.memory_space<hbm>>) target(%dma_start3A_10 : memref<128x64xf32, #tpu.memory_space<vmem>>) offsets(%dma_start3A_13 : memref<128xi32, #tpu.memory_space<vmem>>) semaphore(%dma_start3A_18 : memref<!tpu.dma_semaphore, #tpu.memory_space<semaphore_mem>>)
    %dma_start3A_19 = arith.constant 1 : i32
    %dma_start3A_20 = arith.constant 1 : i32
    %dma_start3A_21 = arith.constant 1 : i32
    %dma_start3A_22 = arith.constant 0 : i32
    %dma_start3A_23 = arith.constant 0 : i32
    %dma_start3A_24 = tpu.memref_slice %arg6[%dma_start3A_20, %dma_start3A_22, %dma_start3A_23] : memref<4x128x64xf32, #tpu.memory_space<vmem>> -> memref<1x128x64xf32, #tpu.memory_space<vmem>>
    %dma_start3A_25 = tpu.memref_squeeze %dma_start3A_24 : memref<1x128x64xf32, #tpu.memory_space<vmem>> -> memref<128x64xf32, #tpu.memory_space<vmem>>
    %dma_start3A_26 = arith.constant 0 : i32
    %dma_start3A_27 = tpu.memref_slice %arg5[%dma_start3A_19, %dma_start3A_26] : memref<200x128xi32, #tpu.memory_space<vmem>> -> memref<1x128xi32, #tpu.memory_space<vmem>>
    %dma_start3A_28 = tpu.memref_squeeze %dma_start3A_27 : memref<1x128xi32, #tpu.memory_space<vmem>> -> memref<128xi32, #tpu.memory_space<vmem>>
    %dma_start3A_29 = arith.constant 0 : i32
    %dma_start3A_30 = arith.constant 0 : i32
    %dma_start3A_31 = tpu.memref_slice %arg3[%dma_start3A_29, %dma_start3A_30] : memref<1000000x64xf32, #tpu.memory_space<hbm>> -> memref<1000000x64xf32, #tpu.memory_space<hbm>>
    %dma_start3A_32 = tpu.memref_slice %arg7[%dma_start3A_21] : memref<4x!tpu.dma_semaphore, #tpu.memory_space<semaphore_mem>> -> memref<1x!tpu.dma_semaphore, #tpu.memory_space<semaphore_mem>>
    %dma_start3A_33 = tpu.memref_squeeze %dma_start3A_32 : memref<1x!tpu.dma_semaphore, #tpu.memory_space<semaphore_mem>> -> memref<!tpu.dma_semaphore, #tpu.memory_space<semaphore_mem>>
    tpu.enqueue_indirect_dma source(%dma_start3A_31 : memref<1000000x64xf32, #tpu.memory_space<hbm>>) target(%dma_start3A_25 : memref<128x64xf32, #tpu.memory_space<vmem>>) offsets(%dma_start3A_28 : memref<128xi32, #tpu.memory_space<vmem>>) semaphore(%dma_start3A_33 : memref<!tpu.dma_semaphore, #tpu.memory_space<semaphore_mem>>)
    %scan3A = arith.constant 0 : i32
    %scan3A_34 = arith.constant 50 : i32
    %scan3A_35 = arith.addi %scan3A, %scan3A_34 : i32
    %scan3A_36 = arith.constant 1 : i32
    scf.for %scan3A_109 = %scan3A to %scan3A_35 step %scan3A_36  : i32 {
      %mul3A_110 = arith.constant 4 : i32
      %mul3A_111 = arith.muli %scan3A_109, %mul3A_110 : i32
      %add3A_112 = arith.constant 0 : i32
      %add3A_113 = arith.addi %add3A_112, %mul3A_111 : i32
      %add3A_114 = arith.constant 0 : i32
      %add3A_115 = arith.addi %add3A_113, %add3A_114 : i32
      %add3A_116 = arith.constant 2 : i32
      %add3A_117 = arith.addi %add3A_115, %add3A_116 : i32
      %lt3A = arith.constant 200 : i32
      %lt3A_118 = arith.cmpi slt, %add3A_117, %lt3A : i32
      %convert_element_type3A = arith.extui %lt3A_118 : i1 to i32
      %cond3A = arith.constant 0 : i32
      %cond3A_119 = arith.cmpi ne, %convert_element_type3A, %cond3A : i32
      scf.if %cond3A_119 {
        %ge3A = arith.constant 4 : i32
        %ge3A_299 = arith.cmpi sge, %add3A_117, %ge3A : i32
        %convert_element_type3A_300 = arith.extui %ge3A_299 : i1 to i32
        %cond3A_301 = arith.constant 0 : i32
        %cond3A_302 = arith.cmpi ne, %convert_element_type3A_300, %cond3A_301 : i32
        scf.if %cond3A_302 {
          %sub3A = arith.constant 4 : i32
          %sub3A_317 = arith.subi %add3A_117, %sub3A : i32
          %mul3A_318 = arith.constant 128 : i32
          %mul3A_319 = arith.muli %sub3A_317, %mul3A_318 : i32
          %add3A_320 = arith.addi %mul3A_2, %mul3A_319 : i32
          %dma_wait3A_321 = arith.constant 2 : i32
          %dma_wait3A_322 = arith.constant 2 : i32
          %dma_wait3A_323 = arith.constant 0 : i32
          %dma_wait3A_324 = arith.constant 0 : i32
          %dma_wait3A_325 = tpu.memref_slice %arg6[%dma_wait3A_321, %dma_wait3A_323, %dma_wait3A_324] : memref<4x128x64xf32, #tpu.memory_space<vmem>> -> memref<1x128x64xf32, #tpu.memory_space<vmem>>
          %dma_wait3A_326 = tpu.memref_squeeze %dma_wait3A_325 : memref<1x128x64xf32, #tpu.memory_space<vmem>> -> memref<128x64xf32, #tpu.memory_space<vmem>>
          %dma_wait3A_327 = arith.constant 0 : i32
          %dma_wait3A_328 = tpu.memref_slice %arg4[%add3A_320, %dma_wait3A_327] : memref<819200x64xf32, #tpu.memory_space<hbm>> -> memref<128x64xf32, #tpu.memory_space<hbm>>
          %dma_wait3A_329 = tpu.memref_slice %arg8[%dma_wait3A_322] : memref<4x!tpu.dma_semaphore, #tpu.memory_space<semaphore_mem>> -> memref<1x!tpu.dma_semaphore, #tpu.memory_space<semaphore_mem>>
          %dma_wait3A_330 = tpu.memref_squeeze %dma_wait3A_329 : memref<1x!tpu.dma_semaphore, #tpu.memory_space<semaphore_mem>> -> memref<!tpu.dma_semaphore, #tpu.memory_space<semaphore_mem>>
          %dma_wait3A_331 = arith.constant 0 : i32
          %dma_wait3A_332 = tpu.memref_slice %arg4[%add3A_320, %dma_wait3A_331] : memref<819200x64xf32, #tpu.memory_space<hbm>> -> memref<128x64xf32, #tpu.memory_space<hbm>>
          %dma_wait3A_333 = arith.constant 0 : i32
          %dma_wait3A_334 = arith.constant 0 : i32
          %dma_wait3A_335 = tpu.memref_slice %arg6[%dma_wait3A_321, %dma_wait3A_333, %dma_wait3A_334] : memref<4x128x64xf32, #tpu.memory_space<vmem>> -> memref<1x128x64xf32, #tpu.memory_space<vmem>>
          %dma_wait3A_336 = tpu.memref_squeeze %dma_wait3A_335 : memref<1x128x64xf32, #tpu.memory_space<vmem>> -> memref<128x64xf32, #tpu.memory_space<vmem>>
          tpu.wait_dma2 semaphore(%dma_wait3A_330 : memref<!tpu.dma_semaphore, #tpu.memory_space<semaphore_mem>>) src(%dma_wait3A_336 : memref<128x64xf32, #tpu.memory_space<vmem>>) dst(%dma_wait3A_332 : memref<128x64xf32, #tpu.memory_space<hbm>>)
        } else {
        }
        %dma_start3A_303 = arith.constant 2 : i32
        %dma_start3A_304 = arith.constant 2 : i32
        %dma_start3A_305 = arith.constant 0 : i32
        %dma_start3A_306 = arith.constant 0 : i32
        %dma_start3A_307 = tpu.memref_slice %arg6[%dma_start3A_303, %dma_start3A_305, %dma_start3A_306] : memref<4x128x64xf32, #tpu.memory_space<vmem>> -> memref<1x128x64xf32, #tpu.memory_space<vmem>>
        %dma_start3A_308 = tpu.memref_squeeze %dma_start3A_307 : memref<1x128x64xf32, #tpu.memory_space<vmem>> -> memref<128x64xf32, #tpu.memory_space<vmem>>
        %dma_start3A_309 = arith.constant 0 : i32
        %dma_start3A_310 = tpu.memref_slice %arg5[%add3A_117, %dma_start3A_309] : memref<200x128xi32, #tpu.memory_space<vmem>> -> memref<1x128xi32, #tpu.memory_space<vmem>>
        %dma_start3A_311 = tpu.memref_squeeze %dma_start3A_310 : memref<1x128xi32, #tpu.memory_space<vmem>> -> memref<128xi32, #tpu.memory_space<vmem>>
        %dma_start3A_312 = arith.constant 0 : i32
        %dma_start3A_313 = arith.constant 0 : i32
        %dma_start3A_314 = tpu.memref_slice %arg3[%dma_start3A_312, %dma_start3A_313] : memref<1000000x64xf32, #tpu.memory_space<hbm>> -> memref<1000000x64xf32, #tpu.memory_space<hbm>>
        %dma_start3A_315 = tpu.memref_slice %arg7[%dma_start3A_304] : memref<4x!tpu.dma_semaphore, #tpu.memory_space<semaphore_mem>> -> memref<1x!tpu.dma_semaphore, #tpu.memory_space<semaphore_mem>>
        %dma_start3A_316 = tpu.memref_squeeze %dma_start3A_315 : memref<1x!tpu.dma_semaphore, #tpu.memory_space<semaphore_mem>> -> memref<!tpu.dma_semaphore, #tpu.memory_space<semaphore_mem>>
        tpu.enqueue_indirect_dma source(%dma_start3A_314 : memref<1000000x64xf32, #tpu.memory_space<hbm>>) target(%dma_start3A_308 : memref<128x64xf32, #tpu.memory_space<vmem>>) offsets(%dma_start3A_311 : memref<128xi32, #tpu.memory_space<vmem>>) semaphore(%dma_start3A_316 : memref<!tpu.dma_semaphore, #tpu.memory_space<semaphore_mem>>)
      } else {
      }
      %dma_wait3A_120 = arith.constant 0 : i32
      %dma_wait3A_121 = arith.constant 0 : i32
      %dma_wait3A_122 = arith.constant 0 : i32
      %dma_wait3A_123 = arith.constant 0 : i32
      %dma_wait3A_124 = tpu.memref_slice %arg6[%dma_wait3A_120, %dma_wait3A_122, %dma_wait3A_123] : memref<4x128x64xf32, #tpu.memory_space<vmem>> -> memref<1x128x64xf32, #tpu.memory_space<vmem>>
      %dma_wait3A_125 = tpu.memref_squeeze %dma_wait3A_124 : memref<1x128x64xf32, #tpu.memory_space<vmem>> -> memref<128x64xf32, #tpu.memory_space<vmem>>
      %dma_wait3A_126 = arith.constant 0 : i32
      %dma_wait3A_127 = tpu.memref_slice %arg5[%add3A_115, %dma_wait3A_126] : memref<200x128xi32, #tpu.memory_space<vmem>> -> memref<1x128xi32, #tpu.memory_space<vmem>>
      %dma_wait3A_128 = tpu.memref_squeeze %dma_wait3A_127 : memref<1x128xi32, #tpu.memory_space<vmem>> -> memref<128xi32, #tpu.memory_space<vmem>>
      %dma_wait3A_129 = arith.constant 0 : i32
      %dma_wait3A_130 = arith.constant 0 : i32
      %dma_wait3A_131 = tpu.memref_slice %arg3[%dma_wait3A_129, %dma_wait3A_130] : memref<1000000x64xf32, #tpu.memory_space<hbm>> -> memref<1000000x64xf32, #tpu.memory_space<hbm>>
      %dma_wait3A_132 = tpu.memref_slice %arg7[%dma_wait3A_121] : memref<4x!tpu.dma_semaphore, #tpu.memory_space<semaphore_mem>> -> memref<1x!tpu.dma_semaphore, #tpu.memory_space<semaphore_mem>>
      %dma_wait3A_133 = tpu.memref_squeeze %dma_wait3A_132 : memref<1x!tpu.dma_semaphore, #tpu.memory_space<semaphore_mem>> -> memref<!tpu.dma_semaphore, #tpu.memory_space<semaphore_mem>>
      tpu.wait_indirect_dma semaphore(%dma_wait3A_133 : memref<!tpu.dma_semaphore, #tpu.memory_space<semaphore_mem>>) src(%dma_wait3A_131 : memref<1000000x64xf32, #tpu.memory_space<hbm>>) dst(%dma_wait3A_125 : memref<128x64xf32, #tpu.memory_space<vmem>>)
      %scan3A_134 = arith.constant 0 : i32
      %scan3A_135 = arith.constant 128 : i32
      %scan3A_136 = arith.addi %scan3A_134, %scan3A_135 : i32
      %scan3A_137 = arith.constant 8 : i32
      scf.for %scan3A_299 = %scan3A_134 to %scan3A_136 step %scan3A_137  : i32 {
        %mul3A_300 = arith.constant 1 : i32
        %mul3A_301 = arith.muli %scan3A_299, %mul3A_300 : i32
        %add3A_302 = arith.constant 0 : i32
        %add3A_303 = arith.addi %add3A_302, %mul3A_301 : i32
        %get3A = arith.constant 0 : i32
        %get3A_304 = arith.index_cast %get3A : i32 to index
        %get3A_305 = arith.index_cast %add3A_303 : i32 to index
        %get3A_306 = arith.constant 0 : index
        %get3A_307 = tpu.vector_load %arg6[%get3A_304, %get3A_305, %get3A_306] {strides = array<i32>} : memref<4x128x64xf32, #tpu.memory_space<vmem>>, vector<16xf32>,
        %mul3A_308 = arith.constant 8.000000e+00 : f32
        %mul3A_309 = vector.broadcast %mul3A_308 : f32 to vector<16xf32>
        %mul3A_310 = arith.mulf %get3A_307, %mul3A_309 : vector<16xf32>
        %swap3A = arith.constant 0 : i32
        %swap3A_311 = arith.index_cast %swap3A : i32 to index
        %swap3A_312 = arith.index_cast %add3A_303 : i32 to index
        %swap3A_313 = arith.constant 0 : index
        %swap3A_314 = tpu.vector_load %arg6[%swap3A_311, %swap3A_312, %swap3A_313] {strides = array<i32>} : memref<4x128x64xf32, #tpu.memory_space<vmem>>, vector<16xf32>,
        tpu.vector_store %arg6[%swap3A_311, %swap3A_312, %swap3A_313], %mul3A_310 {strides = array<i32>} : memref<4x128x64xf32, #tpu.memory_space<vmem>>, vector<16xf32>,
        %get3A_315 = arith.constant 0 : i32
        %get3A_316 = arith.index_cast %get3A_315 : i32 to index
        %get3A_317 = arith.index_cast %add3A_303 : i32 to index
        %get3A_318 = arith.constant 16 : index
        %get3A_319 = tpu.vector_load %arg6[%get3A_316, %get3A_317, %get3A_318] {strides = array<i32>} : memref<4x128x64xf32, #tpu.memory_space<vmem>>, vector<16xf32>,
        %mul3A_320 = arith.constant 8.000000e+00 : f32
        %mul3A_321 = vector.broadcast %mul3A_320 : f32 to vector<16xf32>
        %mul3A_322 = arith.mulf %get3A_319, %mul3A_321 : vector<16xf32>
        %swap3A_323 = arith.constant 0 : i32
        %swap3A_324 = arith.index_cast %swap3A_323 : i32 to index
        %swap3A_325 = arith.index_cast %add3A_303 : i32 to index
        %swap3A_326 = arith.constant 16 : index
        %swap3A_327 = tpu.vector_load %arg6[%swap3A_324, %swap3A_325, %swap3A_326] {strides = array<i32>} : memref<4x128x64xf32, #tpu.memory_space<vmem>>, vector<16xf32>,
        tpu.vector_store %arg6[%swap3A_324, %swap3A_325, %swap3A_326], %mul3A_322 {strides = array<i32>} : memref<4x128x64xf32, #tpu.memory_space<vmem>>, vector<16xf32>,
        %get3A_328 = arith.constant 0 : i32
        %get3A_329 = arith.index_cast %get3A_328 : i32 to index
        %get3A_330 = arith.index_cast %add3A_303 : i32 to index
        %get3A_331 = arith.constant 32 : index
        %get3A_332 = tpu.vector_load %arg6[%get3A_329, %get3A_330, %get3A_331] {strides = array<i32>} : memref<4x128x64xf32, #tpu.memory_space<vmem>>, vector<16xf32>,
        %mul3A_333 = arith.constant 8.000000e+00 : f32
        %mul3A_334 = vector.broadcast %mul3A_333 : f32 to vector<16xf32>
        %mul3A_335 = arith.mulf %get3A_332, %mul3A_334 : vector<16xf32>
        %swap3A_336 = arith.constant 0 : i32
        %swap3A_337 = arith.index_cast %swap3A_336 : i32 to index
        %swap3A_338 = arith.index_cast %add3A_303 : i32 to index
        %swap3A_339 = arith.constant 32 : index
        %swap3A_340 = tpu.vector_load %arg6[%swap3A_337, %swap3A_338, %swap3A_339] {strides = array<i32>} : memref<4x128x64xf32, #tpu.memory_space<vmem>>, vector<16xf32>,
        tpu.vector_store %arg6[%swap3A_337, %swap3A_338, %swap3A_339], %mul3A_335 {strides = array<i32>} : memref<4x128x64xf32, #tpu.memory_space<vmem>>, vector<16xf32>,
        %get3A_341 = arith.constant 0 : i32
        %get3A_342 = arith.index_cast %get3A_341 : i32 to index
        %get3A_343 = arith.index_cast %add3A_303 : i32 to index
        %get3A_344 = arith.constant 48 : index
        %get3A_345 = tpu.vector_load %arg6[%get3A_342, %get3A_343, %get3A_344] {strides = array<i32>} : memref<4x128x64xf32, #tpu.memory_space<vmem>>, vector<16xf32>,
        %mul3A_346 = arith.constant 8.000000e+00 : f32
        %mul3A_347 = vector.broadcast %mul3A_346 : f32 to vector<16xf32>
        %mul3A_348 = arith.mulf %get3A_345, %mul3A_347 : vector<16xf32>
        %swap3A_349 = arith.constant 0 : i32
        %swap3A_350 = arith.index_cast %swap3A_349 : i32 to index
        %swap3A_351 = arith.index_cast %add3A_303 : i32 to index
        %swap3A_352 = arith.constant 48 : index
        %swap3A_353 = tpu.vector_load %arg6[%swap3A_350, %swap3A_351, %swap3A_352] {strides = array<i32>} : memref<4x128x64xf32, #tpu.memory_space<vmem>>, vector<16xf32>,
        tpu.vector_store %arg6[%swap3A_350, %swap3A_351, %swap3A_352], %mul3A_348 {strides = array<i32>} : memref<4x128x64xf32, #tpu.memory_space<vmem>>, vector<16xf32>,
        %scan3A_354 = arith.constant 1 : i32
        %scan3A_355 = arith.addi %scan3A_299, %scan3A_354 : i32
        %mul3A_356 = arith.constant 1 : i32
        %mul3A_357 = arith.muli %scan3A_355, %mul3A_356 : i32
        %add3A_358 = arith.constant 0 : i32
        %add3A_359 = arith.addi %add3A_358, %mul3A_357 : i32
        %get3A_360 = arith.constant 0 : i32
        %get3A_361 = arith.index_cast %get3A_360 : i32 to index
        %get3A_362 = arith.index_cast %add3A_359 : i32 to index
        %get3A_363 = arith.constant 0 : index
        %get3A_364 = tpu.vector_load %arg6[%get3A_361, %get3A_362, %get3A_363] {strides = array<i32>} : memref<4x128x64xf32, #tpu.memory_space<vmem>>, vector<16xf32>,
        %mul3A_365 = arith.constant 8.000000e+00 : f32
        %mul3A_366 = vector.broadcast %mul3A_365 : f32 to vector<16xf32>
        %mul3A_367 = arith.mulf %get3A_364, %mul3A_366 : vector<16xf32>
        %swap3A_368 = arith.constant 0 : i32
        %swap3A_369 = arith.index_cast %swap3A_368 : i32 to index
        %swap3A_370 = arith.index_cast %add3A_359 : i32 to index
        %swap3A_371 = arith.constant 0 : index
        %swap3A_372 = tpu.vector_load %arg6[%swap3A_369, %swap3A_370, %swap3A_371] {strides = array<i32>} : memref<4x128x64xf32, #tpu.memory_space<vmem>>, vector<16xf32>,
        tpu.vector_store %arg6[%swap3A_369, %swap3A_370, %swap3A_371], %mul3A_367 {strides = array<i32>} : memref<4x128x64xf32, #tpu.memory_space<vmem>>, vector<16xf32>,
        %get3A_373 = arith.constant 0 : i32
        %get3A_374 = arith.index_cast %get3A_373 : i32 to index
        %get3A_375 = arith.index_cast %add3A_359 : i32 to index
        %get3A_376 = arith.constant 16 : index
        %get3A_377 = tpu.vector_load %arg6[%get3A_374, %get3A_375, %get3A_376] {strides = array<i32>} : memref<4x128x64xf32, #tpu.memory_space<vmem>>, vector<16xf32>,
        %mul3A_378 = arith.constant 8.000000e+00 : f32
        %mul3A_379 = vector.broadcast %mul3A_378 : f32 to vector<16xf32>
        %mul3A_380 = arith.mulf %get3A_377, %mul3A_379 : vector<16xf32>
        %swap3A_381 = arith.constant 0 : i32
        %swap3A_382 = arith.index_cast %swap3A_381 : i32 to index
        %swap3A_383 = arith.index_cast %add3A_359 : i32 to index
        %swap3A_384 = arith.constant 16 : index
        %swap3A_385 = tpu.vector_load %arg6[%swap3A_382, %swap3A_383, %swap3A_384] {strides = array<i32>} : memref<4x128x64xf32, #tpu.memory_space<vmem>>, vector<16xf32>,
        tpu.vector_store %arg6[%swap3A_382, %swap3A_383, %swap3A_384], %mul3A_380 {strides = array<i32>} : memref<4x128x64xf32, #tpu.memory_space<vmem>>, vector<16xf32>,
        %get3A_386 = arith.constant 0 : i32
        %get3A_387 = arith.index_cast %get3A_386 : i32 to index
        %get3A_388 = arith.index_cast %add3A_359 : i32 to index
        %get3A_389 = arith.constant 32 : index
        %get3A_390 = tpu.vector_load %arg6[%get3A_387, %get3A_388, %get3A_389] {strides = array<i32>} : memref<4x128x64xf32, #tpu.memory_space<vmem>>, vector<16xf32>,
        %mul3A_391 = arith.constant 8.000000e+00 : f32
        %mul3A_392 = vector.broadcast %mul3A_391 : f32 to vector<16xf32>
        %mul3A_393 = arith.mulf %get3A_390, %mul3A_392 : vector<16xf32>
        %swap3A_394 = arith.constant 0 : i32
        %swap3A_395 = arith.index_cast %swap3A_394 : i32 to index
        %swap3A_396 = arith.index_cast %add3A_359 : i32 to index
        %swap3A_397 = arith.constant 32 : index
        %swap3A_398 = tpu.vector_load %arg6[%swap3A_395, %swap3A_396, %swap3A_397] {strides = array<i32>} : memref<4x128x64xf32, #tpu.memory_space<vmem>>, vector<16xf32>,
        tpu.vector_store %arg6[%swap3A_395, %swap3A_396, %swap3A_397], %mul3A_393 {strides = array<i32>} : memref<4x128x64xf32, #tpu.memory_space<vmem>>, vector<16xf32>,
        %get3A_399 = arith.constant 0 : i32
        %get3A_400 = arith.index_cast %get3A_399 : i32 to index
        %get3A_401 = arith.index_cast %add3A_359 : i32 to index
        %get3A_402 = arith.constant 48 : index
        %get3A_403 = tpu.vector_load %arg6[%get3A_400, %get3A_401, %get3A_402] {strides = array<i32>} : memref<4x128x64xf32, #tpu.memory_space<vmem>>, vector<16xf32>,
        %mul3A_404 = arith.constant 8.000000e+00 : f32
        %mul3A_405 = vector.broadcast %mul3A_404 : f32 to vector<16xf32>
        %mul3A_406 = arith.mulf %get3A_403, %mul3A_405 : vector<16xf32>
        %swap3A_407 = arith.constant 0 : i32
        %swap3A_408 = arith.index_cast %swap3A_407 : i32 to index
        %swap3A_409 = arith.index_cast %add3A_359 : i32 to index
        %swap3A_410 = arith.constant 48 : index
        %swap3A_411 = tpu.vector_load %arg6[%swap3A_408, %swap3A_409, %swap3A_410] {strides = array<i32>} : memref<4x128x64xf32, #tpu.memory_space<vmem>>, vector<16xf32>,
        tpu.vector_store %arg6[%swap3A_408, %swap3A_409, %swap3A_410], %mul3A_406 {strides = array<i32>} : memref<4x128x64xf32, #tpu.memory_space<vmem>>, vector<16xf32>,
        %scan3A_412 = arith.constant 2 : i32
        %scan3A_413 = arith.addi %scan3A_299, %scan3A_412 : i32
        %mul3A_414 = arith.constant 1 : i32
        %mul3A_415 = arith.muli %scan3A_413, %mul3A_414 : i32
        %add3A_416 = arith.constant 0 : i32
        %add3A_417 = arith.addi %add3A_416, %mul3A_415 : i32
        %get3A_418 = arith.constant 0 : i32
        %get3A_419 = arith.index_cast %get3A_418 : i32 to index
        %get3A_420 = arith.index_cast %add3A_417 : i32 to index
        %get3A_421 = arith.constant 0 : index
        %get3A_422 = tpu.vector_load %arg6[%get3A_419, %get3A_420, %get3A_421] {strides = array<i32>} : memref<4x128x64xf32, #tpu.memory_space<vmem>>, vector<16xf32>,
        %mul3A_423 = arith.constant 8.000000e+00 : f32
        %mul3A_424 = vector.broadcast %mul3A_423 : f32 to vector<16xf32>
        %mul3A_425 = arith.mulf %get3A_422, %mul3A_424 : vector<16xf32>
        %swap3A_426 = arith.constant 0 : i32
        %swap3A_427 = arith.index_cast %swap3A_426 : i32 to index
        %swap3A_428 = arith.index_cast %add3A_417 : i32 to index
        %swap3A_429 = arith.constant 0 : index
        %swap3A_430 = tpu.vector_load %arg6[%swap3A_427, %swap3A_428, %swap3A_429] {strides = array<i32>} : memref<4x128x64xf32, #tpu.memory_space<vmem>>, vector<16xf32>,
        tpu.vector_store %arg6[%swap3A_427, %swap3A_428, %swap3A_429], %mul3A_425 {strides = array<i32>} : memref<4x128x64xf32, #tpu.memory_space<vmem>>, vector<16xf32>,
        %get3A_431 = arith.constant 0 : i32
        %get3A_432 = arith.index_cast %get3A_431 : i32 to index
        %get3A_433 = arith.index_cast %add3A_417 : i32 to index
        %get3A_434 = arith.constant 16 : index
        %get3A_435 = tpu.vector_load %arg6[%get3A_432, %get3A_433, %get3A_434] {strides = array<i32>} : memref<4x128x64xf32, #tpu.memory_space<vmem>>, vector<16xf32>,
        %mul3A_436 = arith.constant 8.000000e+00 : f32
        %mul3A_437 = vector.broadcast %mul3A_436 : f32 to vector<16xf32>
        %mul3A_438 = arith.mulf %get3A_435, %mul3A_437 : vector<16xf32>
        %swap3A_439 = arith.constant 0 : i32
        %swap3A_440 = arith.index_cast %swap3A_439 : i32 to index
        %swap3A_441 = arith.index_cast %add3A_417 : i32 to index
        %swap3A_442 = arith.constant 16 : index
        %swap3A_443 = tpu.vector_load %arg6[%swap3A_440, %swap3A_441, %swap3A_442] {strides = array<i32>} : memref<4x128x64xf32, #tpu.memory_space<vmem>>, vector<16xf32>,
        tpu.vector_store %arg6[%swap3A_440, %swap3A_441, %swap3A_442], %mul3A_438 {strides = array<i32>} : memref<4x128x64xf32, #tpu.memory_space<vmem>>, vector<16xf32>,
        %get3A_444 = arith.constant 0 : i32
        %get3A_445 = arith.index_cast %get3A_444 : i32 to index
        %get3A_446 = arith.index_cast %add3A_417 : i32 to index
        %get3A_447 = arith.constant 32 : index
        %get3A_448 = tpu.vector_load %arg6[%get3A_445, %get3A_446, %get3A_447] {strides = array<i32>} : memref<4x128x64xf32, #tpu.memory_space<vmem>>, vector<16xf32>,
        %mul3A_449 = arith.constant 8.000000e+00 : f32
        %mul3A_450 = vector.broadcast %mul3A_449 : f32 to vector<16xf32>
        %mul3A_451 = arith.mulf %get3A_448, %mul3A_450 : vector<16xf32>
        %swap3A_452 = arith.constant 0 : i32
        %swap3A_453 = arith.index_cast %swap3A_452 : i32 to index
        %swap3A_454 = arith.index_cast %add3A_417 : i32 to index
        %swap3A_455 = arith.constant 32 : index
        %swap3A_456 = tpu.vector_load %arg6[%swap3A_453, %swap3A_454, %swap3A_455] {strides = array<i32>} : memref<4x128x64xf32, #tpu.memory_space<vmem>>, vector<16xf32>,
        tpu.vector_store %arg6[%swap3A_453, %swap3A_454, %swap3A_455], %mul3A_451 {strides = array<i32>} : memref<4x128x64xf32, #tpu.memory_space<vmem>>, vector<16xf32>,
        %get3A_457 = arith.constant 0 : i32
        %get3A_458 = arith.index_cast %get3A_457 : i32 to index
        %get3A_459 = arith.index_cast %add3A_417 : i32 to index
        %get3A_460 = arith.constant 48 : index
        %get3A_461 = tpu.vector_load %arg6[%get3A_458, %get3A_459, %get3A_460] {strides = array<i32>} : memref<4x128x64xf32, #tpu.memory_space<vmem>>, vector<16xf32>,
        %mul3A_462 = arith.constant 8.000000e+00 : f32
        %mul3A_463 = vector.broadcast %mul3A_462 : f32 to vector<16xf32>
        %mul3A_464 = arith.mulf %get3A_461, %mul3A_463 : vector<16xf32>
        %swap3A_465 = arith.constant 0 : i32
        %swap3A_466 = arith.index_cast %swap3A_465 : i32 to index
        %swap3A_467 = arith.index_cast %add3A_417 : i32 to index
        %swap3A_468 = arith.constant 48 : index
        %swap3A_469 = tpu.vector_load %arg6[%swap3A_466, %swap3A_467, %swap3A_468] {strides = array<i32>} : memref<4x128x64xf32, #tpu.memory_space<vmem>>, vector<16xf32>,
        tpu.vector_store %arg6[%swap3A_466, %swap3A_467, %swap3A_468], %mul3A_464 {strides = array<i32>} : memref<4x128x64xf32, #tpu.memory_space<vmem>>, vector<16xf32>,
        %scan3A_470 = arith.constant 3 : i32
        %scan3A_471 = arith.addi %scan3A_299, %scan3A_470 : i32
        %mul3A_472 = arith.constant 1 : i32
        %mul3A_473 = arith.muli %scan3A_471, %mul3A_472 : i32
        %add3A_474 = arith.constant 0 : i32
        %add3A_475 = arith.addi %add3A_474, %mul3A_473 : i32
        %get3A_476 = arith.constant 0 : i32
        %get3A_477 = arith.index_cast %get3A_476 : i32 to index
        %get3A_478 = arith.index_cast %add3A_475 : i32 to index
        %get3A_479 = arith.constant 0 : index
        %get3A_480 = tpu.vector_load %arg6[%get3A_477, %get3A_478, %get3A_479] {strides = array<i32>} : memref<4x128x64xf32, #tpu.memory_space<vmem>>, vector<16xf32>,
        %mul3A_481 = arith.constant 8.000000e+00 : f32
        %mul3A_482 = vector.broadcast %mul3A_481 : f32 to vector<16xf32>
        %mul3A_483 = arith.mulf %get3A_480, %mul3A_482 : vector<16xf32>
        %swap3A_484 = arith.constant 0 : i32
        %swap3A_485 = arith.index_cast %swap3A_484 : i32 to index
        %swap3A_486 = arith.index_cast %add3A_475 : i32 to index
        %swap3A_487 = arith.constant 0 : index
        %swap3A_488 = tpu.vector_load %arg6[%swap3A_485, %swap3A_486, %swap3A_487] {strides = array<i32>} : memref<4x128x64xf32, #tpu.memory_space<vmem>>, vector<16xf32>,
        tpu.vector_store %arg6[%swap3A_485, %swap3A_486, %swap3A_487], %mul3A_483 {strides = array<i32>} : memref<4x128x64xf32, #tpu.memory_space<vmem>>, vector<16xf32>,
        %get3A_489 = arith.constant 0 : i32
        %get3A_490 = arith.index_cast %get3A_489 : i32 to index
        %get3A_491 = arith.index_cast %add3A_475 : i32 to index
        %get3A_492 = arith.constant 16 : index
        %get3A_493 = tpu.vector_load %arg6[%get3A_490, %get3A_491, %get3A_492] {strides = array<i32>} : memref<4x128x64xf32, #tpu.memory_space<vmem>>, vector<16xf32>,
        %mul3A_494 = arith.constant 8.000000e+00 : f32
        %mul3A_495 = vector.broadcast %mul3A_494 : f32 to vector<16xf32>
        %mul3A_496 = arith.mulf %get3A_493, %mul3A_495 : vector<16xf32>
        %swap3A_497 = arith.constant 0 : i32
        %swap3A_498 = arith.index_cast %swap3A_497 : i32 to index
        %swap3A_499 = arith.index_cast %add3A_475 : i32 to index
        %swap3A_500 = arith.constant 16 : index
        %swap3A_501 = tpu.vector_load %arg6[%swap3A_498, %swap3A_499, %swap3A_500] {strides = array<i32>} : memref<4x128x64xf32, #tpu.memory_space<vmem>>, vector<16xf32>,
        tpu.vector_store %arg6[%swap3A_498, %swap3A_499, %swap3A_500], %mul3A_496 {strides = array<i32>} : memref<4x128x64xf32, #tpu.memory_space<vmem>>, vector<16xf32>,
        %get3A_502 = arith.constant 0 : i32
        %get3A_503 = arith.index_cast %get3A_502 : i32 to index
        %get3A_504 = arith.index_cast %add3A_475 : i32 to index
        %get3A_505 = arith.constant 32 : index
        %get3A_506 = tpu.vector_load %arg6[%get3A_503, %get3A_504, %get3A_505] {strides = array<i32>} : memref<4x128x64xf32, #tpu.memory_space<vmem>>, vector<16xf32>,
        %mul3A_507 = arith.constant 8.000000e+00 : f32
        %mul3A_508 = vector.broadcast %mul3A_507 : f32 to vector<16xf32>
        %mul3A_509 = arith.mulf %get3A_506, %mul3A_508 : vector<16xf32>
        %swap3A_510 = arith.constant 0 : i32
        %swap3A_511 = arith.index_cast %swap3A_510 : i32 to index
        %swap3A_512 = arith.index_cast %add3A_475 : i32 to index
        %swap3A_513 = arith.constant 32 : index
        %swap3A_514 = tpu.vector_load %arg6[%swap3A_511, %swap3A_512, %swap3A_513] {strides = array<i32>} : memref<4x128x64xf32, #tpu.memory_space<vmem>>, vector<16xf32>,
        tpu.vector_store %arg6[%swap3A_511, %swap3A_512, %swap3A_513], %mul3A_509 {strides = array<i32>} : memref<4x128x64xf32, #tpu.memory_space<vmem>>, vector<16xf32>,
        %get3A_515 = arith.constant 0 : i32
        %get3A_516 = arith.index_cast %get3A_515 : i32 to index
        %get3A_517 = arith.index_cast %add3A_475 : i32 to index
        %get3A_518 = arith.constant 48 : index
        %get3A_519 = tpu.vector_load %arg6[%get3A_516, %get3A_517, %get3A_518] {strides = array<i32>} : memref<4x128x64xf32, #tpu.memory_space<vmem>>, vector<16xf32>,
        %mul3A_520 = arith.constant 8.000000e+00 : f32
        %mul3A_521 = vector.broadcast %mul3A_520 : f32 to vector<16xf32>
        %mul3A_522 = arith.mulf %get3A_519, %mul3A_521 : vector<16xf32>
        %swap3A_523 = arith.constant 0 : i32
        %swap3A_524 = arith.index_cast %swap3A_523 : i32 to index
        %swap3A_525 = arith.index_cast %add3A_475 : i32 to index
        %swap3A_526 = arith.constant 48 : index
        %swap3A_527 = tpu.vector_load %arg6[%swap3A_524, %swap3A_525, %swap3A_526] {strides = array<i32>} : memref<4x128x64xf32, #tpu.memory_space<vmem>>, vector<16xf32>,
        tpu.vector_store %arg6[%swap3A_524, %swap3A_525, %swap3A_526], %mul3A_522 {strides = array<i32>} : memref<4x128x64xf32, #tpu.memory_space<vmem>>, vector<16xf32>,
        %scan3A_528 = arith.constant 4 : i32
        %scan3A_529 = arith.addi %scan3A_299, %scan3A_528 : i32
        %mul3A_530 = arith.constant 1 : i32
        %mul3A_531 = arith.muli %scan3A_529, %mul3A_530 : i32
        %add3A_532 = arith.constant 0 : i32
        %add3A_533 = arith.addi %add3A_532, %mul3A_531 : i32
        %get3A_534 = arith.constant 0 : i32
        %get3A_535 = arith.index_cast %get3A_534 : i32 to index
        %get3A_536 = arith.index_cast %add3A_533 : i32 to index
        %get3A_537 = arith.constant 0 : index
        %get3A_538 = tpu.vector_load %arg6[%get3A_535, %get3A_536, %get3A_537] {strides = array<i32>} : memref<4x128x64xf32, #tpu.memory_space<vmem>>, vector<16xf32>,
        %mul3A_539 = arith.constant 8.000000e+00 : f32
        %mul3A_540 = vector.broadcast %mul3A_539 : f32 to vector<16xf32>
        %mul3A_541 = arith.mulf %get3A_538, %mul3A_540 : vector<16xf32>
        %swap3A_542 = arith.constant 0 : i32
        %swap3A_543 = arith.index_cast %swap3A_542 : i32 to index
        %swap3A_544 = arith.index_cast %add3A_533 : i32 to index
        %swap3A_545 = arith.constant 0 : index
        %swap3A_546 = tpu.vector_load %arg6[%swap3A_543, %swap3A_544, %swap3A_545] {strides = array<i32>} : memref<4x128x64xf32, #tpu.memory_space<vmem>>, vector<16xf32>,
        tpu.vector_store %arg6[%swap3A_543, %swap3A_544, %swap3A_545], %mul3A_541 {strides = array<i32>} : memref<4x128x64xf32, #tpu.memory_space<vmem>>, vector<16xf32>,
        %get3A_547 = arith.constant 0 : i32
        %get3A_548 = arith.index_cast %get3A_547 : i32 to index
        %get3A_549 = arith.index_cast %add3A_533 : i32 to index
        %get3A_550 = arith.constant 16 : index
        %get3A_551 = tpu.vector_load %arg6[%get3A_548, %get3A_549, %get3A_550] {strides = array<i32>} : memref<4x128x64xf32, #tpu.memory_space<vmem>>, vector<16xf32>,
        %mul3A_552 = arith.constant 8.000000e+00 : f32
        %mul3A_553 = vector.broadcast %mul3A_552 : f32 to vector<16xf32>
        %mul3A_554 = arith.mulf %get3A_551, %mul3A_553 : vector<16xf32>
        %swap3A_555 = arith.constant 0 : i32
        %swap3A_556 = arith.index_cast %swap3A_555 : i32 to index
        %swap3A_557 = arith.index_cast %add3A_533 : i32 to index
        %swap3A_558 = arith.constant 16 : index
        %swap3A_559 = tpu.vector_load %arg6[%swap3A_556, %swap3A_557, %swap3A_558] {strides = array<i32>} : memref<4x128x64xf32, #tpu.memory_space<vmem>>, vector<16xf32>,
        tpu.vector_store %arg6[%swap3A_556, %swap3A_557, %swap3A_558], %mul3A_554 {strides = array<i32>} : memref<4x128x64xf32, #tpu.memory_space<vmem>>, vector<16xf32>,
        %get3A_560 = arith.constant 0 : i32
        %get3A_561 = arith.index_cast %get3A_560 : i32 to index
        %get3A_562 = arith.index_cast %add3A_533 : i32 to index
        %get3A_563 = arith.constant 32 : index
        %get3A_564 = tpu.vector_load %arg6[%get3A_561, %get3A_562, %get3A_563] {strides = array<i32>} : memref<4x128x64xf32, #tpu.memory_space<vmem>>, vector<16xf32>,
        %mul3A_565 = arith.constant 8.000000e+00 : f32
        %mul3A_566 = vector.broadcast %mul3A_565 : f32 to vector<16xf32>
        %mul3A_567 = arith.mulf %get3A_564, %mul3A_566 : vector<16xf32>
        %swap3A_568 = arith.constant 0 : i32
        %swap3A_569 = arith.index_cast %swap3A_568 : i32 to index
        %swap3A_570 = arith.index_cast %add3A_533 : i32 to index
        %swap3A_571 = arith.constant 32 : index
        %swap3A_572 = tpu.vector_load %arg6[%swap3A_569, %swap3A_570, %swap3A_571] {strides = array<i32>} : memref<4x128x64xf32, #tpu.memory_space<vmem>>, vector<16xf32>,
        tpu.vector_store %arg6[%swap3A_569, %swap3A_570, %swap3A_571], %mul3A_567 {strides = array<i32>} : memref<4x128x64xf32, #tpu.memory_space<vmem>>, vector<16xf32>,
        %get3A_573 = arith.constant 0 : i32
        %get3A_574 = arith.index_cast %get3A_573 : i32 to index
        %get3A_575 = arith.index_cast %add3A_533 : i32 to index
        %get3A_576 = arith.constant 48 : index
        %get3A_577 = tpu.vector_load %arg6[%get3A_574, %get3A_575, %get3A_576] {strides = array<i32>} : memref<4x128x64xf32, #tpu.memory_space<vmem>>, vector<16xf32>,
        %mul3A_578 = arith.constant 8.000000e+00 : f32
        %mul3A_579 = vector.broadcast %mul3A_578 : f32 to vector<16xf32>
        %mul3A_580 = arith.mulf %get3A_577, %mul3A_579 : vector<16xf32>
        %swap3A_581 = arith.constant 0 : i32
        %swap3A_582 = arith.index_cast %swap3A_581 : i32 to index
        %swap3A_583 = arith.index_cast %add3A_533 : i32 to index
        %swap3A_584 = arith.constant 48 : index
        %swap3A_585 = tpu.vector_load %arg6[%swap3A_582, %swap3A_583, %swap3A_584] {strides = array<i32>} : memref<4x128x64xf32, #tpu.memory_space<vmem>>, vector<16xf32>,
        tpu.vector_store %arg6[%swap3A_582, %swap3A_583, %swap3A_584], %mul3A_580 {strides = array<i32>} : memref<4x128x64xf32, #tpu.memory_space<vmem>>, vector<16xf32>,
        %scan3A_586 = arith.constant 5 : i32
        %scan3A_587 = arith.addi %scan3A_299, %scan3A_586 : i32
        %mul3A_588 = arith.constant 1 : i32
        %mul3A_589 = arith.muli %scan3A_587, %mul3A_588 : i32
        %add3A_590 = arith.constant 0 : i32
        %add3A_591 = arith.addi %add3A_590, %mul3A_589 : i32
        %get3A_592 = arith.constant 0 : i32
        %get3A_593 = arith.index_cast %get3A_592 : i32 to index
        %get3A_594 = arith.index_cast %add3A_591 : i32 to index
        %get3A_595 = arith.constant 0 : index
        %get3A_596 = tpu.vector_load %arg6[%get3A_593, %get3A_594, %get3A_595] {strides = array<i32>} : memref<4x128x64xf32, #tpu.memory_space<vmem>>, vector<16xf32>,
        %mul3A_597 = arith.constant 8.000000e+00 : f32
        %mul3A_598 = vector.broadcast %mul3A_597 : f32 to vector<16xf32>
        %mul3A_599 = arith.mulf %get3A_596, %mul3A_598 : vector<16xf32>
        %swap3A_600 = arith.constant 0 : i32
        %swap3A_601 = arith.index_cast %swap3A_600 : i32 to index
        %swap3A_602 = arith.index_cast %add3A_591 : i32 to index
        %swap3A_603 = arith.constant 0 : index
        %swap3A_604 = tpu.vector_load %arg6[%swap3A_601, %swap3A_602, %swap3A_603] {strides = array<i32>} : memref<4x128x64xf32, #tpu.memory_space<vmem>>, vector<16xf32>,
        tpu.vector_store %arg6[%swap3A_601, %swap3A_602, %swap3A_603], %mul3A_599 {strides = array<i32>} : memref<4x128x64xf32, #tpu.memory_space<vmem>>, vector<16xf32>,
        %get3A_605 = arith.constant 0 : i32
        %get3A_606 = arith.index_cast %get3A_605 : i32 to index
        %get3A_607 = arith.index_cast %add3A_591 : i32 to index
        %get3A_608 = arith.constant 16 : index
        %get3A_609 = tpu.vector_load %arg6[%get3A_606, %get3A_607, %get3A_608] {strides = array<i32>} : memref<4x128x64xf32, #tpu.memory_space<vmem>>, vector<16xf32>,
        %mul3A_610 = arith.constant 8.000000e+00 : f32
        %mul3A_611 = vector.broadcast %mul3A_610 : f32 to vector<16xf32>
        %mul3A_612 = arith.mulf %get3A_609, %mul3A_611 : vector<16xf32>
        %swap3A_613 = arith.constant 0 : i32
        %swap3A_614 = arith.index_cast %swap3A_613 : i32 to index
        %swap3A_615 = arith.index_cast %add3A_591 : i32 to index
        %swap3A_616 = arith.constant 16 : index
        %swap3A_617 = tpu.vector_load %arg6[%swap3A_614, %swap3A_615, %swap3A_616] {strides = array<i32>} : memref<4x128x64xf32, #tpu.memory_space<vmem>>, vector<16xf32>,
        tpu.vector_store %arg6[%swap3A_614, %swap3A_615, %swap3A_616], %mul3A_612 {strides = array<i32>} : memref<4x128x64xf32, #tpu.memory_space<vmem>>, vector<16xf32>,
        %get3A_618 = arith.constant 0 : i32
        %get3A_619 = arith.index_cast %get3A_618 : i32 to index
        %get3A_620 = arith.index_cast %add3A_591 : i32 to index
        %get3A_621 = arith.constant 32 : index
        %get3A_622 = tpu.vector_load %arg6[%get3A_619, %get3A_620, %get3A_621] {strides = array<i32>} : memref<4x128x64xf32, #tpu.memory_space<vmem>>, vector<16xf32>,
        %mul3A_623 = arith.constant 8.000000e+00 : f32
        %mul3A_624 = vector.broadcast %mul3A_623 : f32 to vector<16xf32>
        %mul3A_625 = arith.mulf %get3A_622, %mul3A_624 : vector<16xf32>
        %swap3A_626 = arith.constant 0 : i32
        %swap3A_627 = arith.index_cast %swap3A_626 : i32 to index
        %swap3A_628 = arith.index_cast %add3A_591 : i32 to index
        %swap3A_629 = arith.constant 32 : index
        %swap3A_630 = tpu.vector_load %arg6[%swap3A_627, %swap3A_628, %swap3A_629] {strides = array<i32>} : memref<4x128x64xf32, #tpu.memory_space<vmem>>, vector<16xf32>,
        tpu.vector_store %arg6[%swap3A_627, %swap3A_628, %swap3A_629], %mul3A_625 {strides = array<i32>} : memref<4x128x64xf32, #tpu.memory_space<vmem>>, vector<16xf32>,
        %get3A_631 = arith.constant 0 : i32
        %get3A_632 = arith.index_cast %get3A_631 : i32 to index
        %get3A_633 = arith.index_cast %add3A_591 : i32 to index
        %get3A_634 = arith.constant 48 : index
        %get3A_635 = tpu.vector_load %arg6[%get3A_632, %get3A_633, %get3A_634] {strides = array<i32>} : memref<4x128x64xf32, #tpu.memory_space<vmem>>, vector<16xf32>,
        %mul3A_636 = arith.constant 8.000000e+00 : f32
        %mul3A_637 = vector.broadcast %mul3A_636 : f32 to vector<16xf32>
        %mul3A_638 = arith.mulf %get3A_635, %mul3A_637 : vector<16xf32>
        %swap3A_639 = arith.constant 0 : i32
        %swap3A_640 = arith.index_cast %swap3A_639 : i32 to index
        %swap3A_641 = arith.index_cast %add3A_591 : i32 to index
        %swap3A_642 = arith.constant 48 : index
        %swap3A_643 = tpu.vector_load %arg6[%swap3A_640, %swap3A_641, %swap3A_642] {strides = array<i32>} : memref<4x128x64xf32, #tpu.memory_space<vmem>>, vector<16xf32>,
        tpu.vector_store %arg6[%swap3A_640, %swap3A_641, %swap3A_642], %mul3A_638 {strides = array<i32>} : memref<4x128x64xf32, #tpu.memory_space<vmem>>, vector<16xf32>,
        %scan3A_644 = arith.constant 6 : i32
        %scan3A_645 = arith.addi %scan3A_299, %scan3A_644 : i32
        %mul3A_646 = arith.constant 1 : i32
        %mul3A_647 = arith.muli %scan3A_645, %mul3A_646 : i32
        %add3A_648 = arith.constant 0 : i32
        %add3A_649 = arith.addi %add3A_648, %mul3A_647 : i32
        %get3A_650 = arith.constant 0 : i32
        %get3A_651 = arith.index_cast %get3A_650 : i32 to index
        %get3A_652 = arith.index_cast %add3A_649 : i32 to index
        %get3A_653 = arith.constant 0 : index
        %get3A_654 = tpu.vector_load %arg6[%get3A_651, %get3A_652, %get3A_653] {strides = array<i32>} : memref<4x128x64xf32, #tpu.memory_space<vmem>>, vector<16xf32>,
        %mul3A_655 = arith.constant 8.000000e+00 : f32
        %mul3A_656 = vector.broadcast %mul3A_655 : f32 to vector<16xf32>
        %mul3A_657 = arith.mulf %get3A_654, %mul3A_656 : vector<16xf32>
        %swap3A_658 = arith.constant 0 : i32
        %swap3A_659 = arith.index_cast %swap3A_658 : i32 to index
        %swap3A_660 = arith.index_cast %add3A_649 : i32 to index
        %swap3A_661 = arith.constant 0 : index
        %swap3A_662 = tpu.vector_load %arg6[%swap3A_659, %swap3A_660, %swap3A_661] {strides = array<i32>} : memref<4x128x64xf32, #tpu.memory_space<vmem>>, vector<16xf32>,
        tpu.vector_store %arg6[%swap3A_659, %swap3A_660, %swap3A_661], %mul3A_657 {strides = array<i32>} : memref<4x128x64xf32, #tpu.memory_space<vmem>>, vector<16xf32>,
        %get3A_663 = arith.constant 0 : i32
        %get3A_664 = arith.index_cast %get3A_663 : i32 to index
        %get3A_665 = arith.index_cast %add3A_649 : i32 to index
        %get3A_666 = arith.constant 16 : index
        %get3A_667 = tpu.vector_load %arg6[%get3A_664, %get3A_665, %get3A_666] {strides = array<i32>} : memref<4x128x64xf32, #tpu.memory_space<vmem>>, vector<16xf32>,
        %mul3A_668 = arith.constant 8.000000e+00 : f32
        %mul3A_669 = vector.broadcast %mul3A_668 : f32 to vector<16xf32>
        %mul3A_670 = arith.mulf %get3A_667, %mul3A_669 : vector<16xf32>
        %swap3A_671 = arith.constant 0 : i32
        %swap3A_672 = arith.index_cast %swap3A_671 : i32 to index
        %swap3A_673 = arith.index_cast %add3A_649 : i32 to index
        %swap3A_674 = arith.constant 16 : index
        %swap3A_675 = tpu.vector_load %arg6[%swap3A_672, %swap3A_673, %swap3A_674] {strides = array<i32>} : memref<4x128x64xf32, #tpu.memory_space<vmem>>, vector<16xf32>,
        tpu.vector_store %arg6[%swap3A_672, %swap3A_673, %swap3A_674], %mul3A_670 {strides = array<i32>} : memref<4x128x64xf32, #tpu.memory_space<vmem>>, vector<16xf32>,
        %get3A_676 = arith.constant 0 : i32
        %get3A_677 = arith.index_cast %get3A_676 : i32 to index
        %get3A_678 = arith.index_cast %add3A_649 : i32 to index
        %get3A_679 = arith.constant 32 : index
        %get3A_680 = tpu.vector_load %arg6[%get3A_677, %get3A_678, %get3A_679] {strides = array<i32>} : memref<4x128x64xf32, #tpu.memory_space<vmem>>, vector<16xf32>,
        %mul3A_681 = arith.constant 8.000000e+00 : f32
        %mul3A_682 = vector.broadcast %mul3A_681 : f32 to vector<16xf32>
        %mul3A_683 = arith.mulf %get3A_680, %mul3A_682 : vector<16xf32>
        %swap3A_684 = arith.constant 0 : i32
        %swap3A_685 = arith.index_cast %swap3A_684 : i32 to index
        %swap3A_686 = arith.index_cast %add3A_649 : i32 to index
        %swap3A_687 = arith.constant 32 : index
        %swap3A_688 = tpu.vector_load %arg6[%swap3A_685, %swap3A_686, %swap3A_687] {strides = array<i32>} : memref<4x128x64xf32, #tpu.memory_space<vmem>>, vector<16xf32>,
        tpu.vector_store %arg6[%swap3A_685, %swap3A_686, %swap3A_687], %mul3A_683 {strides = array<i32>} : memref<4x128x64xf32, #tpu.memory_space<vmem>>, vector<16xf32>,
        %get3A_689 = arith.constant 0 : i32
        %get3A_690 = arith.index_cast %get3A_689 : i32 to index
        %get3A_691 = arith.index_cast %add3A_649 : i32 to index
        %get3A_692 = arith.constant 48 : index
        %get3A_693 = tpu.vector_load %arg6[%get3A_690, %get3A_691, %get3A_692] {strides = array<i32>} : memref<4x128x64xf32, #tpu.memory_space<vmem>>, vector<16xf32>,
        %mul3A_694 = arith.constant 8.000000e+00 : f32
        %mul3A_695 = vector.broadcast %mul3A_694 : f32 to vector<16xf32>
        %mul3A_696 = arith.mulf %get3A_693, %mul3A_695 : vector<16xf32>
        %swap3A_697 = arith.constant 0 : i32
        %swap3A_698 = arith.index_cast %swap3A_697 : i32 to index
        %swap3A_699 = arith.index_cast %add3A_649 : i32 to index
        %swap3A_700 = arith.constant 48 : index
        %swap3A_701 = tpu.vector_load %arg6[%swap3A_698, %swap3A_699, %swap3A_700] {strides = array<i32>} : memref<4x128x64xf32, #tpu.memory_space<vmem>>, vector<16xf32>,
        tpu.vector_store %arg6[%swap3A_698, %swap3A_699, %swap3A_700], %mul3A_696 {strides = array<i32>} : memref<4x128x64xf32, #tpu.memory_space<vmem>>, vector<16xf32>,
        %scan3A_702 = arith.constant 7 : i32
        %scan3A_703 = arith.addi %scan3A_299, %scan3A_702 : i32
        %mul3A_704 = arith.constant 1 : i32
        %mul3A_705 = arith.muli %scan3A_703, %mul3A_704 : i32
        %add3A_706 = arith.constant 0 : i32
        %add3A_707 = arith.addi %add3A_706, %mul3A_705 : i32
        %get3A_708 = arith.constant 0 : i32
        %get3A_709 = arith.index_cast %get3A_708 : i32 to index
        %get3A_710 = arith.index_cast %add3A_707 : i32 to index
        %get3A_711 = arith.constant 0 : index
        %get3A_712 = tpu.vector_load %arg6[%get3A_709, %get3A_710, %get3A_711] {strides = array<i32>} : memref<4x128x64xf32, #tpu.memory_space<vmem>>, vector<16xf32>,
        %mul3A_713 = arith.constant 8.000000e+00 : f32
        %mul3A_714 = vector.broadcast %mul3A_713 : f32 to vector<16xf32>
        %mul3A_715 = arith.mulf %get3A_712, %mul3A_714 : vector<16xf32>
        %swap3A_716 = arith.constant 0 : i32
        %swap3A_717 = arith.index_cast %swap3A_716 : i32 to index
        %swap3A_718 = arith.index_cast %add3A_707 : i32 to index
        %swap3A_719 = arith.constant 0 : index
        %swap3A_720 = tpu.vector_load %arg6[%swap3A_717, %swap3A_718, %swap3A_719] {strides = array<i32>} : memref<4x128x64xf32, #tpu.memory_space<vmem>>, vector<16xf32>,
        tpu.vector_store %arg6[%swap3A_717, %swap3A_718, %swap3A_719], %mul3A_715 {strides = array<i32>} : memref<4x128x64xf32, #tpu.memory_space<vmem>>, vector<16xf32>,
        %get3A_721 = arith.constant 0 : i32
        %get3A_722 = arith.index_cast %get3A_721 : i32 to index
        %get3A_723 = arith.index_cast %add3A_707 : i32 to index
        %get3A_724 = arith.constant 16 : index
        %get3A_725 = tpu.vector_load %arg6[%get3A_722, %get3A_723, %get3A_724] {strides = array<i32>} : memref<4x128x64xf32, #tpu.memory_space<vmem>>, vector<16xf32>,
        %mul3A_726 = arith.constant 8.000000e+00 : f32
        %mul3A_727 = vector.broadcast %mul3A_726 : f32 to vector<16xf32>
        %mul3A_728 = arith.mulf %get3A_725, %mul3A_727 : vector<16xf32>
        %swap3A_729 = arith.constant 0 : i32
        %swap3A_730 = arith.index_cast %swap3A_729 : i32 to index
        %swap3A_731 = arith.index_cast %add3A_707 : i32 to index
        %swap3A_732 = arith.constant 16 : index
        %swap3A_733 = tpu.vector_load %arg6[%swap3A_730, %swap3A_731, %swap3A_732] {strides = array<i32>} : memref<4x128x64xf32, #tpu.memory_space<vmem>>, vector<16xf32>,
        tpu.vector_store %arg6[%swap3A_730, %swap3A_731, %swap3A_732], %mul3A_728 {strides = array<i32>} : memref<4x128x64xf32, #tpu.memory_space<vmem>>, vector<16xf32>,
        %get3A_734 = arith.constant 0 : i32
        %get3A_735 = arith.index_cast %get3A_734 : i32 to index
        %get3A_736 = arith.index_cast %add3A_707 : i32 to index
        %get3A_737 = arith.constant 32 : index
        %get3A_738 = tpu.vector_load %arg6[%get3A_735, %get3A_736, %get3A_737] {strides = array<i32>} : memref<4x128x64xf32, #tpu.memory_space<vmem>>, vector<16xf32>,
        %mul3A_739 = arith.constant 8.000000e+00 : f32
        %mul3A_740 = vector.broadcast %mul3A_739 : f32 to vector<16xf32>
        %mul3A_741 = arith.mulf %get3A_738, %mul3A_740 : vector<16xf32>
        %swap3A_742 = arith.constant 0 : i32
        %swap3A_743 = arith.index_cast %swap3A_742 : i32 to index
        %swap3A_744 = arith.index_cast %add3A_707 : i32 to index
        %swap3A_745 = arith.constant 32 : index
        %swap3A_746 = tpu.vector_load %arg6[%swap3A_743, %swap3A_744, %swap3A_745] {strides = array<i32>} : memref<4x128x64xf32, #tpu.memory_space<vmem>>, vector<16xf32>,
        tpu.vector_store %arg6[%swap3A_743, %swap3A_744, %swap3A_745], %mul3A_741 {strides = array<i32>} : memref<4x128x64xf32, #tpu.memory_space<vmem>>, vector<16xf32>,
        %get3A_747 = arith.constant 0 : i32
        %get3A_748 = arith.index_cast %get3A_747 : i32 to index
        %get3A_749 = arith.index_cast %add3A_707 : i32 to index
        %get3A_750 = arith.constant 48 : index
        %get3A_751 = tpu.vector_load %arg6[%get3A_748, %get3A_749, %get3A_750] {strides = array<i32>} : memref<4x128x64xf32, #tpu.memory_space<vmem>>, vector<16xf32>,
        %mul3A_752 = arith.constant 8.000000e+00 : f32
        %mul3A_753 = vector.broadcast %mul3A_752 : f32 to vector<16xf32>
        %mul3A_754 = arith.mulf %get3A_751, %mul3A_753 : vector<16xf32>
        %swap3A_755 = arith.constant 0 : i32
        %swap3A_756 = arith.index_cast %swap3A_755 : i32 to index
        %swap3A_757 = arith.index_cast %add3A_707 : i32 to index
        %swap3A_758 = arith.constant 48 : index
        %swap3A_759 = tpu.vector_load %arg6[%swap3A_756, %swap3A_757, %swap3A_758] {strides = array<i32>} : memref<4x128x64xf32, #tpu.memory_space<vmem>>, vector<16xf32>,
        tpu.vector_store %arg6[%swap3A_756, %swap3A_757, %swap3A_758], %mul3A_754 {strides = array<i32>} : memref<4x128x64xf32, #tpu.memory_space<vmem>>, vector<16xf32>,
      }
      %scan3A_138 = arith.constant 128 : i32
      %mul3A_139 = arith.constant 128 : i32
      %mul3A_140 = arith.muli %add3A_115, %mul3A_139 : i32
      %add3A_141 = arith.addi %mul3A_2, %mul3A_140 : i32
      %dma_start3A_142 = arith.constant 0 : i32
      %dma_start3A_143 = arith.constant 0 : i32
      %dma_start3A_144 = arith.constant 0 : i32
      %dma_start3A_145 = arith.constant 0 : i32
      %dma_start3A_146 = tpu.memref_slice %arg6[%dma_start3A_142, %dma_start3A_144, %dma_start3A_145] : memref<4x128x64xf32, #tpu.memory_space<vmem>> -> memref<1x128x64xf32, #tpu.memory_space<vmem>>
      %dma_start3A_147 = tpu.memref_squeeze %dma_start3A_146 : memref<1x128x64xf32, #tpu.memory_space<vmem>> -> memref<128x64xf32, #tpu.memory_space<vmem>>
      %dma_start3A_148 = arith.constant 0 : i32
      %dma_start3A_149 = tpu.memref_slice %arg4[%add3A_141, %dma_start3A_148] : memref<819200x64xf32, #tpu.memory_space<hbm>> -> memref<128x64xf32, #tpu.memory_space<hbm>>
      %dma_start3A_150 = tpu.memref_slice %arg8[%dma_start3A_143] : memref<4x!tpu.dma_semaphore, #tpu.memory_space<semaphore_mem>> -> memref<1x!tpu.dma_semaphore, #tpu.memory_space<semaphore_mem>>
      %dma_start3A_151 = tpu.memref_squeeze %dma_start3A_150 : memref<1x!tpu.dma_semaphore, #tpu.memory_space<semaphore_mem>> -> memref<!tpu.dma_semaphore, #tpu.memory_space<semaphore_mem>>
      %dma_start3A_152 = arith.constant 0 : i32
      %dma_start3A_153 = tpu.memref_slice %arg4[%add3A_141, %dma_start3A_152] : memref<819200x64xf32, #tpu.memory_space<hbm>> -> memref<128x64xf32, #tpu.memory_space<hbm>>
      %dma_start3A_154 = arith.constant 0 : i32
      %dma_start3A_155 = arith.constant 0 : i32
      %dma_start3A_156 = tpu.memref_slice %arg6[%dma_start3A_142, %dma_start3A_154, %dma_start3A_155] : memref<4x128x64xf32, #tpu.memory_space<vmem>> -> memref<1x128x64xf32, #tpu.memory_space<vmem>>
      %dma_start3A_157 = tpu.memref_squeeze %dma_start3A_156 : memref<1x128x64xf32, #tpu.memory_space<vmem>> -> memref<128x64xf32, #tpu.memory_space<vmem>>
      tpu.enqueue_dma source(%dma_start3A_157 : memref<128x64xf32, #tpu.memory_space<vmem>>) target(%dma_start3A_153 : memref<128x64xf32, #tpu.memory_space<hbm>>) target_semaphore(%dma_start3A_151 : memref<!tpu.dma_semaphore, #tpu.memory_space<semaphore_mem>>)
      %add3A_158 = arith.constant 1 : i32
      %add3A_159 = arith.addi %add3A_113, %add3A_158 : i32
      %add3A_160 = arith.constant 2 : i32
      %add3A_161 = arith.addi %add3A_159, %add3A_160 : i32
      %lt3A_162 = arith.constant 200 : i32
      %lt3A_163 = arith.cmpi slt, %add3A_161, %lt3A_162 : i32
      %convert_element_type3A_164 = arith.extui %lt3A_163 : i1 to i32
      %cond3A_165 = arith.constant 0 : i32
      %cond3A_166 = arith.cmpi ne, %convert_element_type3A_164, %cond3A_165 : i32
      scf.if %cond3A_166 {
        %ge3A = arith.constant 4 : i32
        %ge3A_299 = arith.cmpi sge, %add3A_161, %ge3A : i32
        %convert_element_type3A_300 = arith.extui %ge3A_299 : i1 to i32
        %cond3A_301 = arith.constant 0 : i32
        %cond3A_302 = arith.cmpi ne, %convert_element_type3A_300, %cond3A_301 : i32
        scf.if %cond3A_302 {
          %sub3A = arith.constant 4 : i32
          %sub3A_317 = arith.subi %add3A_161, %sub3A : i32
          %mul3A_318 = arith.constant 128 : i32
          %mul3A_319 = arith.muli %sub3A_317, %mul3A_318 : i32
          %add3A_320 = arith.addi %mul3A_2, %mul3A_319 : i32
          %dma_wait3A_321 = arith.constant 3 : i32
          %dma_wait3A_322 = arith.constant 3 : i32
          %dma_wait3A_323 = arith.constant 0 : i32
          %dma_wait3A_324 = arith.constant 0 : i32
          %dma_wait3A_325 = tpu.memref_slice %arg6[%dma_wait3A_321, %dma_wait3A_323, %dma_wait3A_324] : memref<4x128x64xf32, #tpu.memory_space<vmem>> -> memref<1x128x64xf32, #tpu.memory_space<vmem>>
          %dma_wait3A_326 = tpu.memref_squeeze %dma_wait3A_325 : memref<1x128x64xf32, #tpu.memory_space<vmem>> -> memref<128x64xf32, #tpu.memory_space<vmem>>
          %dma_wait3A_327 = arith.constant 0 : i32
          %dma_wait3A_328 = tpu.memref_slice %arg4[%add3A_320, %dma_wait3A_327] : memref<819200x64xf32, #tpu.memory_space<hbm>> -> memref<128x64xf32, #tpu.memory_space<hbm>>
          %dma_wait3A_329 = tpu.memref_slice %arg8[%dma_wait3A_322] : memref<4x!tpu.dma_semaphore, #tpu.memory_space<semaphore_mem>> -> memref<1x!tpu.dma_semaphore, #tpu.memory_space<semaphore_mem>>
          %dma_wait3A_330 = tpu.memref_squeeze %dma_wait3A_329 : memref<1x!tpu.dma_semaphore, #tpu.memory_space<semaphore_mem>> -> memref<!tpu.dma_semaphore, #tpu.memory_space<semaphore_mem>>
          %dma_wait3A_331 = arith.constant 0 : i32
          %dma_wait3A_332 = tpu.memref_slice %arg4[%add3A_320, %dma_wait3A_331] : memref<819200x64xf32, #tpu.memory_space<hbm>> -> memref<128x64xf32, #tpu.memory_space<hbm>>
          %dma_wait3A_333 = arith.constant 0 : i32
          %dma_wait3A_334 = arith.constant 0 : i32
          %dma_wait3A_335 = tpu.memref_slice %arg6[%dma_wait3A_321, %dma_wait3A_333, %dma_wait3A_334] : memref<4x128x64xf32, #tpu.memory_space<vmem>> -> memref<1x128x64xf32, #tpu.memory_space<vmem>>
          %dma_wait3A_336 = tpu.memref_squeeze %dma_wait3A_335 : memref<1x128x64xf32, #tpu.memory_space<vmem>> -> memref<128x64xf32, #tpu.memory_space<vmem>>
          tpu.wait_dma2 semaphore(%dma_wait3A_330 : memref<!tpu.dma_semaphore, #tpu.memory_space<semaphore_mem>>) src(%dma_wait3A_336 : memref<128x64xf32, #tpu.memory_space<vmem>>) dst(%dma_wait3A_332 : memref<128x64xf32, #tpu.memory_space<hbm>>)
        } else {
        }
        %dma_start3A_303 = arith.constant 3 : i32
        %dma_start3A_304 = arith.constant 3 : i32
        %dma_start3A_305 = arith.constant 0 : i32
        %dma_start3A_306 = arith.constant 0 : i32
        %dma_start3A_307 = tpu.memref_slice %arg6[%dma_start3A_303, %dma_start3A_305, %dma_start3A_306] : memref<4x128x64xf32, #tpu.memory_space<vmem>> -> memref<1x128x64xf32, #tpu.memory_space<vmem>>
        %dma_start3A_308 = tpu.memref_squeeze %dma_start3A_307 : memref<1x128x64xf32, #tpu.memory_space<vmem>> -> memref<128x64xf32, #tpu.memory_space<vmem>>
        %dma_start3A_309 = arith.constant 0 : i32
        %dma_start3A_310 = tpu.memref_slice %arg5[%add3A_161, %dma_start3A_309] : memref<200x128xi32, #tpu.memory_space<vmem>> -> memref<1x128xi32, #tpu.memory_space<vmem>>
        %dma_start3A_311 = tpu.memref_squeeze %dma_start3A_310 : memref<1x128xi32, #tpu.memory_space<vmem>> -> memref<128xi32, #tpu.memory_space<vmem>>
        %dma_start3A_312 = arith.constant 0 : i32
        %dma_start3A_313 = arith.constant 0 : i32
        %dma_start3A_314 = tpu.memref_slice %arg3[%dma_start3A_312, %dma_start3A_313] : memref<1000000x64xf32, #tpu.memory_space<hbm>> -> memref<1000000x64xf32, #tpu.memory_space<hbm>>
        %dma_start3A_315 = tpu.memref_slice %arg7[%dma_start3A_304] : memref<4x!tpu.dma_semaphore, #tpu.memory_space<semaphore_mem>> -> memref<1x!tpu.dma_semaphore, #tpu.memory_space<semaphore_mem>>
        %dma_start3A_316 = tpu.memref_squeeze %dma_start3A_315 : memref<1x!tpu.dma_semaphore, #tpu.memory_space<semaphore_mem>> -> memref<!tpu.dma_semaphore, #tpu.memory_space<semaphore_mem>>
        tpu.enqueue_indirect_dma source(%dma_start3A_314 : memref<1000000x64xf32, #tpu.memory_space<hbm>>) target(%dma_start3A_308 : memref<128x64xf32, #tpu.memory_space<vmem>>) offsets(%dma_start3A_311 : memref<128xi32, #tpu.memory_space<vmem>>) semaphore(%dma_start3A_316 : memref<!tpu.dma_semaphore, #tpu.memory_space<semaphore_mem>>)
      } else {
      }
      %dma_wait3A_167 = arith.constant 1 : i32
      %dma_wait3A_168 = arith.constant 1 : i32
      %dma_wait3A_169 = arith.constant 0 : i32
      %dma_wait3A_170 = arith.constant 0 : i32
      %dma_wait3A_171 = tpu.memref_slice %arg6[%dma_wait3A_167, %dma_wait3A_169, %dma_wait3A_170] : memref<4x128x64xf32, #tpu.memory_space<vmem>> -> memref<1x128x64xf32, #tpu.memory_space<vmem>>
      %dma_wait3A_172 = tpu.memref_squeeze %dma_wait3A_171 : memref<1x128x64xf32, #tpu.memory_space<vmem>> -> memref<128x64xf32, #tpu.memory_space<vmem>>
      %dma_wait3A_173 = arith.constant 0 : i32
      %dma_wait3A_174 = tpu.memref_slice %arg5[%add3A_159, %dma_wait3A_173] : memref<200x128xi32, #tpu.memory_space<vmem>> -> memref<1x128xi32, #tpu.memory_space<vmem>>
      %dma_wait3A_175 = tpu.memref_squeeze %dma_wait3A_174 : memref<1x128xi32, #tpu.memory_space<vmem>> -> memref<128xi32, #tpu.memory_space<vmem>>
      %dma_wait3A_176 = arith.constant 0 : i32
      %dma_wait3A_177 = arith.constant 0 : i32
      %dma_wait3A_178 = tpu.memref_slice %arg3[%dma_wait3A_176, %dma_wait3A_177] : memref<1000000x64xf32, #tpu.memory_space<hbm>> -> memref<1000000x64xf32, #tpu.memory_space<hbm>>
      %dma_wait3A_179 = tpu.memref_slice %arg7[%dma_wait3A_168] : memref<4x!tpu.dma_semaphore, #tpu.memory_space<semaphore_mem>> -> memref<1x!tpu.dma_semaphore, #tpu.memory_space<semaphore_mem>>
      %dma_wait3A_180 = tpu.memref_squeeze %dma_wait3A_179 : memref<1x!tpu.dma_semaphore, #tpu.memory_space<semaphore_mem>> -> memref<!tpu.dma_semaphore, #tpu.memory_space<semaphore_mem>>
      tpu.wait_indirect_dma semaphore(%dma_wait3A_180 : memref<!tpu.dma_semaphore, #tpu.memory_space<semaphore_mem>>) src(%dma_wait3A_178 : memref<1000000x64xf32, #tpu.memory_space<hbm>>) dst(%dma_wait3A_172 : memref<128x64xf32, #tpu.memory_space<vmem>>)
      %scan3A_181 = arith.constant 0 : i32
      %scan3A_182 = arith.constant 128 : i32
      %scan3A_183 = arith.addi %scan3A_181, %scan3A_182 : i32
      %scan3A_184 = arith.constant 8 : i32
      scf.for %scan3A_299 = %scan3A_181 to %scan3A_183 step %scan3A_184  : i32 {
        %mul3A_300 = arith.constant 1 : i32
        %mul3A_301 = arith.muli %scan3A_299, %mul3A_300 : i32
        %add3A_302 = arith.constant 0 : i32
        %add3A_303 = arith.addi %add3A_302, %mul3A_301 : i32
        %get3A = arith.constant 1 : i32
        %get3A_304 = arith.index_cast %get3A : i32 to index
        %get3A_305 = arith.index_cast %add3A_303 : i32 to index
        %get3A_306 = arith.constant 0 : index
        %get3A_307 = tpu.vector_load %arg6[%get3A_304, %get3A_305, %get3A_306] {strides = array<i32>} : memref<4x128x64xf32, #tpu.memory_space<vmem>>, vector<16xf32>,
        %mul3A_308 = arith.constant 8.000000e+00 : f32
        %mul3A_309 = vector.broadcast %mul3A_308 : f32 to vector<16xf32>
        %mul3A_310 = arith.mulf %get3A_307, %mul3A_309 : vector<16xf32>
        %swap3A = arith.constant 1 : i32
        %swap3A_311 = arith.index_cast %swap3A : i32 to index
        %swap3A_312 = arith.index_cast %add3A_303 : i32 to index
        %swap3A_313 = arith.constant 0 : index
        %swap3A_314 = tpu.vector_load %arg6[%swap3A_311, %swap3A_312, %swap3A_313] {strides = array<i32>} : memref<4x128x64xf32, #tpu.memory_space<vmem>>, vector<16xf32>,
        tpu.vector_store %arg6[%swap3A_311, %swap3A_312, %swap3A_313], %mul3A_310 {strides = array<i32>} : memref<4x128x64xf32, #tpu.memory_space<vmem>>, vector<16xf32>,
        %get3A_315 = arith.constant 1 : i32
        %get3A_316 = arith.index_cast %get3A_315 : i32 to index
        %get3A_317 = arith.index_cast %add3A_303 : i32 to index
        %get3A_318 = arith.constant 16 : index
        %get3A_319 = tpu.vector_load %arg6[%get3A_316, %get3A_317, %get3A_318] {strides = array<i32>} : memref<4x128x64xf32, #tpu.memory_space<vmem>>, vector<16xf32>,
        %mul3A_320 = arith.constant 8.000000e+00 : f32
        %mul3A_321 = vector.broadcast %mul3A_320 : f32 to vector<16xf32>
        %mul3A_322 = arith.mulf %get3A_319, %mul3A_321 : vector<16xf32>
        %swap3A_323 = arith.constant 1 : i32
        %swap3A_324 = arith.index_cast %swap3A_323 : i32 to index
        %swap3A_325 = arith.index_cast %add3A_303 : i32 to index
        %swap3A_326 = arith.constant 16 : index
        %swap3A_327 = tpu.vector_load %arg6[%swap3A_324, %swap3A_325, %swap3A_326] {strides = array<i32>} : memref<4x128x64xf32, #tpu.memory_space<vmem>>, vector<16xf32>,
        tpu.vector_store %arg6[%swap3A_324, %swap3A_325, %swap3A_326], %mul3A_322 {strides = array<i32>} : memref<4x128x64xf32, #tpu.memory_space<vmem>>, vector<16xf32>,
        %get3A_328 = arith.constant 1 : i32
        %get3A_329 = arith.index_cast %get3A_328 : i32 to index
        %get3A_330 = arith.index_cast %add3A_303 : i32 to index
        %get3A_331 = arith.constant 32 : index
        %get3A_332 = tpu.vector_load %arg6[%get3A_329, %get3A_330, %get3A_331] {strides = array<i32>} : memref<4x128x64xf32, #tpu.memory_space<vmem>>, vector<16xf32>,
        %mul3A_333 = arith.constant 8.000000e+00 : f32
        %mul3A_334 = vector.broadcast %mul3A_333 : f32 to vector<16xf32>
        %mul3A_335 = arith.mulf %get3A_332, %mul3A_334 : vector<16xf32>
        %swap3A_336 = arith.constant 1 : i32
        %swap3A_337 = arith.index_cast %swap3A_336 : i32 to index
        %swap3A_338 = arith.index_cast %add3A_303 : i32 to index
        %swap3A_339 = arith.constant 32 : index
        %swap3A_340 = tpu.vector_load %arg6[%swap3A_337, %swap3A_338, %swap3A_339] {strides = array<i32>} : memref<4x128x64xf32, #tpu.memory_space<vmem>>, vector<16xf32>,
        tpu.vector_store %arg6[%swap3A_337, %swap3A_338, %swap3A_339], %mul3A_335 {strides = array<i32>} : memref<4x128x64xf32, #tpu.memory_space<vmem>>, vector<16xf32>,
        %get3A_341 = arith.constant 1 : i32
        %get3A_342 = arith.index_cast %get3A_341 : i32 to index
        %get3A_343 = arith.index_cast %add3A_303 : i32 to index
        %get3A_344 = arith.constant 48 : index
        %get3A_345 = tpu.vector_load %arg6[%get3A_342, %get3A_343, %get3A_344] {strides = array<i32>} : memref<4x128x64xf32, #tpu.memory_space<vmem>>, vector<16xf32>,
        %mul3A_346 = arith.constant 8.000000e+00 : f32
        %mul3A_347 = vector.broadcast %mul3A_346 : f32 to vector<16xf32>
        %mul3A_348 = arith.mulf %get3A_345, %mul3A_347 : vector<16xf32>
        %swap3A_349 = arith.constant 1 : i32
        %swap3A_350 = arith.index_cast %swap3A_349 : i32 to index
        %swap3A_351 = arith.index_cast %add3A_303 : i32 to index
        %swap3A_352 = arith.constant 48 : index
        %swap3A_353 = tpu.vector_load %arg6[%swap3A_350, %swap3A_351, %swap3A_352] {strides = array<i32>} : memref<4x128x64xf32, #tpu.memory_space<vmem>>, vector<16xf32>,
        tpu.vector_store %arg6[%swap3A_350, %swap3A_351, %swap3A_352], %mul3A_348 {strides = array<i32>} : memref<4x128x64xf32, #tpu.memory_space<vmem>>, vector<16xf32>,
        %scan3A_354 = arith.constant 1 : i32
        %scan3A_355 = arith.addi %scan3A_299, %scan3A_354 : i32
        %mul3A_356 = arith.constant 1 : i32
        %mul3A_357 = arith.muli %scan3A_355, %mul3A_356 : i32
        %add3A_358 = arith.constant 0 : i32
        %add3A_359 = arith.addi %add3A_358, %mul3A_357 : i32
        %get3A_360 = arith.constant 1 : i32
        %get3A_361 = arith.index_cast %get3A_360 : i32 to index
        %get3A_362 = arith.index_cast %add3A_359 : i32 to index
        %get3A_363 = arith.constant 0 : index
        %get3A_364 = tpu.vector_load %arg6[%get3A_361, %get3A_362, %get3A_363] {strides = array<i32>} : memref<4x128x64xf32, #tpu.memory_space<vmem>>, vector<16xf32>,
        %mul3A_365 = arith.constant 8.000000e+00 : f32
        %mul3A_366 = vector.broadcast %mul3A_365 : f32 to vector<16xf32>
        %mul3A_367 = arith.mulf %get3A_364, %mul3A_366 : vector<16xf32>
        %swap3A_368 = arith.constant 1 : i32
        %swap3A_369 = arith.index_cast %swap3A_368 : i32 to index
        %swap3A_370 = arith.index_cast %add3A_359 : i32 to index
        %swap3A_371 = arith.constant 0 : index
        %swap3A_372 = tpu.vector_load %arg6[%swap3A_369, %swap3A_370, %swap3A_371] {strides = array<i32>} : memref<4x128x64xf32, #tpu.memory_space<vmem>>, vector<16xf32>,
        tpu.vector_store %arg6[%swap3A_369, %swap3A_370, %swap3A_371], %mul3A_367 {strides = array<i32>} : memref<4x128x64xf32, #tpu.memory_space<vmem>>, vector<16xf32>,
        %get3A_373 = arith.constant 1 : i32
        %get3A_374 = arith.index_cast %get3A_373 : i32 to index
        %get3A_375 = arith.index_cast %add3A_359 : i32 to index
        %get3A_376 = arith.constant 16 : index
        %get3A_377 = tpu.vector_load %arg6[%get3A_374, %get3A_375, %get3A_376] {strides = array<i32>} : memref<4x128x64xf32, #tpu.memory_space<vmem>>, vector<16xf32>,
        %mul3A_378 = arith.constant 8.000000e+00 : f32
        %mul3A_379 = vector.broadcast %mul3A_378 : f32 to vector<16xf32>
        %mul3A_380 = arith.mulf %get3A_377, %mul3A_379 : vector<16xf32>
        %swap3A_381 = arith.constant 1 : i32
        %swap3A_382 = arith.index_cast %swap3A_381 : i32 to index
        %swap3A_383 = arith.index_cast %add3A_359 : i32 to index
        %swap3A_384 = arith.constant 16 : index
        %swap3A_385 = tpu.vector_load %arg6[%swap3A_382, %swap3A_383, %swap3A_384] {strides = array<i32>} : memref<4x128x64xf32, #tpu.memory_space<vmem>>, vector<16xf32>,
        tpu.vector_store %arg6[%swap3A_382, %swap3A_383, %swap3A_384], %mul3A_380 {strides = array<i32>} : memref<4x128x64xf32, #tpu.memory_space<vmem>>, vector<16xf32>,
        %get3A_386 = arith.constant 1 : i32
        %get3A_387 = arith.index_cast %get3A_386 : i32 to index
        %get3A_388 = arith.index_cast %add3A_359 : i32 to index
        %get3A_389 = arith.constant 32 : index
        %get3A_390 = tpu.vector_load %arg6[%get3A_387, %get3A_388, %get3A_389] {strides = array<i32>} : memref<4x128x64xf32, #tpu.memory_space<vmem>>, vector<16xf32>,
        %mul3A_391 = arith.constant 8.000000e+00 : f32
        %mul3A_392 = vector.broadcast %mul3A_391 : f32 to vector<16xf32>
        %mul3A_393 = arith.mulf %get3A_390, %mul3A_392 : vector<16xf32>
        %swap3A_394 = arith.constant 1 : i32
        %swap3A_395 = arith.index_cast %swap3A_394 : i32 to index
        %swap3A_396 = arith.index_cast %add3A_359 : i32 to index
        %swap3A_397 = arith.constant 32 : index
        %swap3A_398 = tpu.vector_load %arg6[%swap3A_395, %swap3A_396, %swap3A_397] {strides = array<i32>} : memref<4x128x64xf32, #tpu.memory_space<vmem>>, vector<16xf32>,
        tpu.vector_store %arg6[%swap3A_395, %swap3A_396, %swap3A_397], %mul3A_393 {strides = array<i32>} : memref<4x128x64xf32, #tpu.memory_space<vmem>>, vector<16xf32>,
        %get3A_399 = arith.constant 1 : i32
        %get3A_400 = arith.index_cast %get3A_399 : i32 to index
        %get3A_401 = arith.index_cast %add3A_359 : i32 to index
        %get3A_402 = arith.constant 48 : index
        %get3A_403 = tpu.vector_load %arg6[%get3A_400, %get3A_401, %get3A_402] {strides = array<i32>} : memref<4x128x64xf32, #tpu.memory_space<vmem>>, vector<16xf32>,
        %mul3A_404 = arith.constant 8.000000e+00 : f32
        %mul3A_405 = vector.broadcast %mul3A_404 : f32 to vector<16xf32>
        %mul3A_406 = arith.mulf %get3A_403, %mul3A_405 : vector<16xf32>
        %swap3A_407 = arith.constant 1 : i32
        %swap3A_408 = arith.index_cast %swap3A_407 : i32 to index
        %swap3A_409 = arith.index_cast %add3A_359 : i32 to index
        %swap3A_410 = arith.constant 48 : index
        %swap3A_411 = tpu.vector_load %arg6[%swap3A_408, %swap3A_409, %swap3A_410] {strides = array<i32>} : memref<4x128x64xf32, #tpu.memory_space<vmem>>, vector<16xf32>,
        tpu.vector_store %arg6[%swap3A_408, %swap3A_409, %swap3A_410], %mul3A_406 {strides = array<i32>} : memref<4x128x64xf32, #tpu.memory_space<vmem>>, vector<16xf32>,
        %scan3A_412 = arith.constant 2 : i32
        %scan3A_413 = arith.addi %scan3A_299, %scan3A_412 : i32
        %mul3A_414 = arith.constant 1 : i32
        %mul3A_415 = arith.muli %scan3A_413, %mul3A_414 : i32
        %add3A_416 = arith.constant 0 : i32
        %add3A_417 = arith.addi %add3A_416, %mul3A_415 : i32
        %get3A_418 = arith.constant 1 : i32
        %get3A_419 = arith.index_cast %get3A_418 : i32 to index
        %get3A_420 = arith.index_cast %add3A_417 : i32 to index
        %get3A_421 = arith.constant 0 : index
        %get3A_422 = tpu.vector_load %arg6[%get3A_419, %get3A_420, %get3A_421] {strides = array<i32>} : memref<4x128x64xf32, #tpu.memory_space<vmem>>, vector<16xf32>,
        %mul3A_423 = arith.constant 8.000000e+00 : f32
        %mul3A_424 = vector.broadcast %mul3A_423 : f32 to vector<16xf32>
        %mul3A_425 = arith.mulf %get3A_422, %mul3A_424 : vector<16xf32>
        %swap3A_426 = arith.constant 1 : i32
        %swap3A_427 = arith.index_cast %swap3A_426 : i32 to index
        %swap3A_428 = arith.index_cast %add3A_417 : i32 to index
        %swap3A_429 = arith.constant 0 : index
        %swap3A_430 = tpu.vector_load %arg6[%swap3A_427, %swap3A_428, %swap3A_429] {strides = array<i32>} : memref<4x128x64xf32, #tpu.memory_space<vmem>>, vector<16xf32>,
        tpu.vector_store %arg6[%swap3A_427, %swap3A_428, %swap3A_429], %mul3A_425 {strides = array<i32>} : memref<4x128x64xf32, #tpu.memory_space<vmem>>, vector<16xf32>,
        %get3A_431 = arith.constant 1 : i32
        %get3A_432 = arith.index_cast %get3A_431 : i32 to index
        %get3A_433 = arith.index_cast %add3A_417 : i32 to index
        %get3A_434 = arith.constant 16 : index
        %get3A_435 = tpu.vector_load %arg6[%get3A_432, %get3A_433, %get3A_434] {strides = array<i32>} : memref<4x128x64xf32, #tpu.memory_space<vmem>>, vector<16xf32>,
        %mul3A_436 = arith.constant 8.000000e+00 : f32
        %mul3A_437 = vector.broadcast %mul3A_436 : f32 to vector<16xf32>
        %mul3A_438 = arith.mulf %get3A_435, %mul3A_437 : vector<16xf32>
        %swap3A_439 = arith.constant 1 : i32
        %swap3A_440 = arith.index_cast %swap3A_439 : i32 to index
        %swap3A_441 = arith.index_cast %add3A_417 : i32 to index
        %swap3A_442 = arith.constant 16 : index
        %swap3A_443 = tpu.vector_load %arg6[%swap3A_440, %swap3A_441, %swap3A_442] {strides = array<i32>} : memref<4x128x64xf32, #tpu.memory_space<vmem>>, vector<16xf32>,
        tpu.vector_store %arg6[%swap3A_440, %swap3A_441, %swap3A_442], %mul3A_438 {strides = array<i32>} : memref<4x128x64xf32, #tpu.memory_space<vmem>>, vector<16xf32>,
        %get3A_444 = arith.constant 1 : i32
        %get3A_445 = arith.index_cast %get3A_444 : i32 to index
        %get3A_446 = arith.index_cast %add3A_417 : i32 to index
        %get3A_447 = arith.constant 32 : index
        %get3A_448 = tpu.vector_load %arg6[%get3A_445, %get3A_446, %get3A_447] {strides = array<i32>} : memref<4x128x64xf32, #tpu.memory_space<vmem>>, vector<16xf32>,
        %mul3A_449 = arith.constant 8.000000e+00 : f32
        %mul3A_450 = vector.broadcast %mul3A_449 : f32 to vector<16xf32>
        %mul3A_451 = arith.mulf %get3A_448, %mul3A_450 : vector<16xf32>
        %swap3A_452 = arith.constant 1 : i32
        %swap3A_453 = arith.index_cast %swap3A_452 : i32 to index
        %swap3A_454 = arith.index_cast %add3A_417 : i32 to index
        %swap3A_455 = arith.constant 32 : index
        %swap3A_456 = tpu.vector_load %arg6[%swap3A_453, %swap3A_454, %swap3A_455] {strides = array<i32>} : memref<4x128x64xf32, #tpu.memory_space<vmem>>, vector<16xf32>,
        tpu.vector_store %arg6[%swap3A_453, %swap3A_454, %swap3A_455], %mul3A_451 {strides = array<i32>} : memref<4x128x64xf32, #tpu.memory_space<vmem>>, vector<16xf32>,
        %get3A_457 = arith.constant 1 : i32
        %get3A_458 = arith.index_cast %get3A_457 : i32 to index
        %get3A_459 = arith.index_cast %add3A_417 : i32 to index
        %get3A_460 = arith.constant 48 : index
        %get3A_461 = tpu.vector_load %arg6[%get3A_458, %get3A_459, %get3A_460] {strides = array<i32>} : memref<4x128x64xf32, #tpu.memory_space<vmem>>, vector<16xf32>,
        %mul3A_462 = arith.constant 8.000000e+00 : f32
        %mul3A_463 = vector.broadcast %mul3A_462 : f32 to vector<16xf32>
        %mul3A_464 = arith.mulf %get3A_461, %mul3A_463 : vector<16xf32>
        %swap3A_465 = arith.constant 1 : i32
        %swap3A_466 = arith.index_cast %swap3A_465 : i32 to index
        %swap3A_467 = arith.index_cast %add3A_417 : i32 to index
        %swap3A_468 = arith.constant 48 : index
        %swap3A_469 = tpu.vector_load %arg6[%swap3A_466, %swap3A_467, %swap3A_468] {strides = array<i32>} : memref<4x128x64xf32, #tpu.memory_space<vmem>>, vector<16xf32>,
        tpu.vector_store %arg6[%swap3A_466, %swap3A_467, %swap3A_468], %mul3A_464 {strides = array<i32>} : memref<4x128x64xf32, #tpu.memory_space<vmem>>, vector<16xf32>,
        %scan3A_470 = arith.constant 3 : i32
        %scan3A_471 = arith.addi %scan3A_299, %scan3A_470 : i32
        %mul3A_472 = arith.constant 1 : i32
        %mul3A_473 = arith.muli %scan3A_471, %mul3A_472 : i32
        %add3A_474 = arith.constant 0 : i32
        %add3A_475 = arith.addi %add3A_474, %mul3A_473 : i32
        %get3A_476 = arith.constant 1 : i32
        %get3A_477 = arith.index_cast %get3A_476 : i32 to index
        %get3A_478 = arith.index_cast %add3A_475 : i32 to index
        %get3A_479 = arith.constant 0 : index
        %get3A_480 = tpu.vector_load %arg6[%get3A_477, %get3A_478, %get3A_479] {strides = array<i32>} : memref<4x128x64xf32, #tpu.memory_space<vmem>>, vector<16xf32>,
        %mul3A_481 = arith.constant 8.000000e+00 : f32
        %mul3A_482 = vector.broadcast %mul3A_481 : f32 to vector<16xf32>
        %mul3A_483 = arith.mulf %get3A_480, %mul3A_482 : vector<16xf32>
        %swap3A_484 = arith.constant 1 : i32
        %swap3A_485 = arith.index_cast %swap3A_484 : i32 to index
        %swap3A_486 = arith.index_cast %add3A_475 : i32 to index
        %swap3A_487 = arith.constant 0 : index
        %swap3A_488 = tpu.vector_load %arg6[%swap3A_485, %swap3A_486, %swap3A_487] {strides = array<i32>} : memref<4x128x64xf32, #tpu.memory_space<vmem>>, vector<16xf32>,
        tpu.vector_store %arg6[%swap3A_485, %swap3A_486, %swap3A_487], %mul3A_483 {strides = array<i32>} : memref<4x128x64xf32, #tpu.memory_space<vmem>>, vector<16xf32>,
        %get3A_489 = arith.constant 1 : i32
        %get3A_490 = arith.index_cast %get3A_489 : i32 to index
        %get3A_491 = arith.index_cast %add3A_475 : i32 to index
        %get3A_492 = arith.constant 16 : index
        %get3A_493 = tpu.vector_load %arg6[%get3A_490, %get3A_491, %get3A_492] {strides = array<i32>} : memref<4x128x64xf32, #tpu.memory_space<vmem>>, vector<16xf32>,
        %mul3A_494 = arith.constant 8.000000e+00 : f32
        %mul3A_495 = vector.broadcast %mul3A_494 : f32 to vector<16xf32>
        %mul3A_496 = arith.mulf %get3A_493, %mul3A_495 : vector<16xf32>
        %swap3A_497 = arith.constant 1 : i32
        %swap3A_498 = arith.index_cast %swap3A_497 : i32 to index
        %swap3A_499 = arith.index_cast %add3A_475 : i32 to index
        %swap3A_500 = arith.constant 16 : index
        %swap3A_501 = tpu.vector_load %arg6[%swap3A_498, %swap3A_499, %swap3A_500] {strides = array<i32>} : memref<4x128x64xf32, #tpu.memory_space<vmem>>, vector<16xf32>,
        tpu.vector_store %arg6[%swap3A_498, %swap3A_499, %swap3A_500], %mul3A_496 {strides = array<i32>} : memref<4x128x64xf32, #tpu.memory_space<vmem>>, vector<16xf32>,
        %get3A_502 = arith.constant 1 : i32
        %get3A_503 = arith.index_cast %get3A_502 : i32 to index
        %get3A_504 = arith.index_cast %add3A_475 : i32 to index
        %get3A_505 = arith.constant 32 : index
        %get3A_506 = tpu.vector_load %arg6[%get3A_503, %get3A_504, %get3A_505] {strides = array<i32>} : memref<4x128x64xf32, #tpu.memory_space<vmem>>, vector<16xf32>,
        %mul3A_507 = arith.constant 8.000000e+00 : f32
        %mul3A_508 = vector.broadcast %mul3A_507 : f32 to vector<16xf32>
        %mul3A_509 = arith.mulf %get3A_506, %mul3A_508 : vector<16xf32>
        %swap3A_510 = arith.constant 1 : i32
        %swap3A_511 = arith.index_cast %swap3A_510 : i32 to index
        %swap3A_512 = arith.index_cast %add3A_475 : i32 to index
        %swap3A_513 = arith.constant 32 : index
        %swap3A_514 = tpu.vector_load %arg6[%swap3A_511, %swap3A_512, %swap3A_513] {strides = array<i32>} : memref<4x128x64xf32, #tpu.memory_space<vmem>>, vector<16xf32>,
        tpu.vector_store %arg6[%swap3A_511, %swap3A_512, %swap3A_513], %mul3A_509 {strides = array<i32>} : memref<4x128x64xf32, #tpu.memory_space<vmem>>, vector<16xf32>,
        %get3A_515 = arith.constant 1 : i32
        %get3A_516 = arith.index_cast %get3A_515 : i32 to index
        %get3A_517 = arith.index_cast %add3A_475 : i32 to index
        %get3A_518 = arith.constant 48 : index
        %get3A_519 = tpu.vector_load %arg6[%get3A_516, %get3A_517, %get3A_518] {strides = array<i32>} : memref<4x128x64xf32, #tpu.memory_space<vmem>>, vector<16xf32>,
        %mul3A_520 = arith.constant 8.000000e+00 : f32
        %mul3A_521 = vector.broadcast %mul3A_520 : f32 to vector<16xf32>
        %mul3A_522 = arith.mulf %get3A_519, %mul3A_521 : vector<16xf32>
        %swap3A_523 = arith.constant 1 : i32
        %swap3A_524 = arith.index_cast %swap3A_523 : i32 to index
        %swap3A_525 = arith.index_cast %add3A_475 : i32 to index
        %swap3A_526 = arith.constant 48 : index
        %swap3A_527 = tpu.vector_load %arg6[%swap3A_524, %swap3A_525, %swap3A_526] {strides = array<i32>} : memref<4x128x64xf32, #tpu.memory_space<vmem>>, vector<16xf32>,
        tpu.vector_store %arg6[%swap3A_524, %swap3A_525, %swap3A_526], %mul3A_522 {strides = array<i32>} : memref<4x128x64xf32, #tpu.memory_space<vmem>>, vector<16xf32>,
        %scan3A_528 = arith.constant 4 : i32
        %scan3A_529 = arith.addi %scan3A_299, %scan3A_528 : i32
        %mul3A_530 = arith.constant 1 : i32
        %mul3A_531 = arith.muli %scan3A_529, %mul3A_530 : i32
        %add3A_532 = arith.constant 0 : i32
        %add3A_533 = arith.addi %add3A_532, %mul3A_531 : i32
        %get3A_534 = arith.constant 1 : i32
        %get3A_535 = arith.index_cast %get3A_534 : i32 to index
        %get3A_536 = arith.index_cast %add3A_533 : i32 to index
        %get3A_537 = arith.constant 0 : index
        %get3A_538 = tpu.vector_load %arg6[%get3A_535, %get3A_536, %get3A_537] {strides = array<i32>} : memref<4x128x64xf32, #tpu.memory_space<vmem>>, vector<16xf32>,
        %mul3A_539 = arith.constant 8.000000e+00 : f32
        %mul3A_540 = vector.broadcast %mul3A_539 : f32 to vector<16xf32>
        %mul3A_541 = arith.mulf %get3A_538, %mul3A_540 : vector<16xf32>
        %swap3A_542 = arith.constant 1 : i32
        %swap3A_543 = arith.index_cast %swap3A_542 : i32 to index
        %swap3A_544 = arith.index_cast %add3A_533 : i32 to index
        %swap3A_545 = arith.constant 0 : index
        %swap3A_546 = tpu.vector_load %arg6[%swap3A_543, %swap3A_544, %swap3A_545] {strides = array<i32>} : memref<4x128x64xf32, #tpu.memory_space<vmem>>, vector<16xf32>,
        tpu.vector_store %arg6[%swap3A_543, %swap3A_544, %swap3A_545], %mul3A_541 {strides = array<i32>} : memref<4x128x64xf32, #tpu.memory_space<vmem>>, vector<16xf32>,
        %get3A_547 = arith.constant 1 : i32
        %get3A_548 = arith.index_cast %get3A_547 : i32 to index
        %get3A_549 = arith.index_cast %add3A_533 : i32 to index
        %get3A_550 = arith.constant 16 : index
        %get3A_551 = tpu.vector_load %arg6[%get3A_548, %get3A_549, %get3A_550] {strides = array<i32>} : memref<4x128x64xf32, #tpu.memory_space<vmem>>, vector<16xf32>,
        %mul3A_552 = arith.constant 8.000000e+00 : f32
        %mul3A_553 = vector.broadcast %mul3A_552 : f32 to vector<16xf32>
        %mul3A_554 = arith.mulf %get3A_551, %mul3A_553 : vector<16xf32>
        %swap3A_555 = arith.constant 1 : i32
        %swap3A_556 = arith.index_cast %swap3A_555 : i32 to index
        %swap3A_557 = arith.index_cast %add3A_533 : i32 to index
        %swap3A_558 = arith.constant 16 : index
        %swap3A_559 = tpu.vector_load %arg6[%swap3A_556, %swap3A_557, %swap3A_558] {strides = array<i32>} : memref<4x128x64xf32, #tpu.memory_space<vmem>>, vector<16xf32>,
        tpu.vector_store %arg6[%swap3A_556, %swap3A_557, %swap3A_558], %mul3A_554 {strides = array<i32>} : memref<4x128x64xf32, #tpu.memory_space<vmem>>, vector<16xf32>,
        %get3A_560 = arith.constant 1 : i32
        %get3A_561 = arith.index_cast %get3A_560 : i32 to index
        %get3A_562 = arith.index_cast %add3A_533 : i32 to index
        %get3A_563 = arith.constant 32 : index
        %get3A_564 = tpu.vector_load %arg6[%get3A_561, %get3A_562, %get3A_563] {strides = array<i32>} : memref<4x128x64xf32, #tpu.memory_space<vmem>>, vector<16xf32>,
        %mul3A_565 = arith.constant 8.000000e+00 : f32
        %mul3A_566 = vector.broadcast %mul3A_565 : f32 to vector<16xf32>
        %mul3A_567 = arith.mulf %get3A_564, %mul3A_566 : vector<16xf32>
        %swap3A_568 = arith.constant 1 : i32
        %swap3A_569 = arith.index_cast %swap3A_568 : i32 to index
        %swap3A_570 = arith.index_cast %add3A_533 : i32 to index
        %swap3A_571 = arith.constant 32 : index
        %swap3A_572 = tpu.vector_load %arg6[%swap3A_569, %swap3A_570, %swap3A_571] {strides = array<i32>} : memref<4x128x64xf32, #tpu.memory_space<vmem>>, vector<16xf32>,
        tpu.vector_store %arg6[%swap3A_569, %swap3A_570, %swap3A_571], %mul3A_567 {strides = array<i32>} : memref<4x128x64xf32, #tpu.memory_space<vmem>>, vector<16xf32>,
        %get3A_573 = arith.constant 1 : i32
        %get3A_574 = arith.index_cast %get3A_573 : i32 to index
        %get3A_575 = arith.index_cast %add3A_533 : i32 to index
        %get3A_576 = arith.constant 48 : index
        %get3A_577 = tpu.vector_load %arg6[%get3A_574, %get3A_575, %get3A_576] {strides = array<i32>} : memref<4x128x64xf32, #tpu.memory_space<vmem>>, vector<16xf32>,
        %mul3A_578 = arith.constant 8.000000e+00 : f32
        %mul3A_579 = vector.broadcast %mul3A_578 : f32 to vector<16xf32>
        %mul3A_580 = arith.mulf %get3A_577, %mul3A_579 : vector<16xf32>
        %swap3A_581 = arith.constant 1 : i32
        %swap3A_582 = arith.index_cast %swap3A_581 : i32 to index
        %swap3A_583 = arith.index_cast %add3A_533 : i32 to index
        %swap3A_584 = arith.constant 48 : index
        %swap3A_585 = tpu.vector_load %arg6[%swap3A_582, %swap3A_583, %swap3A_584] {strides = array<i32>} : memref<4x128x64xf32, #tpu.memory_space<vmem>>, vector<16xf32>,
        tpu.vector_store %arg6[%swap3A_582, %swap3A_583, %swap3A_584], %mul3A_580 {strides = array<i32>} : memref<4x128x64xf32, #tpu.memory_space<vmem>>, vector<16xf32>,
        %scan3A_586 = arith.constant 5 : i32
        %scan3A_587 = arith.addi %scan3A_299, %scan3A_586 : i32
        %mul3A_588 = arith.constant 1 : i32
        %mul3A_589 = arith.muli %scan3A_587, %mul3A_588 : i32
        %add3A_590 = arith.constant 0 : i32
        %add3A_591 = arith.addi %add3A_590, %mul3A_589 : i32
        %get3A_592 = arith.constant 1 : i32
        %get3A_593 = arith.index_cast %get3A_592 : i32 to index
        %get3A_594 = arith.index_cast %add3A_591 : i32 to index
        %get3A_595 = arith.constant 0 : index
        %get3A_596 = tpu.vector_load %arg6[%get3A_593, %get3A_594, %get3A_595] {strides = array<i32>} : memref<4x128x64xf32, #tpu.memory_space<vmem>>, vector<16xf32>,
        %mul3A_597 = arith.constant 8.000000e+00 : f32
        %mul3A_598 = vector.broadcast %mul3A_597 : f32 to vector<16xf32>
        %mul3A_599 = arith.mulf %get3A_596, %mul3A_598 : vector<16xf32>
        %swap3A_600 = arith.constant 1 : i32
        %swap3A_601 = arith.index_cast %swap3A_600 : i32 to index
        %swap3A_602 = arith.index_cast %add3A_591 : i32 to index
        %swap3A_603 = arith.constant 0 : index
        %swap3A_604 = tpu.vector_load %arg6[%swap3A_601, %swap3A_602, %swap3A_603] {strides = array<i32>} : memref<4x128x64xf32, #tpu.memory_space<vmem>>, vector<16xf32>,
        tpu.vector_store %arg6[%swap3A_601, %swap3A_602, %swap3A_603], %mul3A_599 {strides = array<i32>} : memref<4x128x64xf32, #tpu.memory_space<vmem>>, vector<16xf32>,
        %get3A_605 = arith.constant 1 : i32
        %get3A_606 = arith.index_cast %get3A_605 : i32 to index
        %get3A_607 = arith.index_cast %add3A_591 : i32 to index
        %get3A_608 = arith.constant 16 : index
        %get3A_609 = tpu.vector_load %arg6[%get3A_606, %get3A_607, %get3A_608] {strides = array<i32>} : memref<4x128x64xf32, #tpu.memory_space<vmem>>, vector<16xf32>,
        %mul3A_610 = arith.constant 8.000000e+00 : f32
        %mul3A_611 = vector.broadcast %mul3A_610 : f32 to vector<16xf32>
        %mul3A_612 = arith.mulf %get3A_609, %mul3A_611 : vector<16xf32>
        %swap3A_613 = arith.constant 1 : i32
        %swap3A_614 = arith.index_cast %swap3A_613 : i32 to index
        %swap3A_615 = arith.index_cast %add3A_591 : i32 to index
        %swap3A_616 = arith.constant 16 : index
        %swap3A_617 = tpu.vector_load %arg6[%swap3A_614, %swap3A_615, %swap3A_616] {strides = array<i32>} : memref<4x128x64xf32, #tpu.memory_space<vmem>>, vector<16xf32>,
        tpu.vector_store %arg6[%swap3A_614, %swap3A_615, %swap3A_616], %mul3A_612 {strides = array<i32>} : memref<4x128x64xf32, #tpu.memory_space<vmem>>, vector<16xf32>,
        %get3A_618 = arith.constant 1 : i32
        %get3A_619 = arith.index_cast %get3A_618 : i32 to index
        %get3A_620 = arith.index_cast %add3A_591 : i32 to index
        %get3A_621 = arith.constant 32 : index
        %get3A_622 = tpu.vector_load %arg6[%get3A_619, %get3A_620, %get3A_621] {strides = array<i32>} : memref<4x128x64xf32, #tpu.memory_space<vmem>>, vector<16xf32>,
        %mul3A_623 = arith.constant 8.000000e+00 : f32
        %mul3A_624 = vector.broadcast %mul3A_623 : f32 to vector<16xf32>
        %mul3A_625 = arith.mulf %get3A_622, %mul3A_624 : vector<16xf32>
        %swap3A_626 = arith.constant 1 : i32
        %swap3A_627 = arith.index_cast %swap3A_626 : i32 to index
        %swap3A_628 = arith.index_cast %add3A_591 : i32 to index
        %swap3A_629 = arith.constant 32 : index
        %swap3A_630 = tpu.vector_load %arg6[%swap3A_627, %swap3A_628, %swap3A_629] {strides = array<i32>} : memref<4x128x64xf32, #tpu.memory_space<vmem>>, vector<16xf32>,
        tpu.vector_store %arg6[%swap3A_627, %swap3A_628, %swap3A_629], %mul3A_625 {strides = array<i32>} : memref<4x128x64xf32, #tpu.memory_space<vmem>>, vector<16xf32>,
        %get3A_631 = arith.constant 1 : i32
        %get3A_632 = arith.index_cast %get3A_631 : i32 to index
        %get3A_633 = arith.index_cast %add3A_591 : i32 to index
        %get3A_634 = arith.constant 48 : index
        %get3A_635 = tpu.vector_load %arg6[%get3A_632, %get3A_633, %get3A_634] {strides = array<i32>} : memref<4x128x64xf32, #tpu.memory_space<vmem>>, vector<16xf32>,
        %mul3A_636 = arith.constant 8.000000e+00 : f32
        %mul3A_637 = vector.broadcast %mul3A_636 : f32 to vector<16xf32>
        %mul3A_638 = arith.mulf %get3A_635, %mul3A_637 : vector<16xf32>
        %swap3A_639 = arith.constant 1 : i32
        %swap3A_640 = arith.index_cast %swap3A_639 : i32 to index
        %swap3A_641 = arith.index_cast %add3A_591 : i32 to index
        %swap3A_642 = arith.constant 48 : index
        %swap3A_643 = tpu.vector_load %arg6[%swap3A_640, %swap3A_641, %swap3A_642] {strides = array<i32>} : memref<4x128x64xf32, #tpu.memory_space<vmem>>, vector<16xf32>,
        tpu.vector_store %arg6[%swap3A_640, %swap3A_641, %swap3A_642], %mul3A_638 {strides = array<i32>} : memref<4x128x64xf32, #tpu.memory_space<vmem>>, vector<16xf32>,
        %scan3A_644 = arith.constant 6 : i32
        %scan3A_645 = arith.addi %scan3A_299, %scan3A_644 : i32
        %mul3A_646 = arith.constant 1 : i32
        %mul3A_647 = arith.muli %scan3A_645, %mul3A_646 : i32
        %add3A_648 = arith.constant 0 : i32
        %add3A_649 = arith.addi %add3A_648, %mul3A_647 : i32
        %get3A_650 = arith.constant 1 : i32
        %get3A_651 = arith.index_cast %get3A_650 : i32 to index
        %get3A_652 = arith.index_cast %add3A_649 : i32 to index
        %get3A_653 = arith.constant 0 : index
        %get3A_654 = tpu.vector_load %arg6[%get3A_651, %get3A_652, %get3A_653] {strides = array<i32>} : memref<4x128x64xf32, #tpu.memory_space<vmem>>, vector<16xf32>,
        %mul3A_655 = arith.constant 8.000000e+00 : f32
        %mul3A_656 = vector.broadcast %mul3A_655 : f32 to vector<16xf32>
        %mul3A_657 = arith.mulf %get3A_654, %mul3A_656 : vector<16xf32>
        %swap3A_658 = arith.constant 1 : i32
        %swap3A_659 = arith.index_cast %swap3A_658 : i32 to index
        %swap3A_660 = arith.index_cast %add3A_649 : i32 to index
        %swap3A_661 = arith.constant 0 : index
        %swap3A_662 = tpu.vector_load %arg6[%swap3A_659, %swap3A_660, %swap3A_661] {strides = array<i32>} : memref<4x128x64xf32, #tpu.memory_space<vmem>>, vector<16xf32>,
        tpu.vector_store %arg6[%swap3A_659, %swap3A_660, %swap3A_661], %mul3A_657 {strides = array<i32>} : memref<4x128x64xf32, #tpu.memory_space<vmem>>, vector<16xf32>,
        %get3A_663 = arith.constant 1 : i32
        %get3A_664 = arith.index_cast %get3A_663 : i32 to index
        %get3A_665 = arith.index_cast %add3A_649 : i32 to index
        %get3A_666 = arith.constant 16 : index
        %get3A_667 = tpu.vector_load %arg6[%get3A_664, %get3A_665, %get3A_666] {strides = array<i32>} : memref<4x128x64xf32, #tpu.memory_space<vmem>>, vector<16xf32>,
        %mul3A_668 = arith.constant 8.000000e+00 : f32
        %mul3A_669 = vector.broadcast %mul3A_668 : f32 to vector<16xf32>
        %mul3A_670 = arith.mulf %get3A_667, %mul3A_669 : vector<16xf32>
        %swap3A_671 = arith.constant 1 : i32
        %swap3A_672 = arith.index_cast %swap3A_671 : i32 to index
        %swap3A_673 = arith.index_cast %add3A_649 : i32 to index
        %swap3A_674 = arith.constant 16 : index
        %swap3A_675 = tpu.vector_load %arg6[%swap3A_672, %swap3A_673, %swap3A_674] {strides = array<i32>} : memref<4x128x64xf32, #tpu.memory_space<vmem>>, vector<16xf32>,
        tpu.vector_store %arg6[%swap3A_672, %swap3A_673, %swap3A_674], %mul3A_670 {strides = array<i32>} : memref<4x128x64xf32, #tpu.memory_space<vmem>>, vector<16xf32>,
        %get3A_676 = arith.constant 1 : i32
        %get3A_677 = arith.index_cast %get3A_676 : i32 to index
        %get3A_678 = arith.index_cast %add3A_649 : i32 to index
        %get3A_679 = arith.constant 32 : index
        %get3A_680 = tpu.vector_load %arg6[%get3A_677, %get3A_678, %get3A_679] {strides = array<i32>} : memref<4x128x64xf32, #tpu.memory_space<vmem>>, vector<16xf32>,
        %mul3A_681 = arith.constant 8.000000e+00 : f32
        %mul3A_682 = vector.broadcast %mul3A_681 : f32 to vector<16xf32>
        %mul3A_683 = arith.mulf %get3A_680, %mul3A_682 : vector<16xf32>
        %swap3A_684 = arith.constant 1 : i32
        %swap3A_685 = arith.index_cast %swap3A_684 : i32 to index
        %swap3A_686 = arith.index_cast %add3A_649 : i32 to index
        %swap3A_687 = arith.constant 32 : index
        %swap3A_688 = tpu.vector_load %arg6[%swap3A_685, %swap3A_686, %swap3A_687] {strides = array<i32>} : memref<4x128x64xf32, #tpu.memory_space<vmem>>, vector<16xf32>,
        tpu.vector_store %arg6[%swap3A_685, %swap3A_686, %swap3A_687], %mul3A_683 {strides = array<i32>} : memref<4x128x64xf32, #tpu.memory_space<vmem>>, vector<16xf32>,
        %get3A_689 = arith.constant 1 : i32
        %get3A_690 = arith.index_cast %get3A_689 : i32 to index
        %get3A_691 = arith.index_cast %add3A_649 : i32 to index
        %get3A_692 = arith.constant 48 : index
        %get3A_693 = tpu.vector_load %arg6[%get3A_690, %get3A_691, %get3A_692] {strides = array<i32>} : memref<4x128x64xf32, #tpu.memory_space<vmem>>, vector<16xf32>,
        %mul3A_694 = arith.constant 8.000000e+00 : f32
        %mul3A_695 = vector.broadcast %mul3A_694 : f32 to vector<16xf32>
        %mul3A_696 = arith.mulf %get3A_693, %mul3A_695 : vector<16xf32>
        %swap3A_697 = arith.constant 1 : i32
        %swap3A_698 = arith.index_cast %swap3A_697 : i32 to index
        %swap3A_699 = arith.index_cast %add3A_649 : i32 to index
        %swap3A_700 = arith.constant 48 : index
        %swap3A_701 = tpu.vector_load %arg6[%swap3A_698, %swap3A_699, %swap3A_700] {strides = array<i32>} : memref<4x128x64xf32, #tpu.memory_space<vmem>>, vector<16xf32>,
        tpu.vector_store %arg6[%swap3A_698, %swap3A_699, %swap3A_700], %mul3A_696 {strides = array<i32>} : memref<4x128x64xf32, #tpu.memory_space<vmem>>, vector<16xf32>,
        %scan3A_702 = arith.constant 7 : i32
        %scan3A_703 = arith.addi %scan3A_299, %scan3A_702 : i32
        %mul3A_704 = arith.constant 1 : i32
        %mul3A_705 = arith.muli %scan3A_703, %mul3A_704 : i32
        %add3A_706 = arith.constant 0 : i32
        %add3A_707 = arith.addi %add3A_706, %mul3A_705 : i32
        %get3A_708 = arith.constant 1 : i32
        %get3A_709 = arith.index_cast %get3A_708 : i32 to index
        %get3A_710 = arith.index_cast %add3A_707 : i32 to index
        %get3A_711 = arith.constant 0 : index
        %get3A_712 = tpu.vector_load %arg6[%get3A_709, %get3A_710, %get3A_711] {strides = array<i32>} : memref<4x128x64xf32, #tpu.memory_space<vmem>>, vector<16xf32>,
        %mul3A_713 = arith.constant 8.000000e+00 : f32
        %mul3A_714 = vector.broadcast %mul3A_713 : f32 to vector<16xf32>
        %mul3A_715 = arith.mulf %get3A_712, %mul3A_714 : vector<16xf32>
        %swap3A_716 = arith.constant 1 : i32
        %swap3A_717 = arith.index_cast %swap3A_716 : i32 to index
        %swap3A_718 = arith.index_cast %add3A_707 : i32 to index
        %swap3A_719 = arith.constant 0 : index
        %swap3A_720 = tpu.vector_load %arg6[%swap3A_717, %swap3A_718, %swap3A_719] {strides = array<i32>} : memref<4x128x64xf32, #tpu.memory_space<vmem>>, vector<16xf32>,
        tpu.vector_store %arg6[%swap3A_717, %swap3A_718, %swap3A_719], %mul3A_715 {strides = array<i32>} : memref<4x128x64xf32, #tpu.memory_space<vmem>>, vector<16xf32>,
        %get3A_721 = arith.constant 1 : i32
        %get3A_722 = arith.index_cast %get3A_721 : i32 to index
        %get3A_723 = arith.index_cast %add3A_707 : i32 to index
        %get3A_724 = arith.constant 16 : index
        %get3A_725 = tpu.vector_load %arg6[%get3A_722, %get3A_723, %get3A_724] {strides = array<i32>} : memref<4x128x64xf32, #tpu.memory_space<vmem>>, vector<16xf32>,
        %mul3A_726 = arith.constant 8.000000e+00 : f32
        %mul3A_727 = vector.broadcast %mul3A_726 : f32 to vector<16xf32>
        %mul3A_728 = arith.mulf %get3A_725, %mul3A_727 : vector<16xf32>
        %swap3A_729 = arith.constant 1 : i32
        %swap3A_730 = arith.index_cast %swap3A_729 : i32 to index
        %swap3A_731 = arith.index_cast %add3A_707 : i32 to index
        %swap3A_732 = arith.constant 16 : index
        %swap3A_733 = tpu.vector_load %arg6[%swap3A_730, %swap3A_731, %swap3A_732] {strides = array<i32>} : memref<4x128x64xf32, #tpu.memory_space<vmem>>, vector<16xf32>,
        tpu.vector_store %arg6[%swap3A_730, %swap3A_731, %swap3A_732], %mul3A_728 {strides = array<i32>} : memref<4x128x64xf32, #tpu.memory_space<vmem>>, vector<16xf32>,
        %get3A_734 = arith.constant 1 : i32
        %get3A_735 = arith.index_cast %get3A_734 : i32 to index
        %get3A_736 = arith.index_cast %add3A_707 : i32 to index
        %get3A_737 = arith.constant 32 : index
        %get3A_738 = tpu.vector_load %arg6[%get3A_735, %get3A_736, %get3A_737] {strides = array<i32>} : memref<4x128x64xf32, #tpu.memory_space<vmem>>, vector<16xf32>,
        %mul3A_739 = arith.constant 8.000000e+00 : f32
        %mul3A_740 = vector.broadcast %mul3A_739 : f32 to vector<16xf32>
        %mul3A_741 = arith.mulf %get3A_738, %mul3A_740 : vector<16xf32>
        %swap3A_742 = arith.constant 1 : i32
        %swap3A_743 = arith.index_cast %swap3A_742 : i32 to index
        %swap3A_744 = arith.index_cast %add3A_707 : i32 to index
        %swap3A_745 = arith.constant 32 : index
        %swap3A_746 = tpu.vector_load %arg6[%swap3A_743, %swap3A_744, %swap3A_745] {strides = array<i32>} : memref<4x128x64xf32, #tpu.memory_space<vmem>>, vector<16xf32>,
        tpu.vector_store %arg6[%swap3A_743, %swap3A_744, %swap3A_745], %mul3A_741 {strides = array<i32>} : memref<4x128x64xf32, #tpu.memory_space<vmem>>, vector<16xf32>,
        %get3A_747 = arith.constant 1 : i32
        %get3A_748 = arith.index_cast %get3A_747 : i32 to index
        %get3A_749 = arith.index_cast %add3A_707 : i32 to index
        %get3A_750 = arith.constant 48 : index
        %get3A_751 = tpu.vector_load %arg6[%get3A_748, %get3A_749, %get3A_750] {strides = array<i32>} : memref<4x128x64xf32, #tpu.memory_space<vmem>>, vector<16xf32>,
        %mul3A_752 = arith.constant 8.000000e+00 : f32
        %mul3A_753 = vector.broadcast %mul3A_752 : f32 to vector<16xf32>
        %mul3A_754 = arith.mulf %get3A_751, %mul3A_753 : vector<16xf32>
        %swap3A_755 = arith.constant 1 : i32
        %swap3A_756 = arith.index_cast %swap3A_755 : i32 to index
        %swap3A_757 = arith.index_cast %add3A_707 : i32 to index
        %swap3A_758 = arith.constant 48 : index
        %swap3A_759 = tpu.vector_load %arg6[%swap3A_756, %swap3A_757, %swap3A_758] {strides = array<i32>} : memref<4x128x64xf32, #tpu.memory_space<vmem>>, vector<16xf32>,
        tpu.vector_store %arg6[%swap3A_756, %swap3A_757, %swap3A_758], %mul3A_754 {strides = array<i32>} : memref<4x128x64xf32, #tpu.memory_space<vmem>>, vector<16xf32>,
      }
      %scan3A_185 = arith.constant 128 : i32
      %mul3A_186 = arith.constant 128 : i32
      %mul3A_187 = arith.muli %add3A_159, %mul3A_186 : i32
      %add3A_188 = arith.addi %mul3A_2, %mul3A_187 : i32
      %dma_start3A_189 = arith.constant 1 : i32
      %dma_start3A_190 = arith.constant 1 : i32
      %dma_start3A_191 = arith.constant 0 : i32
      %dma_start3A_192 = arith.constant 0 : i32
      %dma_start3A_193 = tpu.memref_slice %arg6[%dma_start3A_189, %dma_start3A_191, %dma_start3A_192] : memref<4x128x64xf32, #tpu.memory_space<vmem>> -> memref<1x128x64xf32, #tpu.memory_space<vmem>>
      %dma_start3A_194 = tpu.memref_squeeze %dma_start3A_193 : memref<1x128x64xf32, #tpu.memory_space<vmem>> -> memref<128x64xf32, #tpu.memory_space<vmem>>
      %dma_start3A_195 = arith.constant 0 : i32
      %dma_start3A_196 = tpu.memref_slice %arg4[%add3A_188, %dma_start3A_195] : memref<819200x64xf32, #tpu.memory_space<hbm>> -> memref<128x64xf32, #tpu.memory_space<hbm>>
      %dma_start3A_197 = tpu.memref_slice %arg8[%dma_start3A_190] : memref<4x!tpu.dma_semaphore, #tpu.memory_space<semaphore_mem>> -> memref<1x!tpu.dma_semaphore, #tpu.memory_space<semaphore_mem>>
      %dma_start3A_198 = tpu.memref_squeeze %dma_start3A_197 : memref<1x!tpu.dma_semaphore, #tpu.memory_space<semaphore_mem>> -> memref<!tpu.dma_semaphore, #tpu.memory_space<semaphore_mem>>
      %dma_start3A_199 = arith.constant 0 : i32
      %dma_start3A_200 = tpu.memref_slice %arg4[%add3A_188, %dma_start3A_199] : memref<819200x64xf32, #tpu.memory_space<hbm>> -> memref<128x64xf32, #tpu.memory_space<hbm>>
      %dma_start3A_201 = arith.constant 0 : i32
      %dma_start3A_202 = arith.constant 0 : i32
      %dma_start3A_203 = tpu.memref_slice %arg6[%dma_start3A_189, %dma_start3A_201, %dma_start3A_202] : memref<4x128x64xf32, #tpu.memory_space<vmem>> -> memref<1x128x64xf32, #tpu.memory_space<vmem>>
      %dma_start3A_204 = tpu.memref_squeeze %dma_start3A_203 : memref<1x128x64xf32, #tpu.memory_space<vmem>> -> memref<128x64xf32, #tpu.memory_space<vmem>>
      tpu.enqueue_dma source(%dma_start3A_204 : memref<128x64xf32, #tpu.memory_space<vmem>>) target(%dma_start3A_200 : memref<128x64xf32, #tpu.memory_space<hbm>>) target_semaphore(%dma_start3A_198 : memref<!tpu.dma_semaphore, #tpu.memory_space<semaphore_mem>>)
      %add3A_205 = arith.constant 2 : i32
      %add3A_206 = arith.addi %add3A_113, %add3A_205 : i32
      %add3A_207 = arith.constant 2 : i32
      %add3A_208 = arith.addi %add3A_206, %add3A_207 : i32
      %lt3A_209 = arith.constant 200 : i32
      %lt3A_210 = arith.cmpi slt, %add3A_208, %lt3A_209 : i32
      %convert_element_type3A_211 = arith.extui %lt3A_210 : i1 to i32
      %cond3A_212 = arith.constant 0 : i32
      %cond3A_213 = arith.cmpi ne, %convert_element_type3A_211, %cond3A_212 : i32
      scf.if %cond3A_213 {
        %ge3A = arith.constant 4 : i32
        %ge3A_299 = arith.cmpi sge, %add3A_208, %ge3A : i32
        %convert_element_type3A_300 = arith.extui %ge3A_299 : i1 to i32
        %cond3A_301 = arith.constant 0 : i32
        %cond3A_302 = arith.cmpi ne, %convert_element_type3A_300, %cond3A_301 : i32
        scf.if %cond3A_302 {
          %sub3A = arith.constant 4 : i32
          %sub3A_317 = arith.subi %add3A_208, %sub3A : i32
          %mul3A_318 = arith.constant 128 : i32
          %mul3A_319 = arith.muli %sub3A_317, %mul3A_318 : i32
          %add3A_320 = arith.addi %mul3A_2, %mul3A_319 : i32
          %dma_wait3A_321 = arith.constant 0 : i32
          %dma_wait3A_322 = arith.constant 0 : i32
          %dma_wait3A_323 = arith.constant 0 : i32
          %dma_wait3A_324 = arith.constant 0 : i32
          %dma_wait3A_325 = tpu.memref_slice %arg6[%dma_wait3A_321, %dma_wait3A_323, %dma_wait3A_324] : memref<4x128x64xf32, #tpu.memory_space<vmem>> -> memref<1x128x64xf32, #tpu.memory_space<vmem>>
          %dma_wait3A_326 = tpu.memref_squeeze %dma_wait3A_325 : memref<1x128x64xf32, #tpu.memory_space<vmem>> -> memref<128x64xf32, #tpu.memory_space<vmem>>
          %dma_wait3A_327 = arith.constant 0 : i32
          %dma_wait3A_328 = tpu.memref_slice %arg4[%add3A_320, %dma_wait3A_327] : memref<819200x64xf32, #tpu.memory_space<hbm>> -> memref<128x64xf32, #tpu.memory_space<hbm>>
          %dma_wait3A_329 = tpu.memref_slice %arg8[%dma_wait3A_322] : memref<4x!tpu.dma_semaphore, #tpu.memory_space<semaphore_mem>> -> memref<1x!tpu.dma_semaphore, #tpu.memory_space<semaphore_mem>>
          %dma_wait3A_330 = tpu.memref_squeeze %dma_wait3A_329 : memref<1x!tpu.dma_semaphore, #tpu.memory_space<semaphore_mem>> -> memref<!tpu.dma_semaphore, #tpu.memory_space<semaphore_mem>>
          %dma_wait3A_331 = arith.constant 0 : i32
          %dma_wait3A_332 = tpu.memref_slice %arg4[%add3A_320, %dma_wait3A_331] : memref<819200x64xf32, #tpu.memory_space<hbm>> -> memref<128x64xf32, #tpu.memory_space<hbm>>
          %dma_wait3A_333 = arith.constant 0 : i32
          %dma_wait3A_334 = arith.constant 0 : i32
          %dma_wait3A_335 = tpu.memref_slice %arg6[%dma_wait3A_321, %dma_wait3A_333, %dma_wait3A_334] : memref<4x128x64xf32, #tpu.memory_space<vmem>> -> memref<1x128x64xf32, #tpu.memory_space<vmem>>
          %dma_wait3A_336 = tpu.memref_squeeze %dma_wait3A_335 : memref<1x128x64xf32, #tpu.memory_space<vmem>> -> memref<128x64xf32, #tpu.memory_space<vmem>>
          tpu.wait_dma2 semaphore(%dma_wait3A_330 : memref<!tpu.dma_semaphore, #tpu.memory_space<semaphore_mem>>) src(%dma_wait3A_336 : memref<128x64xf32, #tpu.memory_space<vmem>>) dst(%dma_wait3A_332 : memref<128x64xf32, #tpu.memory_space<hbm>>)
        } else {
        }
        %dma_start3A_303 = arith.constant 0 : i32
        %dma_start3A_304 = arith.constant 0 : i32
        %dma_start3A_305 = arith.constant 0 : i32
        %dma_start3A_306 = arith.constant 0 : i32
        %dma_start3A_307 = tpu.memref_slice %arg6[%dma_start3A_303, %dma_start3A_305, %dma_start3A_306] : memref<4x128x64xf32, #tpu.memory_space<vmem>> -> memref<1x128x64xf32, #tpu.memory_space<vmem>>
        %dma_start3A_308 = tpu.memref_squeeze %dma_start3A_307 : memref<1x128x64xf32, #tpu.memory_space<vmem>> -> memref<128x64xf32, #tpu.memory_space<vmem>>
        %dma_start3A_309 = arith.constant 0 : i32
        %dma_start3A_310 = tpu.memref_slice %arg5[%add3A_208, %dma_start3A_309] : memref<200x128xi32, #tpu.memory_space<vmem>> -> memref<1x128xi32, #tpu.memory_space<vmem>>
        %dma_start3A_311 = tpu.memref_squeeze %dma_start3A_310 : memref<1x128xi32, #tpu.memory_space<vmem>> -> memref<128xi32, #tpu.memory_space<vmem>>
        %dma_start3A_312 = arith.constant 0 : i32
        %dma_start3A_313 = arith.constant 0 : i32
        %dma_start3A_314 = tpu.memref_slice %arg3[%dma_start3A_312, %dma_start3A_313] : memref<1000000x64xf32, #tpu.memory_space<hbm>> -> memref<1000000x64xf32, #tpu.memory_space<hbm>>
        %dma_start3A_315 = tpu.memref_slice %arg7[%dma_start3A_304] : memref<4x!tpu.dma_semaphore, #tpu.memory_space<semaphore_mem>> -> memref<1x!tpu.dma_semaphore, #tpu.memory_space<semaphore_mem>>
        %dma_start3A_316 = tpu.memref_squeeze %dma_start3A_315 : memref<1x!tpu.dma_semaphore, #tpu.memory_space<semaphore_mem>> -> memref<!tpu.dma_semaphore, #tpu.memory_space<semaphore_mem>>
        tpu.enqueue_indirect_dma source(%dma_start3A_314 : memref<1000000x64xf32, #tpu.memory_space<hbm>>) target(%dma_start3A_308 : memref<128x64xf32, #tpu.memory_space<vmem>>) offsets(%dma_start3A_311 : memref<128xi32, #tpu.memory_space<vmem>>) semaphore(%dma_start3A_316 : memref<!tpu.dma_semaphore, #tpu.memory_space<semaphore_mem>>)
      } else {
      }
      %dma_wait3A_214 = arith.constant 2 : i32
      %dma_wait3A_215 = arith.constant 2 : i32
      %dma_wait3A_216 = arith.constant 0 : i32
      %dma_wait3A_217 = arith.constant 0 : i32
      %dma_wait3A_218 = tpu.memref_slice %arg6[%dma_wait3A_214, %dma_wait3A_216, %dma_wait3A_217] : memref<4x128x64xf32, #tpu.memory_space<vmem>> -> memref<1x128x64xf32, #tpu.memory_space<vmem>>
      %dma_wait3A_219 = tpu.memref_squeeze %dma_wait3A_218 : memref<1x128x64xf32, #tpu.memory_space<vmem>> -> memref<128x64xf32, #tpu.memory_space<vmem>>
      %dma_wait3A_220 = arith.constant 0 : i32
      %dma_wait3A_221 = tpu.memref_slice %arg5[%add3A_206, %dma_wait3A_220] : memref<200x128xi32, #tpu.memory_space<vmem>> -> memref<1x128xi32, #tpu.memory_space<vmem>>
      %dma_wait3A_222 = tpu.memref_squeeze %dma_wait3A_221 : memref<1x128xi32, #tpu.memory_space<vmem>> -> memref<128xi32, #tpu.memory_space<vmem>>
      %dma_wait3A_223 = arith.constant 0 : i32
      %dma_wait3A_224 = arith.constant 0 : i32
      %dma_wait3A_225 = tpu.memref_slice %arg3[%dma_wait3A_223, %dma_wait3A_224] : memref<1000000x64xf32, #tpu.memory_space<hbm>> -> memref<1000000x64xf32, #tpu.memory_space<hbm>>
      %dma_wait3A_226 = tpu.memref_slice %arg7[%dma_wait3A_215] : memref<4x!tpu.dma_semaphore, #tpu.memory_space<semaphore_mem>> -> memref<1x!tpu.dma_semaphore, #tpu.memory_space<semaphore_mem>>
      %dma_wait3A_227 = tpu.memref_squeeze %dma_wait3A_226 : memref<1x!tpu.dma_semaphore, #tpu.memory_space<semaphore_mem>> -> memref<!tpu.dma_semaphore, #tpu.memory_space<semaphore_mem>>
      tpu.wait_indirect_dma semaphore(%dma_wait3A_227 : memref<!tpu.dma_semaphore, #tpu.memory_space<semaphore_mem>>) src(%dma_wait3A_225 : memref<1000000x64xf32, #tpu.memory_space<hbm>>) dst(%dma_wait3A_219 : memref<128x64xf32, #tpu.memory_space<vmem>>)
      %scan3A_228 = arith.constant 0 : i32
      %scan3A_229 = arith.constant 128 : i32
      %scan3A_230 = arith.addi %scan3A_228, %scan3A_229 : i32
      %scan3A_231 = arith.constant 8 : i32
      scf.for %scan3A_299 = %scan3A_228 to %scan3A_230 step %scan3A_231  : i32 {
        %mul3A_300 = arith.constant 1 : i32
        %mul3A_301 = arith.muli %scan3A_299, %mul3A_300 : i32
        %add3A_302 = arith.constant 0 : i32
        %add3A_303 = arith.addi %add3A_302, %mul3A_301 : i32
        %get3A = arith.constant 2 : i32
        %get3A_304 = arith.index_cast %get3A : i32 to index
        %get3A_305 = arith.index_cast %add3A_303 : i32 to index
        %get3A_306 = arith.constant 0 : index
        %get3A_307 = tpu.vector_load %arg6[%get3A_304, %get3A_305, %get3A_306] {strides = array<i32>} : memref<4x128x64xf32, #tpu.memory_space<vmem>>, vector<16xf32>,
        %mul3A_308 = arith.constant 8.000000e+00 : f32
        %mul3A_309 = vector.broadcast %mul3A_308 : f32 to vector<16xf32>
        %mul3A_310 = arith.mulf %get3A_307, %mul3A_309 : vector<16xf32>
        %swap3A = arith.constant 2 : i32
        %swap3A_311 = arith.index_cast %swap3A : i32 to index
        %swap3A_312 = arith.index_cast %add3A_303 : i32 to index
        %swap3A_313 = arith.constant 0 : index
        %swap3A_314 = tpu.vector_load %arg6[%swap3A_311, %swap3A_312, %swap3A_313] {strides = array<i32>} : memref<4x128x64xf32, #tpu.memory_space<vmem>>, vector<16xf32>,
        tpu.vector_store %arg6[%swap3A_311, %swap3A_312, %swap3A_313], %mul3A_310 {strides = array<i32>} : memref<4x128x64xf32, #tpu.memory_space<vmem>>, vector<16xf32>,
        %get3A_315 = arith.constant 2 : i32
        %get3A_316 = arith.index_cast %get3A_315 : i32 to index
        %get3A_317 = arith.index_cast %add3A_303 : i32 to index
        %get3A_318 = arith.constant 16 : index
        %get3A_319 = tpu.vector_load %arg6[%get3A_316, %get3A_317, %get3A_318] {strides = array<i32>} : memref<4x128x64xf32, #tpu.memory_space<vmem>>, vector<16xf32>,
        %mul3A_320 = arith.constant 8.000000e+00 : f32
        %mul3A_321 = vector.broadcast %mul3A_320 : f32 to vector<16xf32>
        %mul3A_322 = arith.mulf %get3A_319, %mul3A_321 : vector<16xf32>
        %swap3A_323 = arith.constant 2 : i32
        %swap3A_324 = arith.index_cast %swap3A_323 : i32 to index
        %swap3A_325 = arith.index_cast %add3A_303 : i32 to index
        %swap3A_326 = arith.constant 16 : index
        %swap3A_327 = tpu.vector_load %arg6[%swap3A_324, %swap3A_325, %swap3A_326] {strides = array<i32>} : memref<4x128x64xf32, #tpu.memory_space<vmem>>, vector<16xf32>,
        tpu.vector_store %arg6[%swap3A_324, %swap3A_325, %swap3A_326], %mul3A_322 {strides = array<i32>} : memref<4x128x64xf32, #tpu.memory_space<vmem>>, vector<16xf32>,
        %get3A_328 = arith.constant 2 : i32
        %get3A_329 = arith.index_cast %get3A_328 : i32 to index
        %get3A_330 = arith.index_cast %add3A_303 : i32 to index
        %get3A_331 = arith.constant 32 : index
        %get3A_332 = tpu.vector_load %arg6[%get3A_329, %get3A_330, %get3A_331] {strides = array<i32>} : memref<4x128x64xf32, #tpu.memory_space<vmem>>, vector<16xf32>,
        %mul3A_333 = arith.constant 8.000000e+00 : f32
        %mul3A_334 = vector.broadcast %mul3A_333 : f32 to vector<16xf32>
        %mul3A_335 = arith.mulf %get3A_332, %mul3A_334 : vector<16xf32>
        %swap3A_336 = arith.constant 2 : i32
        %swap3A_337 = arith.index_cast %swap3A_336 : i32 to index
        %swap3A_338 = arith.index_cast %add3A_303 : i32 to index
        %swap3A_339 = arith.constant 32 : index
        %swap3A_340 = tpu.vector_load %arg6[%swap3A_337, %swap3A_338, %swap3A_339] {strides = array<i32>} : memref<4x128x64xf32, #tpu.memory_space<vmem>>, vector<16xf32>,
        tpu.vector_store %arg6[%swap3A_337, %swap3A_338, %swap3A_339], %mul3A_335 {strides = array<i32>} : memref<4x128x64xf32, #tpu.memory_space<vmem>>, vector<16xf32>,
        %get3A_341 = arith.constant 2 : i32
        %get3A_342 = arith.index_cast %get3A_341 : i32 to index
        %get3A_343 = arith.index_cast %add3A_303 : i32 to index
        %get3A_344 = arith.constant 48 : index
        %get3A_345 = tpu.vector_load %arg6[%get3A_342, %get3A_343, %get3A_344] {strides = array<i32>} : memref<4x128x64xf32, #tpu.memory_space<vmem>>, vector<16xf32>,
        %mul3A_346 = arith.constant 8.000000e+00 : f32
        %mul3A_347 = vector.broadcast %mul3A_346 : f32 to vector<16xf32>
        %mul3A_348 = arith.mulf %get3A_345, %mul3A_347 : vector<16xf32>
        %swap3A_349 = arith.constant 2 : i32
        %swap3A_350 = arith.index_cast %swap3A_349 : i32 to index
        %swap3A_351 = arith.index_cast %add3A_303 : i32 to index
        %swap3A_352 = arith.constant 48 : index
        %swap3A_353 = tpu.vector_load %arg6[%swap3A_350, %swap3A_351, %swap3A_352] {strides = array<i32>} : memref<4x128x64xf32, #tpu.memory_space<vmem>>, vector<16xf32>,
        tpu.vector_store %arg6[%swap3A_350, %swap3A_351, %swap3A_352], %mul3A_348 {strides = array<i32>} : memref<4x128x64xf32, #tpu.memory_space<vmem>>, vector<16xf32>,
        %scan3A_354 = arith.constant 1 : i32
        %scan3A_355 = arith.addi %scan3A_299, %scan3A_354 : i32
        %mul3A_356 = arith.constant 1 : i32
        %mul3A_357 = arith.muli %scan3A_355, %mul3A_356 : i32
        %add3A_358 = arith.constant 0 : i32
        %add3A_359 = arith.addi %add3A_358, %mul3A_357 : i32
        %get3A_360 = arith.constant 2 : i32
        %get3A_361 = arith.index_cast %get3A_360 : i32 to index
        %get3A_362 = arith.index_cast %add3A_359 : i32 to index
        %get3A_363 = arith.constant 0 : index
        %get3A_364 = tpu.vector_load %arg6[%get3A_361, %get3A_362, %get3A_363] {strides = array<i32>} : memref<4x128x64xf32, #tpu.memory_space<vmem>>, vector<16xf32>,
        %mul3A_365 = arith.constant 8.000000e+00 : f32
        %mul3A_366 = vector.broadcast %mul3A_365 : f32 to vector<16xf32>
        %mul3A_367 = arith.mulf %get3A_364, %mul3A_366 : vector<16xf32>
        %swap3A_368 = arith.constant 2 : i32
        %swap3A_369 = arith.index_cast %swap3A_368 : i32 to index
        %swap3A_370 = arith.index_cast %add3A_359 : i32 to index
        %swap3A_371 = arith.constant 0 : index
        %swap3A_372 = tpu.vector_load %arg6[%swap3A_369, %swap3A_370, %swap3A_371] {strides = array<i32>} : memref<4x128x64xf32, #tpu.memory_space<vmem>>, vector<16xf32>,
        tpu.vector_store %arg6[%swap3A_369, %swap3A_370, %swap3A_371], %mul3A_367 {strides = array<i32>} : memref<4x128x64xf32, #tpu.memory_space<vmem>>, vector<16xf32>,
        %get3A_373 = arith.constant 2 : i32
        %get3A_374 = arith.index_cast %get3A_373 : i32 to index
        %get3A_375 = arith.index_cast %add3A_359 : i32 to index
        %get3A_376 = arith.constant 16 : index
        %get3A_377 = tpu.vector_load %arg6[%get3A_374, %get3A_375, %get3A_376] {strides = array<i32>} : memref<4x128x64xf32, #tpu.memory_space<vmem>>, vector<16xf32>,
        %mul3A_378 = arith.constant 8.000000e+00 : f32
        %mul3A_379 = vector.broadcast %mul3A_378 : f32 to vector<16xf32>
        %mul3A_380 = arith.mulf %get3A_377, %mul3A_379 : vector<16xf32>
        %swap3A_381 = arith.constant 2 : i32
        %swap3A_382 = arith.index_cast %swap3A_381 : i32 to index
        %swap3A_383 = arith.index_cast %add3A_359 : i32 to index
        %swap3A_384 = arith.constant 16 : index
        %swap3A_385 = tpu.vector_load %arg6[%swap3A_382, %swap3A_383, %swap3A_384] {strides = array<i32>} : memref<4x128x64xf32, #tpu.memory_space<vmem>>, vector<16xf32>,
        tpu.vector_store %arg6[%swap3A_382, %swap3A_383, %swap3A_384], %mul3A_380 {strides = array<i32>} : memref<4x128x64xf32, #tpu.memory_space<vmem>>, vector<16xf32>,
        %get3A_386 = arith.constant 2 : i32
        %get3A_387 = arith.index_cast %get3A_386 : i32 to index
        %get3A_388 = arith.index_cast %add3A_359 : i32 to index
        %get3A_389 = arith.constant 32 : index
        %get3A_390 = tpu.vector_load %arg6[%get3A_387, %get3A_388, %get3A_389] {strides = array<i32>} : memref<4x128x64xf32, #tpu.memory_space<vmem>>, vector<16xf32>,
        %mul3A_391 = arith.constant 8.000000e+00 : f32
        %mul3A_392 = vector.broadcast %mul3A_391 : f32 to vector<16xf32>
        %mul3A_393 = arith.mulf %get3A_390, %mul3A_392 : vector<16xf32>
        %swap3A_394 = arith.constant 2 : i32
        %swap3A_395 = arith.index_cast %swap3A_394 : i32 to index
        %swap3A_396 = arith.index_cast %add3A_359 : i32 to index
        %swap3A_397 = arith.constant 32 : index
        %swap3A_398 = tpu.vector_load %arg6[%swap3A_395, %swap3A_396, %swap3A_397] {strides = array<i32>} : memref<4x128x64xf32, #tpu.memory_space<vmem>>, vector<16xf32>,
        tpu.vector_store %arg6[%swap3A_395, %swap3A_396, %swap3A_397], %mul3A_393 {strides = array<i32>} : memref<4x128x64xf32, #tpu.memory_space<vmem>>, vector<16xf32>,
        %get3A_399 = arith.constant 2 : i32
        %get3A_400 = arith.index_cast %get3A_399 : i32 to index
        %get3A_401 = arith.index_cast %add3A_359 : i32 to index
        %get3A_402 = arith.constant 48 : index
        %get3A_403 = tpu.vector_load %arg6[%get3A_400, %get3A_401, %get3A_402] {strides = array<i32>} : memref<4x128x64xf32, #tpu.memory_space<vmem>>, vector<16xf32>,
        %mul3A_404 = arith.constant 8.000000e+00 : f32
        %mul3A_405 = vector.broadcast %mul3A_404 : f32 to vector<16xf32>
        %mul3A_406 = arith.mulf %get3A_403, %mul3A_405 : vector<16xf32>
        %swap3A_407 = arith.constant 2 : i32
        %swap3A_408 = arith.index_cast %swap3A_407 : i32 to index
        %swap3A_409 = arith.index_cast %add3A_359 : i32 to index
        %swap3A_410 = arith.constant 48 : index
        %swap3A_411 = tpu.vector_load %arg6[%swap3A_408, %swap3A_409, %swap3A_410] {strides = array<i32>} : memref<4x128x64xf32, #tpu.memory_space<vmem>>, vector<16xf32>,
        tpu.vector_store %arg6[%swap3A_408, %swap3A_409, %swap3A_410], %mul3A_406 {strides = array<i32>} : memref<4x128x64xf32, #tpu.memory_space<vmem>>, vector<16xf32>,
        %scan3A_412 = arith.constant 2 : i32
        %scan3A_413 = arith.addi %scan3A_299, %scan3A_412 : i32
        %mul3A_414 = arith.constant 1 : i32
        %mul3A_415 = arith.muli %scan3A_413, %mul3A_414 : i32
        %add3A_416 = arith.constant 0 : i32
        %add3A_417 = arith.addi %add3A_416, %mul3A_415 : i32
        %get3A_418 = arith.constant 2 : i32
        %get3A_419 = arith.index_cast %get3A_418 : i32 to index
        %get3A_420 = arith.index_cast %add3A_417 : i32 to index
        %get3A_421 = arith.constant 0 : index
        %get3A_422 = tpu.vector_load %arg6[%get3A_419, %get3A_420, %get3A_421] {strides = array<i32>} : memref<4x128x64xf32, #tpu.memory_space<vmem>>, vector<16xf32>,
        %mul3A_423 = arith.constant 8.000000e+00 : f32
        %mul3A_424 = vector.broadcast %mul3A_423 : f32 to vector<16xf32>
        %mul3A_425 = arith.mulf %get3A_422, %mul3A_424 : vector<16xf32>
        %swap3A_426 = arith.constant 2 : i32
        %swap3A_427 = arith.index_cast %swap3A_426 : i32 to index
        %swap3A_428 = arith.index_cast %add3A_417 : i32 to index
        %swap3A_429 = arith.constant 0 : index
        %swap3A_430 = tpu.vector_load %arg6[%swap3A_427, %swap3A_428, %swap3A_429] {strides = array<i32>} : memref<4x128x64xf32, #tpu.memory_space<vmem>>, vector<16xf32>,
        tpu.vector_store %arg6[%swap3A_427, %swap3A_428, %swap3A_429], %mul3A_425 {strides = array<i32>} : memref<4x128x64xf32, #tpu.memory_space<vmem>>, vector<16xf32>,
        %get3A_431 = arith.constant 2 : i32
        %get3A_432 = arith.index_cast %get3A_431 : i32 to index
        %get3A_433 = arith.index_cast %add3A_417 : i32 to index
        %get3A_434 = arith.constant 16 : index
        %get3A_435 = tpu.vector_load %arg6[%get3A_432, %get3A_433, %get3A_434] {strides = array<i32>} : memref<4x128x64xf32, #tpu.memory_space<vmem>>, vector<16xf32>,
        %mul3A_436 = arith.constant 8.000000e+00 : f32
        %mul3A_437 = vector.broadcast %mul3A_436 : f32 to vector<16xf32>
        %mul3A_438 = arith.mulf %get3A_435, %mul3A_437 : vector<16xf32>
        %swap3A_439 = arith.constant 2 : i32
        %swap3A_440 = arith.index_cast %swap3A_439 : i32 to index
        %swap3A_441 = arith.index_cast %add3A_417 : i32 to index
        %swap3A_442 = arith.constant 16 : index
        %swap3A_443 = tpu.vector_load %arg6[%swap3A_440, %swap3A_441, %swap3A_442] {strides = array<i32>} : memref<4x128x64xf32, #tpu.memory_space<vmem>>, vector<16xf32>,
        tpu.vector_store %arg6[%swap3A_440, %swap3A_441, %swap3A_442], %mul3A_438 {strides = array<i32>} : memref<4x128x64xf32, #tpu.memory_space<vmem>>, vector<16xf32>,
        %get3A_444 = arith.constant 2 : i32
        %get3A_445 = arith.index_cast %get3A_444 : i32 to index
        %get3A_446 = arith.index_cast %add3A_417 : i32 to index
        %get3A_447 = arith.constant 32 : index
        %get3A_448 = tpu.vector_load %arg6[%get3A_445, %get3A_446, %get3A_447] {strides = array<i32>} : memref<4x128x64xf32, #tpu.memory_space<vmem>>, vector<16xf32>,
        %mul3A_449 = arith.constant 8.000000e+00 : f32
        %mul3A_450 = vector.broadcast %mul3A_449 : f32 to vector<16xf32>
        %mul3A_451 = arith.mulf %get3A_448, %mul3A_450 : vector<16xf32>
        %swap3A_452 = arith.constant 2 : i32
        %swap3A_453 = arith.index_cast %swap3A_452 : i32 to index
        %swap3A_454 = arith.index_cast %add3A_417 : i32 to index
        %swap3A_455 = arith.constant 32 : index
        %swap3A_456 = tpu.vector_load %arg6[%swap3A_453, %swap3A_454, %swap3A_455] {strides = array<i32>} : memref<4x128x64xf32, #tpu.memory_space<vmem>>, vector<16xf32>,
        tpu.vector_store %arg6[%swap3A_453, %swap3A_454, %swap3A_455], %mul3A_451 {strides = array<i32>} : memref<4x128x64xf32, #tpu.memory_space<vmem>>, vector<16xf32>,
        %get3A_457 = arith.constant 2 : i32
        %get3A_458 = arith.index_cast %get3A_457 : i32 to index
        %get3A_459 = arith.index_cast %add3A_417 : i32 to index
        %get3A_460 = arith.constant 48 : index
        %get3A_461 = tpu.vector_load %arg6[%get3A_458, %get3A_459, %get3A_460] {strides = array<i32>} : memref<4x128x64xf32, #tpu.memory_space<vmem>>, vector<16xf32>,
        %mul3A_462 = arith.constant 8.000000e+00 : f32
        %mul3A_463 = vector.broadcast %mul3A_462 : f32 to vector<16xf32>
        %mul3A_464 = arith.mulf %get3A_461, %mul3A_463 : vector<16xf32>
        %swap3A_465 = arith.constant 2 : i32
        %swap3A_466 = arith.index_cast %swap3A_465 : i32 to index
        %swap3A_467 = arith.index_cast %add3A_417 : i32 to index
        %swap3A_468 = arith.constant 48 : index
        %swap3A_469 = tpu.vector_load %arg6[%swap3A_466, %swap3A_467, %swap3A_468] {strides = array<i32>} : memref<4x128x64xf32, #tpu.memory_space<vmem>>, vector<16xf32>,
        tpu.vector_store %arg6[%swap3A_466, %swap3A_467, %swap3A_468], %mul3A_464 {strides = array<i32>} : memref<4x128x64xf32, #tpu.memory_space<vmem>>, vector<16xf32>,
        %scan3A_470 = arith.constant 3 : i32
        %scan3A_471 = arith.addi %scan3A_299, %scan3A_470 : i32
        %mul3A_472 = arith.constant 1 : i32
        %mul3A_473 = arith.muli %scan3A_471, %mul3A_472 : i32
        %add3A_474 = arith.constant 0 : i32
        %add3A_475 = arith.addi %add3A_474, %mul3A_473 : i32
        %get3A_476 = arith.constant 2 : i32
        %get3A_477 = arith.index_cast %get3A_476 : i32 to index
        %get3A_478 = arith.index_cast %add3A_475 : i32 to index
        %get3A_479 = arith.constant 0 : index
        %get3A_480 = tpu.vector_load %arg6[%get3A_477, %get3A_478, %get3A_479] {strides = array<i32>} : memref<4x128x64xf32, #tpu.memory_space<vmem>>, vector<16xf32>,
        %mul3A_481 = arith.constant 8.000000e+00 : f32
        %mul3A_482 = vector.broadcast %mul3A_481 : f32 to vector<16xf32>
        %mul3A_483 = arith.mulf %get3A_480, %mul3A_482 : vector<16xf32>
        %swap3A_484 = arith.constant 2 : i32
        %swap3A_485 = arith.index_cast %swap3A_484 : i32 to index
        %swap3A_486 = arith.index_cast %add3A_475 : i32 to index
        %swap3A_487 = arith.constant 0 : index
        %swap3A_488 = tpu.vector_load %arg6[%swap3A_485, %swap3A_486, %swap3A_487] {strides = array<i32>} : memref<4x128x64xf32, #tpu.memory_space<vmem>>, vector<16xf32>,
        tpu.vector_store %arg6[%swap3A_485, %swap3A_486, %swap3A_487], %mul3A_483 {strides = array<i32>} : memref<4x128x64xf32, #tpu.memory_space<vmem>>, vector<16xf32>,
        %get3A_489 = arith.constant 2 : i32
        %get3A_490 = arith.index_cast %get3A_489 : i32 to index
        %get3A_491 = arith.index_cast %add3A_475 : i32 to index
        %get3A_492 = arith.constant 16 : index
        %get3A_493 = tpu.vector_load %arg6[%get3A_490, %get3A_491, %get3A_492] {strides = array<i32>} : memref<4x128x64xf32, #tpu.memory_space<vmem>>, vector<16xf32>,
        %mul3A_494 = arith.constant 8.000000e+00 : f32
        %mul3A_495 = vector.broadcast %mul3A_494 : f32 to vector<16xf32>
        %mul3A_496 = arith.mulf %get3A_493, %mul3A_495 : vector<16xf32>
        %swap3A_497 = arith.constant 2 : i32
        %swap3A_498 = arith.index_cast %swap3A_497 : i32 to index
        %swap3A_499 = arith.index_cast %add3A_475 : i32 to index
        %swap3A_500 = arith.constant 16 : index
        %swap3A_501 = tpu.vector_load %arg6[%swap3A_498, %swap3A_499, %swap3A_500] {strides = array<i32>} : memref<4x128x64xf32, #tpu.memory_space<vmem>>, vector<16xf32>,
        tpu.vector_store %arg6[%swap3A_498, %swap3A_499, %swap3A_500], %mul3A_496 {strides = array<i32>} : memref<4x128x64xf32, #tpu.memory_space<vmem>>, vector<16xf32>,
        %get3A_502 = arith.constant 2 : i32
        %get3A_503 = arith.index_cast %get3A_502 : i32 to index
        %get3A_504 = arith.index_cast %add3A_475 : i32 to index
        %get3A_505 = arith.constant 32 : index
        %get3A_506 = tpu.vector_load %arg6[%get3A_503, %get3A_504, %get3A_505] {strides = array<i32>} : memref<4x128x64xf32, #tpu.memory_space<vmem>>, vector<16xf32>,
        %mul3A_507 = arith.constant 8.000000e+00 : f32
        %mul3A_508 = vector.broadcast %mul3A_507 : f32 to vector<16xf32>
        %mul3A_509 = arith.mulf %get3A_506, %mul3A_508 : vector<16xf32>
        %swap3A_510 = arith.constant 2 : i32
        %swap3A_511 = arith.index_cast %swap3A_510 : i32 to index
        %swap3A_512 = arith.index_cast %add3A_475 : i32 to index
        %swap3A_513 = arith.constant 32 : index
        %swap3A_514 = tpu.vector_load %arg6[%swap3A_511, %swap3A_512, %swap3A_513] {strides = array<i32>} : memref<4x128x64xf32, #tpu.memory_space<vmem>>, vector<16xf32>,
        tpu.vector_store %arg6[%swap3A_511, %swap3A_512, %swap3A_513], %mul3A_509 {strides = array<i32>} : memref<4x128x64xf32, #tpu.memory_space<vmem>>, vector<16xf32>,
        %get3A_515 = arith.constant 2 : i32
        %get3A_516 = arith.index_cast %get3A_515 : i32 to index
        %get3A_517 = arith.index_cast %add3A_475 : i32 to index
        %get3A_518 = arith.constant 48 : index
        %get3A_519 = tpu.vector_load %arg6[%get3A_516, %get3A_517, %get3A_518] {strides = array<i32>} : memref<4x128x64xf32, #tpu.memory_space<vmem>>, vector<16xf32>,
        %mul3A_520 = arith.constant 8.000000e+00 : f32
        %mul3A_521 = vector.broadcast %mul3A_520 : f32 to vector<16xf32>
        %mul3A_522 = arith.mulf %get3A_519, %mul3A_521 : vector<16xf32>
        %swap3A_523 = arith.constant 2 : i32
        %swap3A_524 = arith.index_cast %swap3A_523 : i32 to index
        %swap3A_525 = arith.index_cast %add3A_475 : i32 to index
        %swap3A_526 = arith.constant 48 : index
        %swap3A_527 = tpu.vector_load %arg6[%swap3A_524, %swap3A_525, %swap3A_526] {strides = array<i32>} : memref<4x128x64xf32, #tpu.memory_space<vmem>>, vector<16xf32>,
        tpu.vector_store %arg6[%swap3A_524, %swap3A_525, %swap3A_526], %mul3A_522 {strides = array<i32>} : memref<4x128x64xf32, #tpu.memory_space<vmem>>, vector<16xf32>,
        %scan3A_528 = arith.constant 4 : i32
        %scan3A_529 = arith.addi %scan3A_299, %scan3A_528 : i32
        %mul3A_530 = arith.constant 1 : i32
        %mul3A_531 = arith.muli %scan3A_529, %mul3A_530 : i32
        %add3A_532 = arith.constant 0 : i32
        %add3A_533 = arith.addi %add3A_532, %mul3A_531 : i32
        %get3A_534 = arith.constant 2 : i32
        %get3A_535 = arith.index_cast %get3A_534 : i32 to index
        %get3A_536 = arith.index_cast %add3A_533 : i32 to index
        %get3A_537 = arith.constant 0 : index
        %get3A_538 = tpu.vector_load %arg6[%get3A_535, %get3A_536, %get3A_537] {strides = array<i32>} : memref<4x128x64xf32, #tpu.memory_space<vmem>>, vector<16xf32>,
        %mul3A_539 = arith.constant 8.000000e+00 : f32
        %mul3A_540 = vector.broadcast %mul3A_539 : f32 to vector<16xf32>
        %mul3A_541 = arith.mulf %get3A_538, %mul3A_540 : vector<16xf32>
        %swap3A_542 = arith.constant 2 : i32
        %swap3A_543 = arith.index_cast %swap3A_542 : i32 to index
        %swap3A_544 = arith.index_cast %add3A_533 : i32 to index
        %swap3A_545 = arith.constant 0 : index
        %swap3A_546 = tpu.vector_load %arg6[%swap3A_543, %swap3A_544, %swap3A_545] {strides = array<i32>} : memref<4x128x64xf32, #tpu.memory_space<vmem>>, vector<16xf32>,
        tpu.vector_store %arg6[%swap3A_543, %swap3A_544, %swap3A_545], %mul3A_541 {strides = array<i32>} : memref<4x128x64xf32, #tpu.memory_space<vmem>>, vector<16xf32>,
        %get3A_547 = arith.constant 2 : i32
        %get3A_548 = arith.index_cast %get3A_547 : i32 to index
        %get3A_549 = arith.index_cast %add3A_533 : i32 to index
        %get3A_550 = arith.constant 16 : index
        %get3A_551 = tpu.vector_load %arg6[%get3A_548, %get3A_549, %get3A_550] {strides = array<i32>} : memref<4x128x64xf32, #tpu.memory_space<vmem>>, vector<16xf32>,
        %mul3A_552 = arith.constant 8.000000e+00 : f32
        %mul3A_553 = vector.broadcast %mul3A_552 : f32 to vector<16xf32>
        %mul3A_554 = arith.mulf %get3A_551, %mul3A_553 : vector<16xf32>
        %swap3A_555 = arith.constant 2 : i32
        %swap3A_556 = arith.index_cast %swap3A_555 : i32 to index
        %swap3A_557 = arith.index_cast %add3A_533 : i32 to index
        %swap3A_558 = arith.constant 16 : index
        %swap3A_559 = tpu.vector_load %arg6[%swap3A_556, %swap3A_557, %swap3A_558] {strides = array<i32>} : memref<4x128x64xf32, #tpu.memory_space<vmem>>, vector<16xf32>,
        tpu.vector_store %arg6[%swap3A_556, %swap3A_557, %swap3A_558], %mul3A_554 {strides = array<i32>} : memref<4x128x64xf32, #tpu.memory_space<vmem>>, vector<16xf32>,
        %get3A_560 = arith.constant 2 : i32
        %get3A_561 = arith.index_cast %get3A_560 : i32 to index
        %get3A_562 = arith.index_cast %add3A_533 : i32 to index
        %get3A_563 = arith.constant 32 : index
        %get3A_564 = tpu.vector_load %arg6[%get3A_561, %get3A_562, %get3A_563] {strides = array<i32>} : memref<4x128x64xf32, #tpu.memory_space<vmem>>, vector<16xf32>,
        %mul3A_565 = arith.constant 8.000000e+00 : f32
        %mul3A_566 = vector.broadcast %mul3A_565 : f32 to vector<16xf32>
        %mul3A_567 = arith.mulf %get3A_564, %mul3A_566 : vector<16xf32>
        %swap3A_568 = arith.constant 2 : i32
        %swap3A_569 = arith.index_cast %swap3A_568 : i32 to index
        %swap3A_570 = arith.index_cast %add3A_533 : i32 to index
        %swap3A_571 = arith.constant 32 : index
        %swap3A_572 = tpu.vector_load %arg6[%swap3A_569, %swap3A_570, %swap3A_571] {strides = array<i32>} : memref<4x128x64xf32, #tpu.memory_space<vmem>>, vector<16xf32>,
        tpu.vector_store %arg6[%swap3A_569, %swap3A_570, %swap3A_571], %mul3A_567 {strides = array<i32>} : memref<4x128x64xf32, #tpu.memory_space<vmem>>, vector<16xf32>,
        %get3A_573 = arith.constant 2 : i32
        %get3A_574 = arith.index_cast %get3A_573 : i32 to index
        %get3A_575 = arith.index_cast %add3A_533 : i32 to index
        %get3A_576 = arith.constant 48 : index
        %get3A_577 = tpu.vector_load %arg6[%get3A_574, %get3A_575, %get3A_576] {strides = array<i32>} : memref<4x128x64xf32, #tpu.memory_space<vmem>>, vector<16xf32>,
        %mul3A_578 = arith.constant 8.000000e+00 : f32
        %mul3A_579 = vector.broadcast %mul3A_578 : f32 to vector<16xf32>
        %mul3A_580 = arith.mulf %get3A_577, %mul3A_579 : vector<16xf32>
        %swap3A_581 = arith.constant 2 : i32
        %swap3A_582 = arith.index_cast %swap3A_581 : i32 to index
        %swap3A_583 = arith.index_cast %add3A_533 : i32 to index
        %swap3A_584 = arith.constant 48 : index
        %swap3A_585 = tpu.vector_load %arg6[%swap3A_582, %swap3A_583, %swap3A_584] {strides = array<i32>} : memref<4x128x64xf32, #tpu.memory_space<vmem>>, vector<16xf32>,
        tpu.vector_store %arg6[%swap3A_582, %swap3A_583, %swap3A_584], %mul3A_580 {strides = array<i32>} : memref<4x128x64xf32, #tpu.memory_space<vmem>>, vector<16xf32>,
        %scan3A_586 = arith.constant 5 : i32
        %scan3A_587 = arith.addi %scan3A_299, %scan3A_586 : i32
        %mul3A_588 = arith.constant 1 : i32
        %mul3A_589 = arith.muli %scan3A_587, %mul3A_588 : i32
        %add3A_590 = arith.constant 0 : i32
        %add3A_591 = arith.addi %add3A_590, %mul3A_589 : i32
        %get3A_592 = arith.constant 2 : i32
        %get3A_593 = arith.index_cast %get3A_592 : i32 to index
        %get3A_594 = arith.index_cast %add3A_591 : i32 to index
        %get3A_595 = arith.constant 0 : index
        %get3A_596 = tpu.vector_load %arg6[%get3A_593, %get3A_594, %get3A_595] {strides = array<i32>} : memref<4x128x64xf32, #tpu.memory_space<vmem>>, vector<16xf32>,
        %mul3A_597 = arith.constant 8.000000e+00 : f32
        %mul3A_598 = vector.broadcast %mul3A_597 : f32 to vector<16xf32>
        %mul3A_599 = arith.mulf %get3A_596, %mul3A_598 : vector<16xf32>
        %swap3A_600 = arith.constant 2 : i32
        %swap3A_601 = arith.index_cast %swap3A_600 : i32 to index
        %swap3A_602 = arith.index_cast %add3A_591 : i32 to index
        %swap3A_603 = arith.constant 0 : index
        %swap3A_604 = tpu.vector_load %arg6[%swap3A_601, %swap3A_602, %swap3A_603] {strides = array<i32>} : memref<4x128x64xf32, #tpu.memory_space<vmem>>, vector<16xf32>,
        tpu.vector_store %arg6[%swap3A_601, %swap3A_602, %swap3A_603], %mul3A_599 {strides = array<i32>} : memref<4x128x64xf32, #tpu.memory_space<vmem>>, vector<16xf32>,
        %get3A_605 = arith.constant 2 : i32
        %get3A_606 = arith.index_cast %get3A_605 : i32 to index
        %get3A_607 = arith.index_cast %add3A_591 : i32 to index
        %get3A_608 = arith.constant 16 : index
        %get3A_609 = tpu.vector_load %arg6[%get3A_606, %get3A_607, %get3A_608] {strides = array<i32>} : memref<4x128x64xf32, #tpu.memory_space<vmem>>, vector<16xf32>,
        %mul3A_610 = arith.constant 8.000000e+00 : f32
        %mul3A_611 = vector.broadcast %mul3A_610 : f32 to vector<16xf32>
        %mul3A_612 = arith.mulf %get3A_609, %mul3A_611 : vector<16xf32>
        %swap3A_613 = arith.constant 2 : i32
        %swap3A_614 = arith.index_cast %swap3A_613 : i32 to index
        %swap3A_615 = arith.index_cast %add3A_591 : i32 to index
        %swap3A_616 = arith.constant 16 : index
        %swap3A_617 = tpu.vector_load %arg6[%swap3A_614, %swap3A_615, %swap3A_616] {strides = array<i32>} : memref<4x128x64xf32, #tpu.memory_space<vmem>>, vector<16xf32>,
        tpu.vector_store %arg6[%swap3A_614, %swap3A_615, %swap3A_616], %mul3A_612 {strides = array<i32>} : memref<4x128x64xf32, #tpu.memory_space<vmem>>, vector<16xf32>,
        %get3A_618 = arith.constant 2 : i32
        %get3A_619 = arith.index_cast %get3A_618 : i32 to index
        %get3A_620 = arith.index_cast %add3A_591 : i32 to index
        %get3A_621 = arith.constant 32 : index
        %get3A_622 = tpu.vector_load %arg6[%get3A_619, %get3A_620, %get3A_621] {strides = array<i32>} : memref<4x128x64xf32, #tpu.memory_space<vmem>>, vector<16xf32>,
        %mul3A_623 = arith.constant 8.000000e+00 : f32
        %mul3A_624 = vector.broadcast %mul3A_623 : f32 to vector<16xf32>
        %mul3A_625 = arith.mulf %get3A_622, %mul3A_624 : vector<16xf32>
        %swap3A_626 = arith.constant 2 : i32
        %swap3A_627 = arith.index_cast %swap3A_626 : i32 to index
        %swap3A_628 = arith.index_cast %add3A_591 : i32 to index
        %swap3A_629 = arith.constant 32 : index
        %swap3A_630 = tpu.vector_load %arg6[%swap3A_627, %swap3A_628, %swap3A_629] {strides = array<i32>} : memref<4x128x64xf32, #tpu.memory_space<vmem>>, vector<16xf32>,
        tpu.vector_store %arg6[%swap3A_627, %swap3A_628, %swap3A_629], %mul3A_625 {strides = array<i32>} : memref<4x128x64xf32, #tpu.memory_space<vmem>>, vector<16xf32>,
        %get3A_631 = arith.constant 2 : i32
        %get3A_632 = arith.index_cast %get3A_631 : i32 to index
        %get3A_633 = arith.index_cast %add3A_591 : i32 to index
        %get3A_634 = arith.constant 48 : index
        %get3A_635 = tpu.vector_load %arg6[%get3A_632, %get3A_633, %get3A_634] {strides = array<i32>} : memref<4x128x64xf32, #tpu.memory_space<vmem>>, vector<16xf32>,
        %mul3A_636 = arith.constant 8.000000e+00 : f32
        %mul3A_637 = vector.broadcast %mul3A_636 : f32 to vector<16xf32>
        %mul3A_638 = arith.mulf %get3A_635, %mul3A_637 : vector<16xf32>
        %swap3A_639 = arith.constant 2 : i32
        %swap3A_640 = arith.index_cast %swap3A_639 : i32 to index
        %swap3A_641 = arith.index_cast %add3A_591 : i32 to index
        %swap3A_642 = arith.constant 48 : index
        %swap3A_643 = tpu.vector_load %arg6[%swap3A_640, %swap3A_641, %swap3A_642] {strides = array<i32>} : memref<4x128x64xf32, #tpu.memory_space<vmem>>, vector<16xf32>,
        tpu.vector_store %arg6[%swap3A_640, %swap3A_641, %swap3A_642], %mul3A_638 {strides = array<i32>} : memref<4x128x64xf32, #tpu.memory_space<vmem>>, vector<16xf32>,
        %scan3A_644 = arith.constant 6 : i32
        %scan3A_645 = arith.addi %scan3A_299, %scan3A_644 : i32
        %mul3A_646 = arith.constant 1 : i32
        %mul3A_647 = arith.muli %scan3A_645, %mul3A_646 : i32
        %add3A_648 = arith.constant 0 : i32
        %add3A_649 = arith.addi %add3A_648, %mul3A_647 : i32
        %get3A_650 = arith.constant 2 : i32
        %get3A_651 = arith.index_cast %get3A_650 : i32 to index
        %get3A_652 = arith.index_cast %add3A_649 : i32 to index
        %get3A_653 = arith.constant 0 : index
        %get3A_654 = tpu.vector_load %arg6[%get3A_651, %get3A_652, %get3A_653] {strides = array<i32>} : memref<4x128x64xf32, #tpu.memory_space<vmem>>, vector<16xf32>,
        %mul3A_655 = arith.constant 8.000000e+00 : f32
        %mul3A_656 = vector.broadcast %mul3A_655 : f32 to vector<16xf32>
        %mul3A_657 = arith.mulf %get3A_654, %mul3A_656 : vector<16xf32>
        %swap3A_658 = arith.constant 2 : i32
        %swap3A_659 = arith.index_cast %swap3A_658 : i32 to index
        %swap3A_660 = arith.index_cast %add3A_649 : i32 to index
        %swap3A_661 = arith.constant 0 : index
        %swap3A_662 = tpu.vector_load %arg6[%swap3A_659, %swap3A_660, %swap3A_661] {strides = array<i32>} : memref<4x128x64xf32, #tpu.memory_space<vmem>>, vector<16xf32>,
        tpu.vector_store %arg6[%swap3A_659, %swap3A_660, %swap3A_661], %mul3A_657 {strides = array<i32>} : memref<4x128x64xf32, #tpu.memory_space<vmem>>, vector<16xf32>,
        %get3A_663 = arith.constant 2 : i32
        %get3A_664 = arith.index_cast %get3A_663 : i32 to index
        %get3A_665 = arith.index_cast %add3A_649 : i32 to index
        %get3A_666 = arith.constant 16 : index
        %get3A_667 = tpu.vector_load %arg6[%get3A_664, %get3A_665, %get3A_666] {strides = array<i32>} : memref<4x128x64xf32, #tpu.memory_space<vmem>>, vector<16xf32>,
        %mul3A_668 = arith.constant 8.000000e+00 : f32
        %mul3A_669 = vector.broadcast %mul3A_668 : f32 to vector<16xf32>
        %mul3A_670 = arith.mulf %get3A_667, %mul3A_669 : vector<16xf32>
        %swap3A_671 = arith.constant 2 : i32
        %swap3A_672 = arith.index_cast %swap3A_671 : i32 to index
        %swap3A_673 = arith.index_cast %add3A_649 : i32 to index
        %swap3A_674 = arith.constant 16 : index
        %swap3A_675 = tpu.vector_load %arg6[%swap3A_672, %swap3A_673, %swap3A_674] {strides = array<i32>} : memref<4x128x64xf32, #tpu.memory_space<vmem>>, vector<16xf32>,
        tpu.vector_store %arg6[%swap3A_672, %swap3A_673, %swap3A_674], %mul3A_670 {strides = array<i32>} : memref<4x128x64xf32, #tpu.memory_space<vmem>>, vector<16xf32>,
        %get3A_676 = arith.constant 2 : i32
        %get3A_677 = arith.index_cast %get3A_676 : i32 to index
        %get3A_678 = arith.index_cast %add3A_649 : i32 to index
        %get3A_679 = arith.constant 32 : index
        %get3A_680 = tpu.vector_load %arg6[%get3A_677, %get3A_678, %get3A_679] {strides = array<i32>} : memref<4x128x64xf32, #tpu.memory_space<vmem>>, vector<16xf32>,
        %mul3A_681 = arith.constant 8.000000e+00 : f32
        %mul3A_682 = vector.broadcast %mul3A_681 : f32 to vector<16xf32>
        %mul3A_683 = arith.mulf %get3A_680, %mul3A_682 : vector<16xf32>
        %swap3A_684 = arith.constant 2 : i32
        %swap3A_685 = arith.index_cast %swap3A_684 : i32 to index
        %swap3A_686 = arith.index_cast %add3A_649 : i32 to index
        %swap3A_687 = arith.constant 32 : index
        %swap3A_688 = tpu.vector_load %arg6[%swap3A_685, %swap3A_686, %swap3A_687] {strides = array<i32>} : memref<4x128x64xf32, #tpu.memory_space<vmem>>, vector<16xf32>,
        tpu.vector_store %arg6[%swap3A_685, %swap3A_686, %swap3A_687], %mul3A_683 {strides = array<i32>} : memref<4x128x64xf32, #tpu.memory_space<vmem>>, vector<16xf32>,
        %get3A_689 = arith.constant 2 : i32
        %get3A_690 = arith.index_cast %get3A_689 : i32 to index
        %get3A_691 = arith.index_cast %add3A_649 : i32 to index
        %get3A_692 = arith.constant 48 : index
        %get3A_693 = tpu.vector_load %arg6[%get3A_690, %get3A_691, %get3A_692] {strides = array<i32>} : memref<4x128x64xf32, #tpu.memory_space<vmem>>, vector<16xf32>,
        %mul3A_694 = arith.constant 8.000000e+00 : f32
        %mul3A_695 = vector.broadcast %mul3A_694 : f32 to vector<16xf32>
        %mul3A_696 = arith.mulf %get3A_693, %mul3A_695 : vector<16xf32>
        %swap3A_697 = arith.constant 2 : i32
        %swap3A_698 = arith.index_cast %swap3A_697 : i32 to index
        %swap3A_699 = arith.index_cast %add3A_649 : i32 to index
        %swap3A_700 = arith.constant 48 : index
        %swap3A_701 = tpu.vector_load %arg6[%swap3A_698, %swap3A_699, %swap3A_700] {strides = array<i32>} : memref<4x128x64xf32, #tpu.memory_space<vmem>>, vector<16xf32>,
        tpu.vector_store %arg6[%swap3A_698, %swap3A_699, %swap3A_700], %mul3A_696 {strides = array<i32>} : memref<4x128x64xf32, #tpu.memory_space<vmem>>, vector<16xf32>,
        %scan3A_702 = arith.constant 7 : i32
        %scan3A_703 = arith.addi %scan3A_299, %scan3A_702 : i32
        %mul3A_704 = arith.constant 1 : i32
        %mul3A_705 = arith.muli %scan3A_703, %mul3A_704 : i32
        %add3A_706 = arith.constant 0 : i32
        %add3A_707 = arith.addi %add3A_706, %mul3A_705 : i32
        %get3A_708 = arith.constant 2 : i32
        %get3A_709 = arith.index_cast %get3A_708 : i32 to index
        %get3A_710 = arith.index_cast %add3A_707 : i32 to index
        %get3A_711 = arith.constant 0 : index
        %get3A_712 = tpu.vector_load %arg6[%get3A_709, %get3A_710, %get3A_711] {strides = array<i32>} : memref<4x128x64xf32, #tpu.memory_space<vmem>>, vector<16xf32>,
        %mul3A_713 = arith.constant 8.000000e+00 : f32
        %mul3A_714 = vector.broadcast %mul3A_713 : f32 to vector<16xf32>
        %mul3A_715 = arith.mulf %get3A_712, %mul3A_714 : vector<16xf32>
        %swap3A_716 = arith.constant 2 : i32
        %swap3A_717 = arith.index_cast %swap3A_716 : i32 to index
        %swap3A_718 = arith.index_cast %add3A_707 : i32 to index
        %swap3A_719 = arith.constant 0 : index
        %swap3A_720 = tpu.vector_load %arg6[%swap3A_717, %swap3A_718, %swap3A_719] {strides = array<i32>} : memref<4x128x64xf32, #tpu.memory_space<vmem>>, vector<16xf32>,
        tpu.vector_store %arg6[%swap3A_717, %swap3A_718, %swap3A_719], %mul3A_715 {strides = array<i32>} : memref<4x128x64xf32, #tpu.memory_space<vmem>>, vector<16xf32>,
        %get3A_721 = arith.constant 2 : i32
        %get3A_722 = arith.index_cast %get3A_721 : i32 to index
        %get3A_723 = arith.index_cast %add3A_707 : i32 to index
        %get3A_724 = arith.constant 16 : index
        %get3A_725 = tpu.vector_load %arg6[%get3A_722, %get3A_723, %get3A_724] {strides = array<i32>} : memref<4x128x64xf32, #tpu.memory_space<vmem>>, vector<16xf32>,
        %mul3A_726 = arith.constant 8.000000e+00 : f32
        %mul3A_727 = vector.broadcast %mul3A_726 : f32 to vector<16xf32>
        %mul3A_728 = arith.mulf %get3A_725, %mul3A_727 : vector<16xf32>
        %swap3A_729 = arith.constant 2 : i32
        %swap3A_730 = arith.index_cast %swap3A_729 : i32 to index
        %swap3A_731 = arith.index_cast %add3A_707 : i32 to index
        %swap3A_732 = arith.constant 16 : index
        %swap3A_733 = tpu.vector_load %arg6[%swap3A_730, %swap3A_731, %swap3A_732] {strides = array<i32>} : memref<4x128x64xf32, #tpu.memory_space<vmem>>, vector<16xf32>,
        tpu.vector_store %arg6[%swap3A_730, %swap3A_731, %swap3A_732], %mul3A_728 {strides = array<i32>} : memref<4x128x64xf32, #tpu.memory_space<vmem>>, vector<16xf32>,
        %get3A_734 = arith.constant 2 : i32
        %get3A_735 = arith.index_cast %get3A_734 : i32 to index
        %get3A_736 = arith.index_cast %add3A_707 : i32 to index
        %get3A_737 = arith.constant 32 : index
        %get3A_738 = tpu.vector_load %arg6[%get3A_735, %get3A_736, %get3A_737] {strides = array<i32>} : memref<4x128x64xf32, #tpu.memory_space<vmem>>, vector<16xf32>,
        %mul3A_739 = arith.constant 8.000000e+00 : f32
        %mul3A_740 = vector.broadcast %mul3A_739 : f32 to vector<16xf32>
        %mul3A_741 = arith.mulf %get3A_738, %mul3A_740 : vector<16xf32>
        %swap3A_742 = arith.constant 2 : i32
        %swap3A_743 = arith.index_cast %swap3A_742 : i32 to index
        %swap3A_744 = arith.index_cast %add3A_707 : i32 to index
        %swap3A_745 = arith.constant 32 : index
        %swap3A_746 = tpu.vector_load %arg6[%swap3A_743, %swap3A_744, %swap3A_745] {strides = array<i32>} : memref<4x128x64xf32, #tpu.memory_space<vmem>>, vector<16xf32>,
        tpu.vector_store %arg6[%swap3A_743, %swap3A_744, %swap3A_745], %mul3A_741 {strides = array<i32>} : memref<4x128x64xf32, #tpu.memory_space<vmem>>, vector<16xf32>,
        %get3A_747 = arith.constant 2 : i32
        %get3A_748 = arith.index_cast %get3A_747 : i32 to index
        %get3A_749 = arith.index_cast %add3A_707 : i32 to index
        %get3A_750 = arith.constant 48 : index
        %get3A_751 = tpu.vector_load %arg6[%get3A_748, %get3A_749, %get3A_750] {strides = array<i32>} : memref<4x128x64xf32, #tpu.memory_space<vmem>>, vector<16xf32>,
        %mul3A_752 = arith.constant 8.000000e+00 : f32
        %mul3A_753 = vector.broadcast %mul3A_752 : f32 to vector<16xf32>
        %mul3A_754 = arith.mulf %get3A_751, %mul3A_753 : vector<16xf32>
        %swap3A_755 = arith.constant 2 : i32
        %swap3A_756 = arith.index_cast %swap3A_755 : i32 to index
        %swap3A_757 = arith.index_cast %add3A_707 : i32 to index
        %swap3A_758 = arith.constant 48 : index
        %swap3A_759 = tpu.vector_load %arg6[%swap3A_756, %swap3A_757, %swap3A_758] {strides = array<i32>} : memref<4x128x64xf32, #tpu.memory_space<vmem>>, vector<16xf32>,
        tpu.vector_store %arg6[%swap3A_756, %swap3A_757, %swap3A_758], %mul3A_754 {strides = array<i32>} : memref<4x128x64xf32, #tpu.memory_space<vmem>>, vector<16xf32>,
      }
      %scan3A_232 = arith.constant 128 : i32
      %mul3A_233 = arith.constant 128 : i32
      %mul3A_234 = arith.muli %add3A_206, %mul3A_233 : i32
      %add3A_235 = arith.addi %mul3A_2, %mul3A_234 : i32
      %dma_start3A_236 = arith.constant 2 : i32
      %dma_start3A_237 = arith.constant 2 : i32
      %dma_start3A_238 = arith.constant 0 : i32
      %dma_start3A_239 = arith.constant 0 : i32
      %dma_start3A_240 = tpu.memref_slice %arg6[%dma_start3A_236, %dma_start3A_238, %dma_start3A_239] : memref<4x128x64xf32, #tpu.memory_space<vmem>> -> memref<1x128x64xf32, #tpu.memory_space<vmem>>
      %dma_start3A_241 = tpu.memref_squeeze %dma_start3A_240 : memref<1x128x64xf32, #tpu.memory_space<vmem>> -> memref<128x64xf32, #tpu.memory_space<vmem>>
      %dma_start3A_242 = arith.constant 0 : i32
      %dma_start3A_243 = tpu.memref_slice %arg4[%add3A_235, %dma_start3A_242] : memref<819200x64xf32, #tpu.memory_space<hbm>> -> memref<128x64xf32, #tpu.memory_space<hbm>>
      %dma_start3A_244 = tpu.memref_slice %arg8[%dma_start3A_237] : memref<4x!tpu.dma_semaphore, #tpu.memory_space<semaphore_mem>> -> memref<1x!tpu.dma_semaphore, #tpu.memory_space<semaphore_mem>>
      %dma_start3A_245 = tpu.memref_squeeze %dma_start3A_244 : memref<1x!tpu.dma_semaphore, #tpu.memory_space<semaphore_mem>> -> memref<!tpu.dma_semaphore, #tpu.memory_space<semaphore_mem>>
      %dma_start3A_246 = arith.constant 0 : i32
      %dma_start3A_247 = tpu.memref_slice %arg4[%add3A_235, %dma_start3A_246] : memref<819200x64xf32, #tpu.memory_space<hbm>> -> memref<128x64xf32, #tpu.memory_space<hbm>>
      %dma_start3A_248 = arith.constant 0 : i32
      %dma_start3A_249 = arith.constant 0 : i32
      %dma_start3A_250 = tpu.memref_slice %arg6[%dma_start3A_236, %dma_start3A_248, %dma_start3A_249] : memref<4x128x64xf32, #tpu.memory_space<vmem>> -> memref<1x128x64xf32, #tpu.memory_space<vmem>>
      %dma_start3A_251 = tpu.memref_squeeze %dma_start3A_250 : memref<1x128x64xf32, #tpu.memory_space<vmem>> -> memref<128x64xf32, #tpu.memory_space<vmem>>
      tpu.enqueue_dma source(%dma_start3A_251 : memref<128x64xf32, #tpu.memory_space<vmem>>) target(%dma_start3A_247 : memref<128x64xf32, #tpu.memory_space<hbm>>) target_semaphore(%dma_start3A_245 : memref<!tpu.dma_semaphore, #tpu.memory_space<semaphore_mem>>)
      %add3A_252 = arith.constant 3 : i32
      %add3A_253 = arith.addi %add3A_113, %add3A_252 : i32
      %add3A_254 = arith.constant 2 : i32
      %add3A_255 = arith.addi %add3A_253, %add3A_254 : i32
      %lt3A_256 = arith.constant 200 : i32
      %lt3A_257 = arith.cmpi slt, %add3A_255, %lt3A_256 : i32
      %convert_element_type3A_258 = arith.extui %lt3A_257 : i1 to i32
      %cond3A_259 = arith.constant 0 : i32
      %cond3A_260 = arith.cmpi ne, %convert_element_type3A_258, %cond3A_259 : i32
      scf.if %cond3A_260 {
        %ge3A = arith.constant 4 : i32
        %ge3A_299 = arith.cmpi sge, %add3A_255, %ge3A : i32
        %convert_element_type3A_300 = arith.extui %ge3A_299 : i1 to i32
        %cond3A_301 = arith.constant 0 : i32
        %cond3A_302 = arith.cmpi ne, %convert_element_type3A_300, %cond3A_301 : i32
        scf.if %cond3A_302 {
          %sub3A = arith.constant 4 : i32
          %sub3A_317 = arith.subi %add3A_255, %sub3A : i32
          %mul3A_318 = arith.constant 128 : i32
          %mul3A_319 = arith.muli %sub3A_317, %mul3A_318 : i32
          %add3A_320 = arith.addi %mul3A_2, %mul3A_319 : i32
          %dma_wait3A_321 = arith.constant 1 : i32
          %dma_wait3A_322 = arith.constant 1 : i32
          %dma_wait3A_323 = arith.constant 0 : i32
          %dma_wait3A_324 = arith.constant 0 : i32
          %dma_wait3A_325 = tpu.memref_slice %arg6[%dma_wait3A_321, %dma_wait3A_323, %dma_wait3A_324] : memref<4x128x64xf32, #tpu.memory_space<vmem>> -> memref<1x128x64xf32, #tpu.memory_space<vmem>>
          %dma_wait3A_326 = tpu.memref_squeeze %dma_wait3A_325 : memref<1x128x64xf32, #tpu.memory_space<vmem>> -> memref<128x64xf32, #tpu.memory_space<vmem>>
          %dma_wait3A_327 = arith.constant 0 : i32
          %dma_wait3A_328 = tpu.memref_slice %arg4[%add3A_320, %dma_wait3A_327] : memref<819200x64xf32, #tpu.memory_space<hbm>> -> memref<128x64xf32, #tpu.memory_space<hbm>>
          %dma_wait3A_329 = tpu.memref_slice %arg8[%dma_wait3A_322] : memref<4x!tpu.dma_semaphore, #tpu.memory_space<semaphore_mem>> -> memref<1x!tpu.dma_semaphore, #tpu.memory_space<semaphore_mem>>
          %dma_wait3A_330 = tpu.memref_squeeze %dma_wait3A_329 : memref<1x!tpu.dma_semaphore, #tpu.memory_space<semaphore_mem>> -> memref<!tpu.dma_semaphore, #tpu.memory_space<semaphore_mem>>
          %dma_wait3A_331 = arith.constant 0 : i32
          %dma_wait3A_332 = tpu.memref_slice %arg4[%add3A_320, %dma_wait3A_331] : memref<819200x64xf32, #tpu.memory_space<hbm>> -> memref<128x64xf32, #tpu.memory_space<hbm>>
          %dma_wait3A_333 = arith.constant 0 : i32
          %dma_wait3A_334 = arith.constant 0 : i32
          %dma_wait3A_335 = tpu.memref_slice %arg6[%dma_wait3A_321, %dma_wait3A_333, %dma_wait3A_334] : memref<4x128x64xf32, #tpu.memory_space<vmem>> -> memref<1x128x64xf32, #tpu.memory_space<vmem>>
          %dma_wait3A_336 = tpu.memref_squeeze %dma_wait3A_335 : memref<1x128x64xf32, #tpu.memory_space<vmem>> -> memref<128x64xf32, #tpu.memory_space<vmem>>
          tpu.wait_dma2 semaphore(%dma_wait3A_330 : memref<!tpu.dma_semaphore, #tpu.memory_space<semaphore_mem>>) src(%dma_wait3A_336 : memref<128x64xf32, #tpu.memory_space<vmem>>) dst(%dma_wait3A_332 : memref<128x64xf32, #tpu.memory_space<hbm>>)
        } else {
        }
        %dma_start3A_303 = arith.constant 1 : i32
        %dma_start3A_304 = arith.constant 1 : i32
        %dma_start3A_305 = arith.constant 0 : i32
        %dma_start3A_306 = arith.constant 0 : i32
        %dma_start3A_307 = tpu.memref_slice %arg6[%dma_start3A_303, %dma_start3A_305, %dma_start3A_306] : memref<4x128x64xf32, #tpu.memory_space<vmem>> -> memref<1x128x64xf32, #tpu.memory_space<vmem>>
        %dma_start3A_308 = tpu.memref_squeeze %dma_start3A_307 : memref<1x128x64xf32, #tpu.memory_space<vmem>> -> memref<128x64xf32, #tpu.memory_space<vmem>>
        %dma_start3A_309 = arith.constant 0 : i32
        %dma_start3A_310 = tpu.memref_slice %arg5[%add3A_255, %dma_start3A_309] : memref<200x128xi32, #tpu.memory_space<vmem>> -> memref<1x128xi32, #tpu.memory_space<vmem>>
        %dma_start3A_311 = tpu.memref_squeeze %dma_start3A_310 : memref<1x128xi32, #tpu.memory_space<vmem>> -> memref<128xi32, #tpu.memory_space<vmem>>
        %dma_start3A_312 = arith.constant 0 : i32
        %dma_start3A_313 = arith.constant 0 : i32
        %dma_start3A_314 = tpu.memref_slice %arg3[%dma_start3A_312, %dma_start3A_313] : memref<1000000x64xf32, #tpu.memory_space<hbm>> -> memref<1000000x64xf32, #tpu.memory_space<hbm>>
        %dma_start3A_315 = tpu.memref_slice %arg7[%dma_start3A_304] : memref<4x!tpu.dma_semaphore, #tpu.memory_space<semaphore_mem>> -> memref<1x!tpu.dma_semaphore, #tpu.memory_space<semaphore_mem>>
        %dma_start3A_316 = tpu.memref_squeeze %dma_start3A_315 : memref<1x!tpu.dma_semaphore, #tpu.memory_space<semaphore_mem>> -> memref<!tpu.dma_semaphore, #tpu.memory_space<semaphore_mem>>
        tpu.enqueue_indirect_dma source(%dma_start3A_314 : memref<1000000x64xf32, #tpu.memory_space<hbm>>) target(%dma_start3A_308 : memref<128x64xf32, #tpu.memory_space<vmem>>) offsets(%dma_start3A_311 : memref<128xi32, #tpu.memory_space<vmem>>) semaphore(%dma_start3A_316 : memref<!tpu.dma_semaphore, #tpu.memory_space<semaphore_mem>>)
      } else {
      }
      %dma_wait3A_261 = arith.constant 3 : i32
      %dma_wait3A_262 = arith.constant 3 : i32
      %dma_wait3A_263 = arith.constant 0 : i32
      %dma_wait3A_264 = arith.constant 0 : i32
      %dma_wait3A_265 = tpu.memref_slice %arg6[%dma_wait3A_261, %dma_wait3A_263, %dma_wait3A_264] : memref<4x128x64xf32, #tpu.memory_space<vmem>> -> memref<1x128x64xf32, #tpu.memory_space<vmem>>
      %dma_wait3A_266 = tpu.memref_squeeze %dma_wait3A_265 : memref<1x128x64xf32, #tpu.memory_space<vmem>> -> memref<128x64xf32, #tpu.memory_space<vmem>>
      %dma_wait3A_267 = arith.constant 0 : i32
      %dma_wait3A_268 = tpu.memref_slice %arg5[%add3A_253, %dma_wait3A_267] : memref<200x128xi32, #tpu.memory_space<vmem>> -> memref<1x128xi32, #tpu.memory_space<vmem>>
      %dma_wait3A_269 = tpu.memref_squeeze %dma_wait3A_268 : memref<1x128xi32, #tpu.memory_space<vmem>> -> memref<128xi32, #tpu.memory_space<vmem>>
      %dma_wait3A_270 = arith.constant 0 : i32
      %dma_wait3A_271 = arith.constant 0 : i32
      %dma_wait3A_272 = tpu.memref_slice %arg3[%dma_wait3A_270, %dma_wait3A_271] : memref<1000000x64xf32, #tpu.memory_space<hbm>> -> memref<1000000x64xf32, #tpu.memory_space<hbm>>
      %dma_wait3A_273 = tpu.memref_slice %arg7[%dma_wait3A_262] : memref<4x!tpu.dma_semaphore, #tpu.memory_space<semaphore_mem>> -> memref<1x!tpu.dma_semaphore, #tpu.memory_space<semaphore_mem>>
      %dma_wait3A_274 = tpu.memref_squeeze %dma_wait3A_273 : memref<1x!tpu.dma_semaphore, #tpu.memory_space<semaphore_mem>> -> memref<!tpu.dma_semaphore, #tpu.memory_space<semaphore_mem>>
      tpu.wait_indirect_dma semaphore(%dma_wait3A_274 : memref<!tpu.dma_semaphore, #tpu.memory_space<semaphore_mem>>) src(%dma_wait3A_272 : memref<1000000x64xf32, #tpu.memory_space<hbm>>) dst(%dma_wait3A_266 : memref<128x64xf32, #tpu.memory_space<vmem>>)
      %scan3A_275 = arith.constant 0 : i32
      %scan3A_276 = arith.constant 128 : i32
      %scan3A_277 = arith.addi %scan3A_275, %scan3A_276 : i32
      %scan3A_278 = arith.constant 8 : i32
      scf.for %scan3A_299 = %scan3A_275 to %scan3A_277 step %scan3A_278  : i32 {
        %mul3A_300 = arith.constant 1 : i32
        %mul3A_301 = arith.muli %scan3A_299, %mul3A_300 : i32
        %add3A_302 = arith.constant 0 : i32
        %add3A_303 = arith.addi %add3A_302, %mul3A_301 : i32
        %get3A = arith.constant 3 : i32
        %get3A_304 = arith.index_cast %get3A : i32 to index
        %get3A_305 = arith.index_cast %add3A_303 : i32 to index
        %get3A_306 = arith.constant 0 : index
        %get3A_307 = tpu.vector_load %arg6[%get3A_304, %get3A_305, %get3A_306] {strides = array<i32>} : memref<4x128x64xf32, #tpu.memory_space<vmem>>, vector<16xf32>,
        %mul3A_308 = arith.constant 8.000000e+00 : f32
        %mul3A_309 = vector.broadcast %mul3A_308 : f32 to vector<16xf32>
        %mul3A_310 = arith.mulf %get3A_307, %mul3A_309 : vector<16xf32>
        %swap3A = arith.constant 3 : i32
        %swap3A_311 = arith.index_cast %swap3A : i32 to index
        %swap3A_312 = arith.index_cast %add3A_303 : i32 to index
        %swap3A_313 = arith.constant 0 : index
        %swap3A_314 = tpu.vector_load %arg6[%swap3A_311, %swap3A_312, %swap3A_313] {strides = array<i32>} : memref<4x128x64xf32, #tpu.memory_space<vmem>>, vector<16xf32>,
        tpu.vector_store %arg6[%swap3A_311, %swap3A_312, %swap3A_313], %mul3A_310 {strides = array<i32>} : memref<4x128x64xf32, #tpu.memory_space<vmem>>, vector<16xf32>,
        %get3A_315 = arith.constant 3 : i32
        %get3A_316 = arith.index_cast %get3A_315 : i32 to index
        %get3A_317 = arith.index_cast %add3A_303 : i32 to index
        %get3A_318 = arith.constant 16 : index
        %get3A_319 = tpu.vector_load %arg6[%get3A_316, %get3A_317, %get3A_318] {strides = array<i32>} : memref<4x128x64xf32, #tpu.memory_space<vmem>>, vector<16xf32>,
        %mul3A_320 = arith.constant 8.000000e+00 : f32
        %mul3A_321 = vector.broadcast %mul3A_320 : f32 to vector<16xf32>
        %mul3A_322 = arith.mulf %get3A_319, %mul3A_321 : vector<16xf32>
        %swap3A_323 = arith.constant 3 : i32
        %swap3A_324 = arith.index_cast %swap3A_323 : i32 to index
        %swap3A_325 = arith.index_cast %add3A_303 : i32 to index
        %swap3A_326 = arith.constant 16 : index
        %swap3A_327 = tpu.vector_load %arg6[%swap3A_324, %swap3A_325, %swap3A_326] {strides = array<i32>} : memref<4x128x64xf32, #tpu.memory_space<vmem>>, vector<16xf32>,
        tpu.vector_store %arg6[%swap3A_324, %swap3A_325, %swap3A_326], %mul3A_322 {strides = array<i32>} : memref<4x128x64xf32, #tpu.memory_space<vmem>>, vector<16xf32>,
        %get3A_328 = arith.constant 3 : i32
        %get3A_329 = arith.index_cast %get3A_328 : i32 to index
        %get3A_330 = arith.index_cast %add3A_303 : i32 to index
        %get3A_331 = arith.constant 32 : index
        %get3A_332 = tpu.vector_load %arg6[%get3A_329, %get3A_330, %get3A_331] {strides = array<i32>} : memref<4x128x64xf32, #tpu.memory_space<vmem>>, vector<16xf32>,
        %mul3A_333 = arith.constant 8.000000e+00 : f32
        %mul3A_334 = vector.broadcast %mul3A_333 : f32 to vector<16xf32>
        %mul3A_335 = arith.mulf %get3A_332, %mul3A_334 : vector<16xf32>
        %swap3A_336 = arith.constant 3 : i32
        %swap3A_337 = arith.index_cast %swap3A_336 : i32 to index
        %swap3A_338 = arith.index_cast %add3A_303 : i32 to index
        %swap3A_339 = arith.constant 32 : index
        %swap3A_340 = tpu.vector_load %arg6[%swap3A_337, %swap3A_338, %swap3A_339] {strides = array<i32>} : memref<4x128x64xf32, #tpu.memory_space<vmem>>, vector<16xf32>,
        tpu.vector_store %arg6[%swap3A_337, %swap3A_338, %swap3A_339], %mul3A_335 {strides = array<i32>} : memref<4x128x64xf32, #tpu.memory_space<vmem>>, vector<16xf32>,
        %get3A_341 = arith.constant 3 : i32
        %get3A_342 = arith.index_cast %get3A_341 : i32 to index
        %get3A_343 = arith.index_cast %add3A_303 : i32 to index
        %get3A_344 = arith.constant 48 : index
        %get3A_345 = tpu.vector_load %arg6[%get3A_342, %get3A_343, %get3A_344] {strides = array<i32>} : memref<4x128x64xf32, #tpu.memory_space<vmem>>, vector<16xf32>,
        %mul3A_346 = arith.constant 8.000000e+00 : f32
        %mul3A_347 = vector.broadcast %mul3A_346 : f32 to vector<16xf32>
        %mul3A_348 = arith.mulf %get3A_345, %mul3A_347 : vector<16xf32>
        %swap3A_349 = arith.constant 3 : i32
        %swap3A_350 = arith.index_cast %swap3A_349 : i32 to index
        %swap3A_351 = arith.index_cast %add3A_303 : i32 to index
        %swap3A_352 = arith.constant 48 : index
        %swap3A_353 = tpu.vector_load %arg6[%swap3A_350, %swap3A_351, %swap3A_352] {strides = array<i32>} : memref<4x128x64xf32, #tpu.memory_space<vmem>>, vector<16xf32>,
        tpu.vector_store %arg6[%swap3A_350, %swap3A_351, %swap3A_352], %mul3A_348 {strides = array<i32>} : memref<4x128x64xf32, #tpu.memory_space<vmem>>, vector<16xf32>,
        %scan3A_354 = arith.constant 1 : i32
        %scan3A_355 = arith.addi %scan3A_299, %scan3A_354 : i32
        %mul3A_356 = arith.constant 1 : i32
        %mul3A_357 = arith.muli %scan3A_355, %mul3A_356 : i32
        %add3A_358 = arith.constant 0 : i32
        %add3A_359 = arith.addi %add3A_358, %mul3A_357 : i32
        %get3A_360 = arith.constant 3 : i32
        %get3A_361 = arith.index_cast %get3A_360 : i32 to index
        %get3A_362 = arith.index_cast %add3A_359 : i32 to index
        %get3A_363 = arith.constant 0 : index
        %get3A_364 = tpu.vector_load %arg6[%get3A_361, %get3A_362, %get3A_363] {strides = array<i32>} : memref<4x128x64xf32, #tpu.memory_space<vmem>>, vector<16xf32>,
        %mul3A_365 = arith.constant 8.000000e+00 : f32
        %mul3A_366 = vector.broadcast %mul3A_365 : f32 to vector<16xf32>
        %mul3A_367 = arith.mulf %get3A_364, %mul3A_366 : vector<16xf32>
        %swap3A_368 = arith.constant 3 : i32
        %swap3A_369 = arith.index_cast %swap3A_368 : i32 to index
        %swap3A_370 = arith.index_cast %add3A_359 : i32 to index
        %swap3A_371 = arith.constant 0 : index
        %swap3A_372 = tpu.vector_load %arg6[%swap3A_369, %swap3A_370, %swap3A_371] {strides = array<i32>} : memref<4x128x64xf32, #tpu.memory_space<vmem>>, vector<16xf32>,
        tpu.vector_store %arg6[%swap3A_369, %swap3A_370, %swap3A_371], %mul3A_367 {strides = array<i32>} : memref<4x128x64xf32, #tpu.memory_space<vmem>>, vector<16xf32>,
        %get3A_373 = arith.constant 3 : i32
        %get3A_374 = arith.index_cast %get3A_373 : i32 to index
        %get3A_375 = arith.index_cast %add3A_359 : i32 to index
        %get3A_376 = arith.constant 16 : index
        %get3A_377 = tpu.vector_load %arg6[%get3A_374, %get3A_375, %get3A_376] {strides = array<i32>} : memref<4x128x64xf32, #tpu.memory_space<vmem>>, vector<16xf32>,
        %mul3A_378 = arith.constant 8.000000e+00 : f32
        %mul3A_379 = vector.broadcast %mul3A_378 : f32 to vector<16xf32>
        %mul3A_380 = arith.mulf %get3A_377, %mul3A_379 : vector<16xf32>
        %swap3A_381 = arith.constant 3 : i32
        %swap3A_382 = arith.index_cast %swap3A_381 : i32 to index
        %swap3A_383 = arith.index_cast %add3A_359 : i32 to index
        %swap3A_384 = arith.constant 16 : index
        %swap3A_385 = tpu.vector_load %arg6[%swap3A_382, %swap3A_383, %swap3A_384] {strides = array<i32>} : memref<4x128x64xf32, #tpu.memory_space<vmem>>, vector<16xf32>,
        tpu.vector_store %arg6[%swap3A_382, %swap3A_383, %swap3A_384], %mul3A_380 {strides = array<i32>} : memref<4x128x64xf32, #tpu.memory_space<vmem>>, vector<16xf32>,
        %get3A_386 = arith.constant 3 : i32
        %get3A_387 = arith.index_cast %get3A_386 : i32 to index
        %get3A_388 = arith.index_cast %add3A_359 : i32 to index
        %get3A_389 = arith.constant 32 : index
        %get3A_390 = tpu.vector_load %arg6[%get3A_387, %get3A_388, %get3A_389] {strides = array<i32>} : memref<4x128x64xf32, #tpu.memory_space<vmem>>, vector<16xf32>,
        %mul3A_391 = arith.constant 8.000000e+00 : f32
        %mul3A_392 = vector.broadcast %mul3A_391 : f32 to vector<16xf32>
        %mul3A_393 = arith.mulf %get3A_390, %mul3A_392 : vector<16xf32>
        %swap3A_394 = arith.constant 3 : i32
        %swap3A_395 = arith.index_cast %swap3A_394 : i32 to index
        %swap3A_396 = arith.index_cast %add3A_359 : i32 to index
        %swap3A_397 = arith.constant 32 : index
        %swap3A_398 = tpu.vector_load %arg6[%swap3A_395, %swap3A_396, %swap3A_397] {strides = array<i32>} : memref<4x128x64xf32, #tpu.memory_space<vmem>>, vector<16xf32>,
        tpu.vector_store %arg6[%swap3A_395, %swap3A_396, %swap3A_397], %mul3A_393 {strides = array<i32>} : memref<4x128x64xf32, #tpu.memory_space<vmem>>, vector<16xf32>,
        %get3A_399 = arith.constant 3 : i32
        %get3A_400 = arith.index_cast %get3A_399 : i32 to index
        %get3A_401 = arith.index_cast %add3A_359 : i32 to index
        %get3A_402 = arith.constant 48 : index
        %get3A_403 = tpu.vector_load %arg6[%get3A_400, %get3A_401, %get3A_402] {strides = array<i32>} : memref<4x128x64xf32, #tpu.memory_space<vmem>>, vector<16xf32>,
        %mul3A_404 = arith.constant 8.000000e+00 : f32
        %mul3A_405 = vector.broadcast %mul3A_404 : f32 to vector<16xf32>
        %mul3A_406 = arith.mulf %get3A_403, %mul3A_405 : vector<16xf32>
        %swap3A_407 = arith.constant 3 : i32
        %swap3A_408 = arith.index_cast %swap3A_407 : i32 to index
        %swap3A_409 = arith.index_cast %add3A_359 : i32 to index
        %swap3A_410 = arith.constant 48 : index
        %swap3A_411 = tpu.vector_load %arg6[%swap3A_408, %swap3A_409, %swap3A_410] {strides = array<i32>} : memref<4x128x64xf32, #tpu.memory_space<vmem>>, vector<16xf32>,
        tpu.vector_store %arg6[%swap3A_408, %swap3A_409, %swap3A_410], %mul3A_406 {strides = array<i32>} : memref<4x128x64xf32, #tpu.memory_space<vmem>>, vector<16xf32>,
        %scan3A_412 = arith.constant 2 : i32
        %scan3A_413 = arith.addi %scan3A_299, %scan3A_412 : i32
        %mul3A_414 = arith.constant 1 : i32
        %mul3A_415 = arith.muli %scan3A_413, %mul3A_414 : i32
        %add3A_416 = arith.constant 0 : i32
        %add3A_417 = arith.addi %add3A_416, %mul3A_415 : i32
        %get3A_418 = arith.constant 3 : i32
        %get3A_419 = arith.index_cast %get3A_418 : i32 to index
        %get3A_420 = arith.index_cast %add3A_417 : i32 to index
        %get3A_421 = arith.constant 0 : index
        %get3A_422 = tpu.vector_load %arg6[%get3A_419, %get3A_420, %get3A_421] {strides = array<i32>} : memref<4x128x64xf32, #tpu.memory_space<vmem>>, vector<16xf32>,
        %mul3A_423 = arith.constant 8.000000e+00 : f32
        %mul3A_424 = vector.broadcast %mul3A_423 : f32 to vector<16xf32>
        %mul3A_425 = arith.mulf %get3A_422, %mul3A_424 : vector<16xf32>
        %swap3A_426 = arith.constant 3 : i32
        %swap3A_427 = arith.index_cast %swap3A_426 : i32 to index
        %swap3A_428 = arith.index_cast %add3A_417 : i32 to index
        %swap3A_429 = arith.constant 0 : index
        %swap3A_430 = tpu.vector_load %arg6[%swap3A_427, %swap3A_428, %swap3A_429] {strides = array<i32>} : memref<4x128x64xf32, #tpu.memory_space<vmem>>, vector<16xf32>,
        tpu.vector_store %arg6[%swap3A_427, %swap3A_428, %swap3A_429], %mul3A_425 {strides = array<i32>} : memref<4x128x64xf32, #tpu.memory_space<vmem>>, vector<16xf32>,
        %get3A_431 = arith.constant 3 : i32
        %get3A_432 = arith.index_cast %get3A_431 : i32 to index
        %get3A_433 = arith.index_cast %add3A_417 : i32 to index
        %get3A_434 = arith.constant 16 : index
        %get3A_435 = tpu.vector_load %arg6[%get3A_432, %get3A_433, %get3A_434] {strides = array<i32>} : memref<4x128x64xf32, #tpu.memory_space<vmem>>, vector<16xf32>,
        %mul3A_436 = arith.constant 8.000000e+00 : f32
        %mul3A_437 = vector.broadcast %mul3A_436 : f32 to vector<16xf32>
        %mul3A_438 = arith.mulf %get3A_435, %mul3A_437 : vector<16xf32>
        %swap3A_439 = arith.constant 3 : i32
        %swap3A_440 = arith.index_cast %swap3A_439 : i32 to index
        %swap3A_441 = arith.index_cast %add3A_417 : i32 to index
        %swap3A_442 = arith.constant 16 : index
        %swap3A_443 = tpu.vector_load %arg6[%swap3A_440, %swap3A_441, %swap3A_442] {strides = array<i32>} : memref<4x128x64xf32, #tpu.memory_space<vmem>>, vector<16xf32>,
        tpu.vector_store %arg6[%swap3A_440, %swap3A_441, %swap3A_442], %mul3A_438 {strides = array<i32>} : memref<4x128x64xf32, #tpu.memory_space<vmem>>, vector<16xf32>,
        %get3A_444 = arith.constant 3 : i32
        %get3A_445 = arith.index_cast %get3A_444 : i32 to index
        %get3A_446 = arith.index_cast %add3A_417 : i32 to index
        %get3A_447 = arith.constant 32 : index
        %get3A_448 = tpu.vector_load %arg6[%get3A_445, %get3A_446, %get3A_447] {strides = array<i32>} : memref<4x128x64xf32, #tpu.memory_space<vmem>>, vector<16xf32>,
        %mul3A_449 = arith.constant 8.000000e+00 : f32
        %mul3A_450 = vector.broadcast %mul3A_449 : f32 to vector<16xf32>
        %mul3A_451 = arith.mulf %get3A_448, %mul3A_450 : vector<16xf32>
        %swap3A_452 = arith.constant 3 : i32
        %swap3A_453 = arith.index_cast %swap3A_452 : i32 to index
        %swap3A_454 = arith.index_cast %add3A_417 : i32 to index
        %swap3A_455 = arith.constant 32 : index
        %swap3A_456 = tpu.vector_load %arg6[%swap3A_453, %swap3A_454, %swap3A_455] {strides = array<i32>} : memref<4x128x64xf32, #tpu.memory_space<vmem>>, vector<16xf32>,
        tpu.vector_store %arg6[%swap3A_453, %swap3A_454, %swap3A_455], %mul3A_451 {strides = array<i32>} : memref<4x128x64xf32, #tpu.memory_space<vmem>>, vector<16xf32>,
        %get3A_457 = arith.constant 3 : i32
        %get3A_458 = arith.index_cast %get3A_457 : i32 to index
        %get3A_459 = arith.index_cast %add3A_417 : i32 to index
        %get3A_460 = arith.constant 48 : index
        %get3A_461 = tpu.vector_load %arg6[%get3A_458, %get3A_459, %get3A_460] {strides = array<i32>} : memref<4x128x64xf32, #tpu.memory_space<vmem>>, vector<16xf32>,
        %mul3A_462 = arith.constant 8.000000e+00 : f32
        %mul3A_463 = vector.broadcast %mul3A_462 : f32 to vector<16xf32>
        %mul3A_464 = arith.mulf %get3A_461, %mul3A_463 : vector<16xf32>
        %swap3A_465 = arith.constant 3 : i32
        %swap3A_466 = arith.index_cast %swap3A_465 : i32 to index
        %swap3A_467 = arith.index_cast %add3A_417 : i32 to index
        %swap3A_468 = arith.constant 48 : index
        %swap3A_469 = tpu.vector_load %arg6[%swap3A_466, %swap3A_467, %swap3A_468] {strides = array<i32>} : memref<4x128x64xf32, #tpu.memory_space<vmem>>, vector<16xf32>,
        tpu.vector_store %arg6[%swap3A_466, %swap3A_467, %swap3A_468], %mul3A_464 {strides = array<i32>} : memref<4x128x64xf32, #tpu.memory_space<vmem>>, vector<16xf32>,
        %scan3A_470 = arith.constant 3 : i32
        %scan3A_471 = arith.addi %scan3A_299, %scan3A_470 : i32
        %mul3A_472 = arith.constant 1 : i32
        %mul3A_473 = arith.muli %scan3A_471, %mul3A_472 : i32
        %add3A_474 = arith.constant 0 : i32
        %add3A_475 = arith.addi %add3A_474, %mul3A_473 : i32
        %get3A_476 = arith.constant 3 : i32
        %get3A_477 = arith.index_cast %get3A_476 : i32 to index
        %get3A_478 = arith.index_cast %add3A_475 : i32 to index
        %get3A_479 = arith.constant 0 : index
        %get3A_480 = tpu.vector_load %arg6[%get3A_477, %get3A_478, %get3A_479] {strides = array<i32>} : memref<4x128x64xf32, #tpu.memory_space<vmem>>, vector<16xf32>,
        %mul3A_481 = arith.constant 8.000000e+00 : f32
        %mul3A_482 = vector.broadcast %mul3A_481 : f32 to vector<16xf32>
        %mul3A_483 = arith.mulf %get3A_480, %mul3A_482 : vector<16xf32>
        %swap3A_484 = arith.constant 3 : i32
        %swap3A_485 = arith.index_cast %swap3A_484 : i32 to index
        %swap3A_486 = arith.index_cast %add3A_475 : i32 to index
        %swap3A_487 = arith.constant 0 : index
        %swap3A_488 = tpu.vector_load %arg6[%swap3A_485, %swap3A_486, %swap3A_487] {strides = array<i32>} : memref<4x128x64xf32, #tpu.memory_space<vmem>>, vector<16xf32>,
        tpu.vector_store %arg6[%swap3A_485, %swap3A_486, %swap3A_487], %mul3A_483 {strides = array<i32>} : memref<4x128x64xf32, #tpu.memory_space<vmem>>, vector<16xf32>,
        %get3A_489 = arith.constant 3 : i32
        %get3A_490 = arith.index_cast %get3A_489 : i32 to index
        %get3A_491 = arith.index_cast %add3A_475 : i32 to index
        %get3A_492 = arith.constant 16 : index
        %get3A_493 = tpu.vector_load %arg6[%get3A_490, %get3A_491, %get3A_492] {strides = array<i32>} : memref<4x128x64xf32, #tpu.memory_space<vmem>>, vector<16xf32>,
        %mul3A_494 = arith.constant 8.000000e+00 : f32
        %mul3A_495 = vector.broadcast %mul3A_494 : f32 to vector<16xf32>
        %mul3A_496 = arith.mulf %get3A_493, %mul3A_495 : vector<16xf32>
        %swap3A_497 = arith.constant 3 : i32
        %swap3A_498 = arith.index_cast %swap3A_497 : i32 to index
        %swap3A_499 = arith.index_cast %add3A_475 : i32 to index
        %swap3A_500 = arith.constant 16 : index
        %swap3A_501 = tpu.vector_load %arg6[%swap3A_498, %swap3A_499, %swap3A_500] {strides = array<i32>} : memref<4x128x64xf32, #tpu.memory_space<vmem>>, vector<16xf32>,
        tpu.vector_store %arg6[%swap3A_498, %swap3A_499, %swap3A_500], %mul3A_496 {strides = array<i32>} : memref<4x128x64xf32, #tpu.memory_space<vmem>>, vector<16xf32>,
        %get3A_502 = arith.constant 3 : i32
        %get3A_503 = arith.index_cast %get3A_502 : i32 to index
        %get3A_504 = arith.index_cast %add3A_475 : i32 to index
        %get3A_505 = arith.constant 32 : index
        %get3A_506 = tpu.vector_load %arg6[%get3A_503, %get3A_504, %get3A_505] {strides = array<i32>} : memref<4x128x64xf32, #tpu.memory_space<vmem>>, vector<16xf32>,
        %mul3A_507 = arith.constant 8.000000e+00 : f32
        %mul3A_508 = vector.broadcast %mul3A_507 : f32 to vector<16xf32>
        %mul3A_509 = arith.mulf %get3A_506, %mul3A_508 : vector<16xf32>
        %swap3A_510 = arith.constant 3 : i32
        %swap3A_511 = arith.index_cast %swap3A_510 : i32 to index
        %swap3A_512 = arith.index_cast %add3A_475 : i32 to index
        %swap3A_513 = arith.constant 32 : index
        %swap3A_514 = tpu.vector_load %arg6[%swap3A_511, %swap3A_512, %swap3A_513] {strides = array<i32>} : memref<4x128x64xf32, #tpu.memory_space<vmem>>, vector<16xf32>,
        tpu.vector_store %arg6[%swap3A_511, %swap3A_512, %swap3A_513], %mul3A_509 {strides = array<i32>} : memref<4x128x64xf32, #tpu.memory_space<vmem>>, vector<16xf32>,
        %get3A_515 = arith.constant 3 : i32
        %get3A_516 = arith.index_cast %get3A_515 : i32 to index
        %get3A_517 = arith.index_cast %add3A_475 : i32 to index
        %get3A_518 = arith.constant 48 : index
        %get3A_519 = tpu.vector_load %arg6[%get3A_516, %get3A_517, %get3A_518] {strides = array<i32>} : memref<4x128x64xf32, #tpu.memory_space<vmem>>, vector<16xf32>,
        %mul3A_520 = arith.constant 8.000000e+00 : f32
        %mul3A_521 = vector.broadcast %mul3A_520 : f32 to vector<16xf32>
        %mul3A_522 = arith.mulf %get3A_519, %mul3A_521 : vector<16xf32>
        %swap3A_523 = arith.constant 3 : i32
        %swap3A_524 = arith.index_cast %swap3A_523 : i32 to index
        %swap3A_525 = arith.index_cast %add3A_475 : i32 to index
        %swap3A_526 = arith.constant 48 : index
        %swap3A_527 = tpu.vector_load %arg6[%swap3A_524, %swap3A_525, %swap3A_526] {strides = array<i32>} : memref<4x128x64xf32, #tpu.memory_space<vmem>>, vector<16xf32>,
        tpu.vector_store %arg6[%swap3A_524, %swap3A_525, %swap3A_526], %mul3A_522 {strides = array<i32>} : memref<4x128x64xf32, #tpu.memory_space<vmem>>, vector<16xf32>,
        %scan3A_528 = arith.constant 4 : i32
        %scan3A_529 = arith.addi %scan3A_299, %scan3A_528 : i32
        %mul3A_530 = arith.constant 1 : i32
        %mul3A_531 = arith.muli %scan3A_529, %mul3A_530 : i32
        %add3A_532 = arith.constant 0 : i32
        %add3A_533 = arith.addi %add3A_532, %mul3A_531 : i32
        %get3A_534 = arith.constant 3 : i32
        %get3A_535 = arith.index_cast %get3A_534 : i32 to index
        %get3A_536 = arith.index_cast %add3A_533 : i32 to index
        %get3A_537 = arith.constant 0 : index
        %get3A_538 = tpu.vector_load %arg6[%get3A_535, %get3A_536, %get3A_537] {strides = array<i32>} : memref<4x128x64xf32, #tpu.memory_space<vmem>>, vector<16xf32>,
        %mul3A_539 = arith.constant 8.000000e+00 : f32
        %mul3A_540 = vector.broadcast %mul3A_539 : f32 to vector<16xf32>
        %mul3A_541 = arith.mulf %get3A_538, %mul3A_540 : vector<16xf32>
        %swap3A_542 = arith.constant 3 : i32
        %swap3A_543 = arith.index_cast %swap3A_542 : i32 to index
        %swap3A_544 = arith.index_cast %add3A_533 : i32 to index
        %swap3A_545 = arith.constant 0 : index
        %swap3A_546 = tpu.vector_load %arg6[%swap3A_543, %swap3A_544, %swap3A_545] {strides = array<i32>} : memref<4x128x64xf32, #tpu.memory_space<vmem>>, vector<16xf32>,
        tpu.vector_store %arg6[%swap3A_543, %swap3A_544, %swap3A_545], %mul3A_541 {strides = array<i32>} : memref<4x128x64xf32, #tpu.memory_space<vmem>>, vector<16xf32>,
        %get3A_547 = arith.constant 3 : i32
        %get3A_548 = arith.index_cast %get3A_547 : i32 to index
        %get3A_549 = arith.index_cast %add3A_533 : i32 to index
        %get3A_550 = arith.constant 16 : index
        %get3A_551 = tpu.vector_load %arg6[%get3A_548, %get3A_549, %get3A_550] {strides = array<i32>} : memref<4x128x64xf32, #tpu.memory_space<vmem>>, vector<16xf32>,
        %mul3A_552 = arith.constant 8.000000e+00 : f32
        %mul3A_553 = vector.broadcast %mul3A_552 : f32 to vector<16xf32>
        %mul3A_554 = arith.mulf %get3A_551, %mul3A_553 : vector<16xf32>
        %swap3A_555 = arith.constant 3 : i32
        %swap3A_556 = arith.index_cast %swap3A_555 : i32 to index
        %swap3A_557 = arith.index_cast %add3A_533 : i32 to index
        %swap3A_558 = arith.constant 16 : index
        %swap3A_559 = tpu.vector_load %arg6[%swap3A_556, %swap3A_557, %swap3A_558] {strides = array<i32>} : memref<4x128x64xf32, #tpu.memory_space<vmem>>, vector<16xf32>,
        tpu.vector_store %arg6[%swap3A_556, %swap3A_557, %swap3A_558], %mul3A_554 {strides = array<i32>} : memref<4x128x64xf32, #tpu.memory_space<vmem>>, vector<16xf32>,
        %get3A_560 = arith.constant 3 : i32
        %get3A_561 = arith.index_cast %get3A_560 : i32 to index
        %get3A_562 = arith.index_cast %add3A_533 : i32 to index
        %get3A_563 = arith.constant 32 : index
        %get3A_564 = tpu.vector_load %arg6[%get3A_561, %get3A_562, %get3A_563] {strides = array<i32>} : memref<4x128x64xf32, #tpu.memory_space<vmem>>, vector<16xf32>,
        %mul3A_565 = arith.constant 8.000000e+00 : f32
        %mul3A_566 = vector.broadcast %mul3A_565 : f32 to vector<16xf32>
        %mul3A_567 = arith.mulf %get3A_564, %mul3A_566 : vector<16xf32>
        %swap3A_568 = arith.constant 3 : i32
        %swap3A_569 = arith.index_cast %swap3A_568 : i32 to index
        %swap3A_570 = arith.index_cast %add3A_533 : i32 to index
        %swap3A_571 = arith.constant 32 : index
        %swap3A_572 = tpu.vector_load %arg6[%swap3A_569, %swap3A_570, %swap3A_571] {strides = array<i32>} : memref<4x128x64xf32, #tpu.memory_space<vmem>>, vector<16xf32>,
        tpu.vector_store %arg6[%swap3A_569, %swap3A_570, %swap3A_571], %mul3A_567 {strides = array<i32>} : memref<4x128x64xf32, #tpu.memory_space<vmem>>, vector<16xf32>,
        %get3A_573 = arith.constant 3 : i32
        %get3A_574 = arith.index_cast %get3A_573 : i32 to index
        %get3A_575 = arith.index_cast %add3A_533 : i32 to index
        %get3A_576 = arith.constant 48 : index
        %get3A_577 = tpu.vector_load %arg6[%get3A_574, %get3A_575, %get3A_576] {strides = array<i32>} : memref<4x128x64xf32, #tpu.memory_space<vmem>>, vector<16xf32>,
        %mul3A_578 = arith.constant 8.000000e+00 : f32
        %mul3A_579 = vector.broadcast %mul3A_578 : f32 to vector<16xf32>
        %mul3A_580 = arith.mulf %get3A_577, %mul3A_579 : vector<16xf32>
        %swap3A_581 = arith.constant 3 : i32
        %swap3A_582 = arith.index_cast %swap3A_581 : i32 to index
        %swap3A_583 = arith.index_cast %add3A_533 : i32 to index
        %swap3A_584 = arith.constant 48 : index
        %swap3A_585 = tpu.vector_load %arg6[%swap3A_582, %swap3A_583, %swap3A_584] {strides = array<i32>} : memref<4x128x64xf32, #tpu.memory_space<vmem>>, vector<16xf32>,
        tpu.vector_store %arg6[%swap3A_582, %swap3A_583, %swap3A_584], %mul3A_580 {strides = array<i32>} : memref<4x128x64xf32, #tpu.memory_space<vmem>>, vector<16xf32>,
        %scan3A_586 = arith.constant 5 : i32
        %scan3A_587 = arith.addi %scan3A_299, %scan3A_586 : i32
        %mul3A_588 = arith.constant 1 : i32
        %mul3A_589 = arith.muli %scan3A_587, %mul3A_588 : i32
        %add3A_590 = arith.constant 0 : i32
        %add3A_591 = arith.addi %add3A_590, %mul3A_589 : i32
        %get3A_592 = arith.constant 3 : i32
        %get3A_593 = arith.index_cast %get3A_592 : i32 to index
        %get3A_594 = arith.index_cast %add3A_591 : i32 to index
        %get3A_595 = arith.constant 0 : index
        %get3A_596 = tpu.vector_load %arg6[%get3A_593, %get3A_594, %get3A_595] {strides = array<i32>} : memref<4x128x64xf32, #tpu.memory_space<vmem>>, vector<16xf32>,
        %mul3A_597 = arith.constant 8.000000e+00 : f32
        %mul3A_598 = vector.broadcast %mul3A_597 : f32 to vector<16xf32>
        %mul3A_599 = arith.mulf %get3A_596, %mul3A_598 : vector<16xf32>
        %swap3A_600 = arith.constant 3 : i32
        %swap3A_601 = arith.index_cast %swap3A_600 : i32 to index
        %swap3A_602 = arith.index_cast %add3A_591 : i32 to index
        %swap3A_603 = arith.constant 0 : index
        %swap3A_604 = tpu.vector_load %arg6[%swap3A_601, %swap3A_602, %swap3A_603] {strides = array<i32>} : memref<4x128x64xf32, #tpu.memory_space<vmem>>, vector<16xf32>,
        tpu.vector_store %arg6[%swap3A_601, %swap3A_602, %swap3A_603], %mul3A_599 {strides = array<i32>} : memref<4x128x64xf32, #tpu.memory_space<vmem>>, vector<16xf32>,
        %get3A_605 = arith.constant 3 : i32
        %get3A_606 = arith.index_cast %get3A_605 : i32 to index
        %get3A_607 = arith.index_cast %add3A_591 : i32 to index
        %get3A_608 = arith.constant 16 : index
        %get3A_609 = tpu.vector_load %arg6[%get3A_606, %get3A_607, %get3A_608] {strides = array<i32>} : memref<4x128x64xf32, #tpu.memory_space<vmem>>, vector<16xf32>,
        %mul3A_610 = arith.constant 8.000000e+00 : f32
        %mul3A_611 = vector.broadcast %mul3A_610 : f32 to vector<16xf32>
        %mul3A_612 = arith.mulf %get3A_609, %mul3A_611 : vector<16xf32>
        %swap3A_613 = arith.constant 3 : i32
        %swap3A_614 = arith.index_cast %swap3A_613 : i32 to index
        %swap3A_615 = arith.index_cast %add3A_591 : i32 to index
        %swap3A_616 = arith.constant 16 : index
        %swap3A_617 = tpu.vector_load %arg6[%swap3A_614, %swap3A_615, %swap3A_616] {strides = array<i32>} : memref<4x128x64xf32, #tpu.memory_space<vmem>>, vector<16xf32>,
        tpu.vector_store %arg6[%swap3A_614, %swap3A_615, %swap3A_616], %mul3A_612 {strides = array<i32>} : memref<4x128x64xf32, #tpu.memory_space<vmem>>, vector<16xf32>,
        %get3A_618 = arith.constant 3 : i32
        %get3A_619 = arith.index_cast %get3A_618 : i32 to index
        %get3A_620 = arith.index_cast %add3A_591 : i32 to index
        %get3A_621 = arith.constant 32 : index
        %get3A_622 = tpu.vector_load %arg6[%get3A_619, %get3A_620, %get3A_621] {strides = array<i32>} : memref<4x128x64xf32, #tpu.memory_space<vmem>>, vector<16xf32>,
        %mul3A_623 = arith.constant 8.000000e+00 : f32
        %mul3A_624 = vector.broadcast %mul3A_623 : f32 to vector<16xf32>
        %mul3A_625 = arith.mulf %get3A_622, %mul3A_624 : vector<16xf32>
        %swap3A_626 = arith.constant 3 : i32
        %swap3A_627 = arith.index_cast %swap3A_626 : i32 to index
        %swap3A_628 = arith.index_cast %add3A_591 : i32 to index
        %swap3A_629 = arith.constant 32 : index
        %swap3A_630 = tpu.vector_load %arg6[%swap3A_627, %swap3A_628, %swap3A_629] {strides = array<i32>} : memref<4x128x64xf32, #tpu.memory_space<vmem>>, vector<16xf32>,
        tpu.vector_store %arg6[%swap3A_627, %swap3A_628, %swap3A_629], %mul3A_625 {strides = array<i32>} : memref<4x128x64xf32, #tpu.memory_space<vmem>>, vector<16xf32>,
        %get3A_631 = arith.constant 3 : i32
        %get3A_632 = arith.index_cast %get3A_631 : i32 to index
        %get3A_633 = arith.index_cast %add3A_591 : i32 to index
        %get3A_634 = arith.constant 48 : index
        %get3A_635 = tpu.vector_load %arg6[%get3A_632, %get3A_633, %get3A_634] {strides = array<i32>} : memref<4x128x64xf32, #tpu.memory_space<vmem>>, vector<16xf32>,
        %mul3A_636 = arith.constant 8.000000e+00 : f32
        %mul3A_637 = vector.broadcast %mul3A_636 : f32 to vector<16xf32>
        %mul3A_638 = arith.mulf %get3A_635, %mul3A_637 : vector<16xf32>
        %swap3A_639 = arith.constant 3 : i32
        %swap3A_640 = arith.index_cast %swap3A_639 : i32 to index
        %swap3A_641 = arith.index_cast %add3A_591 : i32 to index
        %swap3A_642 = arith.constant 48 : index
        %swap3A_643 = tpu.vector_load %arg6[%swap3A_640, %swap3A_641, %swap3A_642] {strides = array<i32>} : memref<4x128x64xf32, #tpu.memory_space<vmem>>, vector<16xf32>,
        tpu.vector_store %arg6[%swap3A_640, %swap3A_641, %swap3A_642], %mul3A_638 {strides = array<i32>} : memref<4x128x64xf32, #tpu.memory_space<vmem>>, vector<16xf32>,
        %scan3A_644 = arith.constant 6 : i32
        %scan3A_645 = arith.addi %scan3A_299, %scan3A_644 : i32
        %mul3A_646 = arith.constant 1 : i32
        %mul3A_647 = arith.muli %scan3A_645, %mul3A_646 : i32
        %add3A_648 = arith.constant 0 : i32
        %add3A_649 = arith.addi %add3A_648, %mul3A_647 : i32
        %get3A_650 = arith.constant 3 : i32
        %get3A_651 = arith.index_cast %get3A_650 : i32 to index
        %get3A_652 = arith.index_cast %add3A_649 : i32 to index
        %get3A_653 = arith.constant 0 : index
        %get3A_654 = tpu.vector_load %arg6[%get3A_651, %get3A_652, %get3A_653] {strides = array<i32>} : memref<4x128x64xf32, #tpu.memory_space<vmem>>, vector<16xf32>,
        %mul3A_655 = arith.constant 8.000000e+00 : f32
        %mul3A_656 = vector.broadcast %mul3A_655 : f32 to vector<16xf32>
        %mul3A_657 = arith.mulf %get3A_654, %mul3A_656 : vector<16xf32>
        %swap3A_658 = arith.constant 3 : i32
        %swap3A_659 = arith.index_cast %swap3A_658 : i32 to index
        %swap3A_660 = arith.index_cast %add3A_649 : i32 to index
        %swap3A_661 = arith.constant 0 : index
        %swap3A_662 = tpu.vector_load %arg6[%swap3A_659, %swap3A_660, %swap3A_661] {strides = array<i32>} : memref<4x128x64xf32, #tpu.memory_space<vmem>>, vector<16xf32>,
        tpu.vector_store %arg6[%swap3A_659, %swap3A_660, %swap3A_661], %mul3A_657 {strides = array<i32>} : memref<4x128x64xf32, #tpu.memory_space<vmem>>, vector<16xf32>,
        %get3A_663 = arith.constant 3 : i32
        %get3A_664 = arith.index_cast %get3A_663 : i32 to index
        %get3A_665 = arith.index_cast %add3A_649 : i32 to index
        %get3A_666 = arith.constant 16 : index
        %get3A_667 = tpu.vector_load %arg6[%get3A_664, %get3A_665, %get3A_666] {strides = array<i32>} : memref<4x128x64xf32, #tpu.memory_space<vmem>>, vector<16xf32>,
        %mul3A_668 = arith.constant 8.000000e+00 : f32
        %mul3A_669 = vector.broadcast %mul3A_668 : f32 to vector<16xf32>
        %mul3A_670 = arith.mulf %get3A_667, %mul3A_669 : vector<16xf32>
        %swap3A_671 = arith.constant 3 : i32
        %swap3A_672 = arith.index_cast %swap3A_671 : i32 to index
        %swap3A_673 = arith.index_cast %add3A_649 : i32 to index
        %swap3A_674 = arith.constant 16 : index
        %swap3A_675 = tpu.vector_load %arg6[%swap3A_672, %swap3A_673, %swap3A_674] {strides = array<i32>} : memref<4x128x64xf32, #tpu.memory_space<vmem>>, vector<16xf32>,
        tpu.vector_store %arg6[%swap3A_672, %swap3A_673, %swap3A_674], %mul3A_670 {strides = array<i32>} : memref<4x128x64xf32, #tpu.memory_space<vmem>>, vector<16xf32>,
        %get3A_676 = arith.constant 3 : i32
        %get3A_677 = arith.index_cast %get3A_676 : i32 to index
        %get3A_678 = arith.index_cast %add3A_649 : i32 to index
        %get3A_679 = arith.constant 32 : index
        %get3A_680 = tpu.vector_load %arg6[%get3A_677, %get3A_678, %get3A_679] {strides = array<i32>} : memref<4x128x64xf32, #tpu.memory_space<vmem>>, vector<16xf32>,
        %mul3A_681 = arith.constant 8.000000e+00 : f32
        %mul3A_682 = vector.broadcast %mul3A_681 : f32 to vector<16xf32>
        %mul3A_683 = arith.mulf %get3A_680, %mul3A_682 : vector<16xf32>
        %swap3A_684 = arith.constant 3 : i32
        %swap3A_685 = arith.index_cast %swap3A_684 : i32 to index
        %swap3A_686 = arith.index_cast %add3A_649 : i32 to index
        %swap3A_687 = arith.constant 32 : index
        %swap3A_688 = tpu.vector_load %arg6[%swap3A_685, %swap3A_686, %swap3A_687] {strides = array<i32>} : memref<4x128x64xf32, #tpu.memory_space<vmem>>, vector<16xf32>,
        tpu.vector_store %arg6[%swap3A_685, %swap3A_686, %swap3A_687], %mul3A_683 {strides = array<i32>} : memref<4x128x64xf32, #tpu.memory_space<vmem>>, vector<16xf32>,
        %get3A_689 = arith.constant 3 : i32
        %get3A_690 = arith.index_cast %get3A_689 : i32 to index
        %get3A_691 = arith.index_cast %add3A_649 : i32 to index
        %get3A_692 = arith.constant 48 : index
        %get3A_693 = tpu.vector_load %arg6[%get3A_690, %get3A_691, %get3A_692] {strides = array<i32>} : memref<4x128x64xf32, #tpu.memory_space<vmem>>, vector<16xf32>,
        %mul3A_694 = arith.constant 8.000000e+00 : f32
        %mul3A_695 = vector.broadcast %mul3A_694 : f32 to vector<16xf32>
        %mul3A_696 = arith.mulf %get3A_693, %mul3A_695 : vector<16xf32>
        %swap3A_697 = arith.constant 3 : i32
        %swap3A_698 = arith.index_cast %swap3A_697 : i32 to index
        %swap3A_699 = arith.index_cast %add3A_649 : i32 to index
        %swap3A_700 = arith.constant 48 : index
        %swap3A_701 = tpu.vector_load %arg6[%swap3A_698, %swap3A_699, %swap3A_700] {strides = array<i32>} : memref<4x128x64xf32, #tpu.memory_space<vmem>>, vector<16xf32>,
        tpu.vector_store %arg6[%swap3A_698, %swap3A_699, %swap3A_700], %mul3A_696 {strides = array<i32>} : memref<4x128x64xf32, #tpu.memory_space<vmem>>, vector<16xf32>,
        %scan3A_702 = arith.constant 7 : i32
        %scan3A_703 = arith.addi %scan3A_299, %scan3A_702 : i32
        %mul3A_704 = arith.constant 1 : i32
        %mul3A_705 = arith.muli %scan3A_703, %mul3A_704 : i32
        %add3A_706 = arith.constant 0 : i32
        %add3A_707 = arith.addi %add3A_706, %mul3A_705 : i32
        %get3A_708 = arith.constant 3 : i32
        %get3A_709 = arith.index_cast %get3A_708 : i32 to index
        %get3A_710 = arith.index_cast %add3A_707 : i32 to index
        %get3A_711 = arith.constant 0 : index
        %get3A_712 = tpu.vector_load %arg6[%get3A_709, %get3A_710, %get3A_711] {strides = array<i32>} : memref<4x128x64xf32, #tpu.memory_space<vmem>>, vector<16xf32>,
        %mul3A_713 = arith.constant 8.000000e+00 : f32
        %mul3A_714 = vector.broadcast %mul3A_713 : f32 to vector<16xf32>
        %mul3A_715 = arith.mulf %get3A_712, %mul3A_714 : vector<16xf32>
        %swap3A_716 = arith.constant 3 : i32
        %swap3A_717 = arith.index_cast %swap3A_716 : i32 to index
        %swap3A_718 = arith.index_cast %add3A_707 : i32 to index
        %swap3A_719 = arith.constant 0 : index
        %swap3A_720 = tpu.vector_load %arg6[%swap3A_717, %swap3A_718, %swap3A_719] {strides = array<i32>} : memref<4x128x64xf32, #tpu.memory_space<vmem>>, vector<16xf32>,
        tpu.vector_store %arg6[%swap3A_717, %swap3A_718, %swap3A_719], %mul3A_715 {strides = array<i32>} : memref<4x128x64xf32, #tpu.memory_space<vmem>>, vector<16xf32>,
        %get3A_721 = arith.constant 3 : i32
        %get3A_722 = arith.index_cast %get3A_721 : i32 to index
        %get3A_723 = arith.index_cast %add3A_707 : i32 to index
        %get3A_724 = arith.constant 16 : index
        %get3A_725 = tpu.vector_load %arg6[%get3A_722, %get3A_723, %get3A_724] {strides = array<i32>} : memref<4x128x64xf32, #tpu.memory_space<vmem>>, vector<16xf32>,
        %mul3A_726 = arith.constant 8.000000e+00 : f32
        %mul3A_727 = vector.broadcast %mul3A_726 : f32 to vector<16xf32>
        %mul3A_728 = arith.mulf %get3A_725, %mul3A_727 : vector<16xf32>
        %swap3A_729 = arith.constant 3 : i32
        %swap3A_730 = arith.index_cast %swap3A_729 : i32 to index
        %swap3A_731 = arith.index_cast %add3A_707 : i32 to index
        %swap3A_732 = arith.constant 16 : index
        %swap3A_733 = tpu.vector_load %arg6[%swap3A_730, %swap3A_731, %swap3A_732] {strides = array<i32>} : memref<4x128x64xf32, #tpu.memory_space<vmem>>, vector<16xf32>,
        tpu.vector_store %arg6[%swap3A_730, %swap3A_731, %swap3A_732], %mul3A_728 {strides = array<i32>} : memref<4x128x64xf32, #tpu.memory_space<vmem>>, vector<16xf32>,
        %get3A_734 = arith.constant 3 : i32
        %get3A_735 = arith.index_cast %get3A_734 : i32 to index
        %get3A_736 = arith.index_cast %add3A_707 : i32 to index
        %get3A_737 = arith.constant 32 : index
        %get3A_738 = tpu.vector_load %arg6[%get3A_735, %get3A_736, %get3A_737] {strides = array<i32>} : memref<4x128x64xf32, #tpu.memory_space<vmem>>, vector<16xf32>,
        %mul3A_739 = arith.constant 8.000000e+00 : f32
        %mul3A_740 = vector.broadcast %mul3A_739 : f32 to vector<16xf32>
        %mul3A_741 = arith.mulf %get3A_738, %mul3A_740 : vector<16xf32>
        %swap3A_742 = arith.constant 3 : i32
        %swap3A_743 = arith.index_cast %swap3A_742 : i32 to index
        %swap3A_744 = arith.index_cast %add3A_707 : i32 to index
        %swap3A_745 = arith.constant 32 : index
        %swap3A_746 = tpu.vector_load %arg6[%swap3A_743, %swap3A_744, %swap3A_745] {strides = array<i32>} : memref<4x128x64xf32, #tpu.memory_space<vmem>>, vector<16xf32>,
        tpu.vector_store %arg6[%swap3A_743, %swap3A_744, %swap3A_745], %mul3A_741 {strides = array<i32>} : memref<4x128x64xf32, #tpu.memory_space<vmem>>, vector<16xf32>,
        %get3A_747 = arith.constant 3 : i32
        %get3A_748 = arith.index_cast %get3A_747 : i32 to index
        %get3A_749 = arith.index_cast %add3A_707 : i32 to index
        %get3A_750 = arith.constant 48 : index
        %get3A_751 = tpu.vector_load %arg6[%get3A_748, %get3A_749, %get3A_750] {strides = array<i32>} : memref<4x128x64xf32, #tpu.memory_space<vmem>>, vector<16xf32>,
        %mul3A_752 = arith.constant 8.000000e+00 : f32
        %mul3A_753 = vector.broadcast %mul3A_752 : f32 to vector<16xf32>
        %mul3A_754 = arith.mulf %get3A_751, %mul3A_753 : vector<16xf32>
        %swap3A_755 = arith.constant 3 : i32
        %swap3A_756 = arith.index_cast %swap3A_755 : i32 to index
        %swap3A_757 = arith.index_cast %add3A_707 : i32 to index
        %swap3A_758 = arith.constant 48 : index
        %swap3A_759 = tpu.vector_load %arg6[%swap3A_756, %swap3A_757, %swap3A_758] {strides = array<i32>} : memref<4x128x64xf32, #tpu.memory_space<vmem>>, vector<16xf32>,
        tpu.vector_store %arg6[%swap3A_756, %swap3A_757, %swap3A_758], %mul3A_754 {strides = array<i32>} : memref<4x128x64xf32, #tpu.memory_space<vmem>>, vector<16xf32>,
      }
      %scan3A_279 = arith.constant 128 : i32
      %mul3A_280 = arith.constant 128 : i32
      %mul3A_281 = arith.muli %add3A_253, %mul3A_280 : i32
      %add3A_282 = arith.addi %mul3A_2, %mul3A_281 : i32
      %dma_start3A_283 = arith.constant 3 : i32
      %dma_start3A_284 = arith.constant 3 : i32
      %dma_start3A_285 = arith.constant 0 : i32
      %dma_start3A_286 = arith.constant 0 : i32
      %dma_start3A_287 = tpu.memref_slice %arg6[%dma_start3A_283, %dma_start3A_285, %dma_start3A_286] : memref<4x128x64xf32, #tpu.memory_space<vmem>> -> memref<1x128x64xf32, #tpu.memory_space<vmem>>
      %dma_start3A_288 = tpu.memref_squeeze %dma_start3A_287 : memref<1x128x64xf32, #tpu.memory_space<vmem>> -> memref<128x64xf32, #tpu.memory_space<vmem>>
      %dma_start3A_289 = arith.constant 0 : i32
      %dma_start3A_290 = tpu.memref_slice %arg4[%add3A_282, %dma_start3A_289] : memref<819200x64xf32, #tpu.memory_space<hbm>> -> memref<128x64xf32, #tpu.memory_space<hbm>>
      %dma_start3A_291 = tpu.memref_slice %arg8[%dma_start3A_284] : memref<4x!tpu.dma_semaphore, #tpu.memory_space<semaphore_mem>> -> memref<1x!tpu.dma_semaphore, #tpu.memory_space<semaphore_mem>>
      %dma_start3A_292 = tpu.memref_squeeze %dma_start3A_291 : memref<1x!tpu.dma_semaphore, #tpu.memory_space<semaphore_mem>> -> memref<!tpu.dma_semaphore, #tpu.memory_space<semaphore_mem>>
      %dma_start3A_293 = arith.constant 0 : i32
      %dma_start3A_294 = tpu.memref_slice %arg4[%add3A_282, %dma_start3A_293] : memref<819200x64xf32, #tpu.memory_space<hbm>> -> memref<128x64xf32, #tpu.memory_space<hbm>>
      %dma_start3A_295 = arith.constant 0 : i32
      %dma_start3A_296 = arith.constant 0 : i32
      %dma_start3A_297 = tpu.memref_slice %arg6[%dma_start3A_283, %dma_start3A_295, %dma_start3A_296] : memref<4x128x64xf32, #tpu.memory_space<vmem>> -> memref<1x128x64xf32, #tpu.memory_space<vmem>>
      %dma_start3A_298 = tpu.memref_squeeze %dma_start3A_297 : memref<1x128x64xf32, #tpu.memory_space<vmem>> -> memref<128x64xf32, #tpu.memory_space<vmem>>
      tpu.enqueue_dma source(%dma_start3A_298 : memref<128x64xf32, #tpu.memory_space<vmem>>) target(%dma_start3A_294 : memref<128x64xf32, #tpu.memory_space<hbm>>) target_semaphore(%dma_start3A_292 : memref<!tpu.dma_semaphore, #tpu.memory_space<semaphore_mem>>)
    }
    %scan3A_37 = arith.constant 50 : i32
    %add3A_38 = arith.constant 25088 : i32
    %add3A_39 = arith.addi %mul3A_2, %add3A_38 : i32
    %dma_wait3A = arith.constant 0 : i32
    %dma_wait3A_40 = arith.constant 0 : i32
    %dma_wait3A_41 = arith.constant 0 : i32
    %dma_wait3A_42 = arith.constant 0 : i32
    %dma_wait3A_43 = tpu.memref_slice %arg6[%dma_wait3A, %dma_wait3A_41, %dma_wait3A_42] : memref<4x128x64xf32, #tpu.memory_space<vmem>> -> memref<1x128x64xf32, #tpu.memory_space<vmem>>
    %dma_wait3A_44 = tpu.memref_squeeze %dma_wait3A_43 : memref<1x128x64xf32, #tpu.memory_space<vmem>> -> memref<128x64xf32, #tpu.memory_space<vmem>>
    %dma_wait3A_45 = arith.constant 0 : i32
    %dma_wait3A_46 = tpu.memref_slice %arg4[%add3A_39, %dma_wait3A_45] : memref<819200x64xf32, #tpu.memory_space<hbm>> -> memref<128x64xf32, #tpu.memory_space<hbm>>
    %dma_wait3A_47 = tpu.memref_slice %arg8[%dma_wait3A_40] : memref<4x!tpu.dma_semaphore, #tpu.memory_space<semaphore_mem>> -> memref<1x!tpu.dma_semaphore, #tpu.memory_space<semaphore_mem>>
    %dma_wait3A_48 = tpu.memref_squeeze %dma_wait3A_47 : memref<1x!tpu.dma_semaphore, #tpu.memory_space<semaphore_mem>> -> memref<!tpu.dma_semaphore, #tpu.memory_space<semaphore_mem>>
    %dma_wait3A_49 = arith.constant 0 : i32
    %dma_wait3A_50 = tpu.memref_slice %arg4[%add3A_39, %dma_wait3A_49] : memref<819200x64xf32, #tpu.memory_space<hbm>> -> memref<128x64xf32, #tpu.memory_space<hbm>>
    %dma_wait3A_51 = arith.constant 0 : i32
    %dma_wait3A_52 = arith.constant 0 : i32
    %dma_wait3A_53 = tpu.memref_slice %arg6[%dma_wait3A, %dma_wait3A_51, %dma_wait3A_52] : memref<4x128x64xf32, #tpu.memory_space<vmem>> -> memref<1x128x64xf32, #tpu.memory_space<vmem>>
    %dma_wait3A_54 = tpu.memref_squeeze %dma_wait3A_53 : memref<1x128x64xf32, #tpu.memory_space<vmem>> -> memref<128x64xf32, #tpu.memory_space<vmem>>
    tpu.wait_dma2 semaphore(%dma_wait3A_48 : memref<!tpu.dma_semaphore, #tpu.memory_space<semaphore_mem>>) src(%dma_wait3A_54 : memref<128x64xf32, #tpu.memory_space<vmem>>) dst(%dma_wait3A_50 : memref<128x64xf32, #tpu.memory_space<hbm>>)
    %add3A_55 = arith.constant 25216 : i32
    %add3A_56 = arith.addi %mul3A_2, %add3A_55 : i32
    %dma_wait3A_57 = arith.constant 1 : i32
    %dma_wait3A_58 = arith.constant 1 : i32
    %dma_wait3A_59 = arith.constant 0 : i32
    %dma_wait3A_60 = arith.constant 0 : i32
    %dma_wait3A_61 = tpu.memref_slice %arg6[%dma_wait3A_57, %dma_wait3A_59, %dma_wait3A_60] : memref<4x128x64xf32, #tpu.memory_space<vmem>> -> memref<1x128x64xf32, #tpu.memory_space<vmem>>
    %dma_wait3A_62 = tpu.memref_squeeze %dma_wait3A_61 : memref<1x128x64xf32, #tpu.memory_space<vmem>> -> memref<128x64xf32, #tpu.memory_space<vmem>>
    %dma_wait3A_63 = arith.constant 0 : i32
    %dma_wait3A_64 = tpu.memref_slice %arg4[%add3A_56, %dma_wait3A_63] : memref<819200x64xf32, #tpu.memory_space<hbm>> -> memref<128x64xf32, #tpu.memory_space<hbm>>
    %dma_wait3A_65 = tpu.memref_slice %arg8[%dma_wait3A_58] : memref<4x!tpu.dma_semaphore, #tpu.memory_space<semaphore_mem>> -> memref<1x!tpu.dma_semaphore, #tpu.memory_space<semaphore_mem>>
    %dma_wait3A_66 = tpu.memref_squeeze %dma_wait3A_65 : memref<1x!tpu.dma_semaphore, #tpu.memory_space<semaphore_mem>> -> memref<!tpu.dma_semaphore, #tpu.memory_space<semaphore_mem>>
    %dma_wait3A_67 = arith.constant 0 : i32
    %dma_wait3A_68 = tpu.memref_slice %arg4[%add3A_56, %dma_wait3A_67] : memref<819200x64xf32, #tpu.memory_space<hbm>> -> memref<128x64xf32, #tpu.memory_space<hbm>>
    %dma_wait3A_69 = arith.constant 0 : i32
    %dma_wait3A_70 = arith.constant 0 : i32
    %dma_wait3A_71 = tpu.memref_slice %arg6[%dma_wait3A_57, %dma_wait3A_69, %dma_wait3A_70] : memref<4x128x64xf32, #tpu.memory_space<vmem>> -> memref<1x128x64xf32, #tpu.memory_space<vmem>>
    %dma_wait3A_72 = tpu.memref_squeeze %dma_wait3A_71 : memref<1x128x64xf32, #tpu.memory_space<vmem>> -> memref<128x64xf32, #tpu.memory_space<vmem>>
    tpu.wait_dma2 semaphore(%dma_wait3A_66 : memref<!tpu.dma_semaphore, #tpu.memory_space<semaphore_mem>>) src(%dma_wait3A_72 : memref<128x64xf32, #tpu.memory_space<vmem>>) dst(%dma_wait3A_68 : memref<128x64xf32, #tpu.memory_space<hbm>>)
    %add3A_73 = arith.constant 25344 : i32
    %add3A_74 = arith.addi %mul3A_2, %add3A_73 : i32
    %dma_wait3A_75 = arith.constant 2 : i32
    %dma_wait3A_76 = arith.constant 2 : i32
    %dma_wait3A_77 = arith.constant 0 : i32
    %dma_wait3A_78 = arith.constant 0 : i32
    %dma_wait3A_79 = tpu.memref_slice %arg6[%dma_wait3A_75, %dma_wait3A_77, %dma_wait3A_78] : memref<4x128x64xf32, #tpu.memory_space<vmem>> -> memref<1x128x64xf32, #tpu.memory_space<vmem>>
    %dma_wait3A_80 = tpu.memref_squeeze %dma_wait3A_79 : memref<1x128x64xf32, #tpu.memory_space<vmem>> -> memref<128x64xf32, #tpu.memory_space<vmem>>
    %dma_wait3A_81 = arith.constant 0 : i32
    %dma_wait3A_82 = tpu.memref_slice %arg4[%add3A_74, %dma_wait3A_81] : memref<819200x64xf32, #tpu.memory_space<hbm>> -> memref<128x64xf32, #tpu.memory_space<hbm>>
    %dma_wait3A_83 = tpu.memref_slice %arg8[%dma_wait3A_76] : memref<4x!tpu.dma_semaphore, #tpu.memory_space<semaphore_mem>> -> memref<1x!tpu.dma_semaphore, #tpu.memory_space<semaphore_mem>>
    %dma_wait3A_84 = tpu.memref_squeeze %dma_wait3A_83 : memref<1x!tpu.dma_semaphore, #tpu.memory_space<semaphore_mem>> -> memref<!tpu.dma_semaphore, #tpu.memory_space<semaphore_mem>>
    %dma_wait3A_85 = arith.constant 0 : i32
    %dma_wait3A_86 = tpu.memref_slice %arg4[%add3A_74, %dma_wait3A_85] : memref<819200x64xf32, #tpu.memory_space<hbm>> -> memref<128x64xf32, #tpu.memory_space<hbm>>
    %dma_wait3A_87 = arith.constant 0 : i32
    %dma_wait3A_88 = arith.constant 0 : i32
    %dma_wait3A_89 = tpu.memref_slice %arg6[%dma_wait3A_75, %dma_wait3A_87, %dma_wait3A_88] : memref<4x128x64xf32, #tpu.memory_space<vmem>> -> memref<1x128x64xf32, #tpu.memory_space<vmem>>
    %dma_wait3A_90 = tpu.memref_squeeze %dma_wait3A_89 : memref<1x128x64xf32, #tpu.memory_space<vmem>> -> memref<128x64xf32, #tpu.memory_space<vmem>>
    tpu.wait_dma2 semaphore(%dma_wait3A_84 : memref<!tpu.dma_semaphore, #tpu.memory_space<semaphore_mem>>) src(%dma_wait3A_90 : memref<128x64xf32, #tpu.memory_space<vmem>>) dst(%dma_wait3A_86 : memref<128x64xf32, #tpu.memory_space<hbm>>)
    %add3A_91 = arith.constant 25472 : i32
    %add3A_92 = arith.addi %mul3A_2, %add3A_91 : i32
    %dma_wait3A_93 = arith.constant 3 : i32
    %dma_wait3A_94 = arith.constant 3 : i32
    %dma_wait3A_95 = arith.constant 0 : i32
    %dma_wait3A_96 = arith.constant 0 : i32
    %dma_wait3A_97 = tpu.memref_slice %arg6[%dma_wait3A_93, %dma_wait3A_95, %dma_wait3A_96] : memref<4x128x64xf32, #tpu.memory_space<vmem>> -> memref<1x128x64xf32, #tpu.memory_space<vmem>>
    %dma_wait3A_98 = tpu.memref_squeeze %dma_wait3A_97 : memref<1x128x64xf32, #tpu.memory_space<vmem>> -> memref<128x64xf32, #tpu.memory_space<vmem>>
    %dma_wait3A_99 = arith.constant 0 : i32
    %dma_wait3A_100 = tpu.memref_slice %arg4[%add3A_92, %dma_wait3A_99] : memref<819200x64xf32, #tpu.memory_space<hbm>> -> memref<128x64xf32, #tpu.memory_space<hbm>>
    %dma_wait3A_101 = tpu.memref_slice %arg8[%dma_wait3A_94] : memref<4x!tpu.dma_semaphore, #tpu.memory_space<semaphore_mem>> -> memref<1x!tpu.dma_semaphore, #tpu.memory_space<semaphore_mem>>
    %dma_wait3A_102 = tpu.memref_squeeze %dma_wait3A_101 : memref<1x!tpu.dma_semaphore, #tpu.memory_space<semaphore_mem>> -> memref<!tpu.dma_semaphore, #tpu.memory_space<semaphore_mem>>
    %dma_wait3A_103 = arith.constant 0 : i32
    %dma_wait3A_104 = tpu.memref_slice %arg4[%add3A_92, %dma_wait3A_103] : memref<819200x64xf32, #tpu.memory_space<hbm>> -> memref<128x64xf32, #tpu.memory_space<hbm>>
    %dma_wait3A_105 = arith.constant 0 : i32
    %dma_wait3A_106 = arith.constant 0 : i32
    %dma_wait3A_107 = tpu.memref_slice %arg6[%dma_wait3A_93, %dma_wait3A_105, %dma_wait3A_106] : memref<4x128x64xf32, #tpu.memory_space<vmem>> -> memref<1x128x64xf32, #tpu.memory_space<vmem>>
    %dma_wait3A_108 = tpu.memref_squeeze %dma_wait3A_107 : memref<1x128x64xf32, #tpu.memory_space<vmem>> -> memref<128x64xf32, #tpu.memory_space<vmem>>
    tpu.wait_dma2 semaphore(%dma_wait3A_102 : memref<!tpu.dma_semaphore, #tpu.memory_space<semaphore_mem>>) src(%dma_wait3A_108 : memref<128x64xf32, #tpu.memory_space<vmem>>) dst(%dma_wait3A_104 : memref<128x64xf32, #tpu.memory_space<hbm>>)
    return
  }
}

</mosaic_0001>

<sc_bundles>
// kernel: _lookup.3.cloned.1.call-start
scs
__scs_entry_jumppad:
0x0: {  	(pc) =	sbr.rel $0x88, $3  }
0x1: {  	(tag) =	ssettag $0x0;
	lr =	simm.s32 $0x1  }
0x2: {  	[smem:$0x3F9F] =	sst lr;
	_ =	strace $0xD0000000  }
0x3: {  	_ = 	snop  }
0x4: {  	_ = 	snop  }
0x5: {  	_ = 	snop  }
0x6: {  	_ = 	snop  }
0x7: {  	_ = 	snop  }
__scs_overlays_trampoline_lowered:
0x8: {  	[smem:$0x3FAE] =	sst s0  }
0x9: {  	[smem:$0x3FAF] =	sst s1  }
0xa: {  	[smem:$0x3FB0] =	sst s2  }
0xb: {  	[smem:$0x3FB1] =	sst s3  }
0xc: {  	[smem:$0x3FB2] =	sst s4  }
0xd: {  	[smem:$0x3FB3] =	sst s5  }
0xe: {  	[smem:$0x3FB4] =	sst s6  }
0xf: {  	[smem:$0x3FB5] =	sst s7  }
0x10: {  	[smem:$0x3FB6] =	sst s8  }
0x11: {  	[smem:$0x3FB7] =	sst s9;
	s0 =	simm.s32 @!p0 $0x0  }
0x12: {  	s1 =	sld [smem:$0x3F9D];
	s0 =	simm.s32 @p0 $0x1  }
0x13: {  	[smem:$0x3FB8] =	sst s0;
	s0 =	simm.s32 @!p1 $0x0  }
0x14: {  	s2 =	sld [smem:$0x3F9C];
	s0 =	simm.s32 @p1 $0x1  }
0x15: {  	[smem:$0x3FB9] =	sst s0;
	s0 =	simm.s32 @!p2 $0x0  }
0x16: {  	s3 =	sld [smem:$0x3FDB];
	s0 =	simm.s32 @p2 $0x1  }
0x17: {  	s4 =	simm.s32 $0x1BF5;
	[smem:$0x3FBB] =	sst s0  }
0x18: {  	s0 =	sld [smem:$0x3F9E];
	_ =	swait.ge [sflag:s4], $0x0  }
0x19: {  	s7 =	sld [smem:$0x3F9F]  }
0x1a: {  	s8 =	sadd.s32 $0xFFFFE003, lr  }
0x1b: {  	s9 =	sadd.s32 $0xFFFFFEF7, lr;
	s5 =	simm.s32 $0xFFFFFFFF;
	p2 =	slt.u32 s8, $0xFFFFF086  }
0x1c: {  	p1 =	slt.u32 s9, $0xF7A;
	s5 =	simm.s32 @!p2 $0x0  }
0x1d: {  	s5 =	simm.s32 @p1 $0x1;
	p0 =	seq.s32 s7, s2  }
0x1e: {  	s7 =	smul.u32 @!p0 $0xF7A, s2;
	p2 =	seq.s32 @!p0 s5, $0x0  }
0x1f: {  	s9 =	smul.u32 $0xF7A, s1;
	s8 =	simm.s32 @!p0 $0x1BF5;
	p2 =	por !p2, p0  }
0x20: {  	[sflag:s8] =	ssyncset.s32 @!p0 $0xFFFFF086;
	s6 =	sadd.s32 @!p0 s3, s7;
	s7 =	simm.s32 @!p0 $0x108  }
0x21: {  	s3 =	sadd.s32 s3, s9;
	s6 =	sadd.s32 @!p0 $0x88, s6;
	s7 =	simm.s32 @p2 $0x1082  }
0x22: {  	[simem:s7], [sflag:s8] =	dma.local @!p0 [hbm:s6], $0xF7A  }
0x23: {  	s9 =	sor.u32 $0xD0000000, s2;
	s6 =	simm.s32 $0x108;
	_ =	swait.ge @!p0 [sflag:s8], $0x0  }
0x24: {  	s3 =	sadd.s32 $0x88, s3;
	s6 =	simm.s32 @!p1 $0x1082;
	[sflag:s4] =	ssyncset.s32 $0xFFFFF086  }
0x25: {  	[simem:s6], [sflag:s4] =	dma.local [hbm:s3], $0xF7A  }
0x26: {  	[smem:$0x3F9F] =	sst s1;
	(tag) =	ssettag s2;
	_ =	strace s9  }
0x27: {  	s1 =	sld [smem:$0x3FAF]  }
0x28: {  	s2 =	sld [smem:$0x3FB0]  }
0x29: {  	s4 =	sld [smem:$0x3FB2]  }
0x2a: {  	p0 =	seq.s32 s5, $0x0;
	s5 =	sld [smem:$0x3FB3]  }
0x2b: {  	s6 =	sld [smem:$0x3FB4]  }
0x2c: {  	s7 =	sld [smem:$0x3FB5]  }
0x2d: {  	s3 =	simm.s32 $0x108;
	s8 =	sld [smem:$0x3FB6]  }
0x2e: {  	s3 =	simm.s32 @!p0 $0x1082;
	s9 =	sld [smem:$0x3FB7]  }
0x2f: {  	lr =	sadd.s32 s0, s3;
	s0 =	sld [smem:$0x3FAE]  }
0x30: {  	s3 =	sld [smem:$0x3FB1]  }
0x31: {  	[smem:$0x3FBA] =	sst s10  }
0x32: {  	s10 =	sld [smem:$0x3FB8];
	_ =	sdelay $0x3  }
0x33: {  	p0 =	seq.s32 s10, $0x1;
	s10 =	sld [smem:$0x3FBA];
	_ =	sdelay $0x3  }
0x34: {  	[smem:$0x3FBA] =	sst s10  }
0x35: {  	s10 =	sld [smem:$0x3FB9];
	_ =	sdelay $0x3  }
0x36: {  	p1 =	seq.s32 s10, $0x1;
	s10 =	sld [smem:$0x3FBA];
	_ =	sdelay $0x3  }
0x37: {  	[smem:$0x3FBA] =	sst s10  }
0x38: {  	s10 =	sld [smem:$0x3FBB]  }
0x39: {  	_ = 	snop;
	(pc) =	sbr.ind lr, $3  }
0x3a: {  	_ = 	snop  }
0x3b: {  	_ = 	snop  }
0x3c: {  	p2 =	seq.s32 s10, $0x1;
	s10 =	sld [smem:$0x3FBA]  }
0x3d: {  	_ =	shalt  }
0x3e: {  	_ =	shalt  }
0x3f: {  	_ =	shalt  }
0x40: {  	_ =	shalt  }
0x41: {  	_ =	shalt  }
0x42: {  	_ =	shalt  }
0x43: {  	_ =	shalt  }
0x44: {  	_ =	shalt  }
0x45: {  	_ =	shalt  }
0x46: {  	_ =	shalt  }
0x47: {  	_ =	shalt  }
0x48: {  	_ =	shalt  }
0x49: {  	_ =	shalt  }
0x4a: {  	_ =	shalt  }
0x4b: {  	_ =	shalt  }
0x4c: {  	_ =	shalt  }
0x4d: {  	_ =	shalt  }
0x4e: {  	_ =	shalt  }
0x4f: {  	_ =	shalt  }
0x50: {  	_ =	shalt  }
0x51: {  	_ =	shalt  }
0x52: {  	_ =	shalt  }
0x53: {  	_ =	shalt  }
0x54: {  	_ =	shalt  }
0x55: {  	_ =	shalt  }
0x56: {  	_ =	shalt  }
0x57: {  	_ =	shalt  }
0x58: {  	_ =	shalt  }
0x59: {  	_ =	shalt  }
0x5a: {  	_ =	shalt  }
0x5b: {  	_ =	shalt  }
0x5c: {  	_ =	shalt  }
0x5d: {  	_ =	shalt  }
0x5e: {  	_ =	shalt  }
0x5f: {  	_ =	shalt  }
0x60: {  	_ =	shalt  }
0x61: {  	_ =	shalt  }
0x62: {  	_ =	shalt  }
0x63: {  	_ =	shalt  }
0x64: {  	_ =	shalt  }
0x65: {  	_ =	shalt  }
0x66: {  	_ =	shalt  }
0x67: {  	_ =	shalt  }
0x68: {  	_ =	shalt  }
0x69: {  	_ =	shalt  }
0x6a: {  	_ =	shalt  }
0x6b: {  	_ =	shalt  }
0x6c: {  	_ =	shalt  }
0x6d: {  	_ =	shalt  }
0x6e: {  	_ =	shalt  }
0x6f: {  	_ =	shalt  }
0x70: {  	_ =	shalt  }
0x71: {  	_ =	shalt  }
0x72: {  	_ =	shalt  }
0x73: {  	_ =	shalt  }
0x74: {  	_ =	shalt  }
0x75: {  	_ =	shalt  }
0x76: {  	_ =	shalt  }
0x77: {  	_ =	shalt  }
0x78: {  	_ =	shalt  }
0x79: {  	_ =	shalt  }
0x7a: {  	_ =	shalt  }
0x7b: {  	_ =	shalt  }
0x7c: {  	_ =	shalt  }
0x7d: {  	_ =	shalt  }
0x7e: {  	_ =	shalt  }
0x7f: {  	_ =	shalt  }
0x80: {  	_ =	shalt  }
0x81: {  	_ =	shalt  }
0x82: {  	_ =	shalt  }
0x83: {  	_ =	shalt  }
0x84: {  	_ =	shalt  }
0x85: {  	_ =	shalt  }
0x86: {  	_ =	shalt  }
0x87: {  	_ =	shalt  }
.Lfunc_end0:
.L_simem_size_0:
called_computation.1_lowered:
.L_overlay_start_0:
0x88: {  	s2 =	sld [smem:$0x3FD9]  }
0x89: {  	s3 =	sld [smem:$0x3FFE];
	_ =	sdelay $0x1  }
0x8a: {  	s1 =	srdreg.scid  }
0x8b: {  	s0 =	sand.u32 $0x1, s1  }
0x8c: {  	s17 =	sshll.u32 s0, $0xA;
	s2 =	sadd.s32 s3, s2  }
0x8d: {  	s2 =	sadd.s32 s2, s17  }
0x8e: {  	[smem:$0x3FC6] =	sst s2  }
0x8f: {  	_ = 	snop  }
0x90: {  	s2 =	sld [smem:$0x3FC9]  }
0x91: {  	s18 =	sld [smem:$0x3FD0];
	(tm) =	ssettm $0x1  }
0x92: {  	s4 =	sld [smem:$0x3FFB];
	_ =	sdelay $0x3  }
0x93: {  	_ =	strace s4  }
0x94: {  	s4 =	sld [smem:$0x3FFC];
	_ =	sdelay $0x3  }
0x95: {  	_ =	strace s4  }
0x96: {  	s4 =	sld [smem:$0x3FFD];
	_ =	sdelay $0x3  }
0x97: {  	_ =	strace s4  }
0x98: {  	_ =	strace $0x8FFFFFFF  }
0x99: {  	s19 =	sld [smem:$0x3FDB];
	_ =	sdelay $0x1  }
0x9a: {  	s5 =	simm.s32 $_scs_section_size  }
0x9b: {  	s6 =	simm.s32 $_size__tile_overlayer_lowered;
	s7 =	simm.s32 $_tile_overlayer_lowered  }
0x9c: {  	s22 =	simm.s32 $0x1BFF;
	s21 =	sshll.u32 s7, $0x1;
	s4 =	sadd.s32 s5, s19  }
0x9d: {  	s8 =	simm.s32 $0x0;
	s20 =	sshll.u32 s6, $0x1;
	s6 =	sadd.s32 s21, s4  }
0x9e: {  	[timem:s8], [sflag:s22] =	dma.local [hbm:s6], s20  }
0x9f: {  	_ =	swait.ge [sflag:s22], s20  }
0xa0: {  	s5 =	ssub.s32 $0x0, s20;
	[sflag:s22] =	ssyncset.done $0x0  }
0xa1: {  	[sflag:s22] =	ssyncadd.s32 s5;
	_ =	sdelay $0x1  }
0xa2: {  	s23 =	simm.s32 $0x1B8B  }
0xa3: {  	_ =	swait.ge [sflag:s23], $0x1  }
0xa4: {  	[sflag:s23] =	ssyncset.done $0x0  }
0xa5: {  	s25 =	simm.s32 $0x1B8E;
	s24 =	sld [smem:$0x3FFE];
	[sflag:s23] =	ssyncadd.s32 $0xFFFFFFFF  }
0xa6: {  	s26 =	simm.s32 $execute0_lowered;
	[smem:$0x3FD2] =	sst s25  }
0xa7: {  	s6 =	sshll.u32 s26, $0x1;
	_ =	strace $0x80000046;
	[dreg:$0x1] =	wrdreg $0xFFFFFFFF  }
0xa8: {  	s28 =	simm.s32 $_size_execute0_lowered;
	s4 =	sadd.s32 s4, s6;
	[dreg:$0x0] =	wrdreg $0x0  }
0xa9: {  	s6 =	sshll.u32 s28, $0x1;
	[dreg:$0x2] =	wrdreg s4  }
0xaa: {  	[dreg:$0x3] =	wrdreg s6  }
0xab: {  	[dreg:$0x4] =	wrdreg $0xC0  }
0xac: {  	_ =	task [dreg:s8], $0x5FFFF  }
0xad: {  	[dreg:$0x1] =	wrdreg $0xFFFFFFFF  }
0xae: {  	[dreg:$0x0] =	wrdreg $0x60  }
0xaf: {  	[dreg:$0x2] =	wrdreg s2  }
0xb0: {  	[dreg:$0x3] =	wrdreg s24  }
0xb1: {  	[dreg:$0x4] =	wrdreg s18  }
0xb2: {  	[dreg:$0x5] =	wrdreg $0x9  }
0xb3: {  	_ =	task.clear_ibuf [dreg:s8], $0x6FFFF;
	_ =	strace $0x90000046  }
0xb4: {  	s29 =	simm.s32 $0x9;
	_ =	strace $0x80000048  }
0xb5: {  	_ =	swait.ge [sflag:s29], $0x1  }
0xb6: {  	[sflag:s29] =	ssyncadd.s32 $0xFFFFFFFF  }
0xb7: {  	_ =	strace $0x90000048  }
0xb8: {  	_ =	sfence  }
0xb9: {  	s30 =	sld [smem:$0x0];
	_ =	sdelay $0x2  }
0xba: {  	s31 =	sshll.u32 s1, $0xD;
	s1 =	sshrl.u32 s1, $0x2  }
0xbb: {  	s3 =	sand.u32 $0x4000, s31;
	s1 =	sadd.s32 s1, s30  }
0xbc: {  	s0 =	sor.u32 s3, s0;
	s1 =	sshll.u32 s1, $0x11  }
0xbd: {  	s0 =	sor.u32 s1, s0  }
0xbe: {  	s0 =	sadd.s32 $0x8F2B, s0  }
0xbf: {  	[sflag:s0] =	ssyncadd.remote.s32 $0x1  }
0xc0: {  	_ =	sfence.sel $0xFFFF  }
0xc1: {  	[dreg:$0x0] =	wrdreg $0xFFFFFFFF;
	(pc) =	sbr.abs _section_cstart, $3  }
0xc2: {  	[dreg:$0x1] =	wrdreg $0xFFFFFFFF  }
0xc3: {  	_ =	task.clear_ibuf [dreg:s8], $0x2FFFF;
	_ =	strace $0x9FFFFFFF  }
0xc4: {  	(tm) =	ssettm $0x7FFFFFFF  }
0xc5: {  	_ =	shalt  }
tec
execute0_lowered:
.L_overlay_start_1:
0x0: {  	(tag) =	ssettag $0x1  }
0x1: {  	s5 =	rddreg [dreg:$0x0]  }
0x2: {  	s1 =	srdreg.scid;
	s4 =	rddreg [dreg:$0x1]  }
0x3: {  	s0 =	stileid.u32;
	s2 =	rddreg [dreg:$0x2]  }
0x4: {  	s3 =	simm.s32 $0x0;
	s11 =	simm.s32 $0x6400;
	s12 =	simm.s32 $0x8400  }
0x5: {  	s13 =	simm.s32 $0xA400;
	s14 =	simm.s32 $0x1;
	s15 =	simm.s32 $0xC400  }
0x6: {  	s16 =	simm.s32 $0x2;
	s17 =	simm.s32 $0x3;
	s18 =	simm.s32 $0x4  }
0x7: {  	s19 =	simm.s32 $0x5;
	s20 =	simm.s32 $0x6;
	s21 =	simm.s32 $0x7  }
0x8: {  	s22 =	simm.s32 $0x8;
	s6 =	sand.u32 $0x1, s1;
	s30 =	sshll.u32 s0, $0x1  }
0x9: {  	s23 =	simm.s32 $0x0;
	s1 =	rddreg [dreg:$0x3];
	s7 =	sor.u32 s6, s30  }
0xa: {  	[smem:$0x7FF] =	sst s3;
	s6 =	ssub.s32 $0x2, s6;
	s8 =	smul.u32 $0xC80, s7  }
0xb: {  	s4 =	sadd.s32 $0xF42C00, s4;
	s9 =	smul.u32 $0x32000, s7;
	s10 =	sshrl.u32 s6, $0x1  }
0xc: {  	_ =	strace $0x80000047;
	s10 =	ssub.s32 s6, s10;
	s6 =	smul.u32 $0x190000, s7  }
0xd: {  	s5 =	sadd.s32 s5, s8;
	s31 =	sadd.s32 s9, s2;
	s7 =	smax.u32 s10, $0x1  }
0xe: {  	s9 =	simm.s32 $0x9;
	s10 =	simm.s32 $0x80;
	s8 =	sadd.s32 $0x400, s31  }
.LBB2_1:
0xf: {  	[tilespmem:s3], [sflag:$0x9] =	stream.linear.gather [hbm4b:s5+s3], $0x6400, $0x38;
	[tilespmem:$0xE400] =	vst v63  }
0x10: {  	_ =	swait.ge [sflag:s9], $0x6400  }
0x11: {  	[sflag:s9] =	ssyncset.done $0x0  }
0x12: {  	[sflag:s9] =	ssyncadd.s32 $0xFFFF9C00  }
0x13: {  	[tilespmem:s11], [sflag:$0x1] =	stream.indirect.gather [hbm4b:s4+s10], $0x40, s3, s10, $0xb8;
	[tilespmem:$0xE400] =	vst v63  }
0x14: {  	s24 =	simm.s32 $0x0  }
0x15: {  	[tilespmem:s12], [sflag:$0x2] =	stream.indirect.gather [hbm4b:s4+s10], $0x40, s10, s10, $0xb8;
	[tilespmem:$0xE400] =	vst v63  }
.LBB2_2:
0x16: {  	p0 =	seq.s32 s24, $0x0  }
0x17: {  	s26 =	sshll.u32 s24, $0x2;
	s28 =	simm.s32 @!p0 $0x7  }
0x18: {  	s25 =	sor.u32 $0x2, s26;
	_ =	swait.ge @!p0 [sflag:s28], $0x2000  }
0x19: {  	s29 =	sshll.u32 s25, $0x7;
	[sflag:s28] =	ssyncset.done @!p0 $0x0  }
0x1a: {  	[sflag:s28] =	ssyncadd.s32 @!p0 $0xFFFFE000;
	s28 =	sand.u32 $0x3FFFFF80, s29  }
0x1b: {  	[tilespmem:s13], [sflag:$0x3] =	stream.indirect.gather [hbm4b:s4+s10], $0x40, s28, s10, $0xb8;
	[tilespmem:$0xE400] =	vst v63  }
0x1c: {  	_ =	swait.ge [sflag:s14], $0x2000  }
0x1d: {  	[sflag:s14] =	ssyncset.done $0x0  }
0x1e: {  	s28 =	simm.s32 $0x6500;
	[sflag:s14] =	ssyncadd.s32 $0xFFFFE000  }
0x1f: {  	v0 =	vld [tilespmem:s28+$0xFFFFFF00]  }
0x20: {  	v1 =	vld [tilespmem:s28+$0xFFFFFF10]  }
0x21: {  	v2 =	vld [tilespmem:s28+$0xFFFFFF20]  }
0x22: {  	v3 =	vld [tilespmem:s28+$0xFFFFFF30]  }
0x23: {  	v4 =	vld [tilespmem:s28+$0xFFFFFF40]  }
0x24: {  	v5 =	vld [tilespmem:s28+$0xFFFFFF50];
	v0 =	vmul.f32 $8.000000000e+00, v0  }
0x25: {  	v6 =	vld [tilespmem:s28+$0xFFFFFF60];
	v1 =	vmul.f32 $8.000000000e+00, v1  }
0x26: {  	[tilespmem:s28+$0xFFFFFF00] =	vst v0;
	v0 =	vmul.f32 $8.000000000e+00, v2;
	v2 =	vld [tilespmem:s28+$0xFFFFFF70]  }
0x27: {  	[tilespmem:s28+$0xFFFFFF10] =	vst v1;
	v1 =	vmul.f32 $8.000000000e+00, v3;
	v3 =	vld [tilespmem:s28+$0xFFFFFF80]  }
0x28: {  	[tilespmem:s28+$0xFFFFFF20] =	vst v0;
	v0 =	vmul.f32 $8.000000000e+00, v4;
	v4 =	vld [tilespmem:s28+$0xFFFFFF90]  }
0x29: {  	[tilespmem:s28+$0xFFFFFF30] =	vst v1;
	v1 =	vmul.f32 $8.000000000e+00, v5;
	v5 =	vld [tilespmem:s28+$0xFFFFFFA0]  }
0x2a: {  	[tilespmem:s28+$0xFFFFFF40] =	vst v0;
	v0 =	vmul.f32 $8.000000000e+00, v6;
	v6 =	vld [tilespmem:s28+$0xFFFFFFB0]  }
0x2b: {  	[tilespmem:s28+$0xFFFFFF50] =	vst v1;
	v1 =	vmul.f32 $8.000000000e+00, v2;
	v2 =	vld [tilespmem:s28+$0xFFFFFFC0]  }
0x2c: {  	[tilespmem:s28+$0xFFFFFF60] =	vst v0;
	v0 =	vmul.f32 $8.000000000e+00, v3;
	v3 =	vld [tilespmem:s28+$0xFFFFFFD0]  }
0x2d: {  	[tilespmem:s28+$0xFFFFFF70] =	vst v1;
	v1 =	vmul.f32 $8.000000000e+00, v4;
	v4 =	vld [tilespmem:s28+$0xFFFFFFE0]  }
0x2e: {  	[tilespmem:s28+$0xFFFFFF80] =	vst v0;
	v0 =	vmul.f32 $8.000000000e+00, v5;
	v5 =	vld [tilespmem:s28+$0x0]  }
0x2f: {  	[tilespmem:s28+$0xFFFFFF90] =	vst v1;
	v1 =	vmul.f32 $8.000000000e+00, v6;
	v6 =	vld [tilespmem:s28+$0x10]  }
0x30: {  	[tilespmem:s28+$0xFFFFFFA0] =	vst v0;
	v0 =	vmul.f32 $8.000000000e+00, v2;
	v2 =	vld [tilespmem:s28+$0x20]  }
0x31: {  	[tilespmem:s28+$0xFFFFFFB0] =	vst v1;
	v1 =	vmul.f32 $8.000000000e+00, v3;
	v3 =	vld [tilespmem:s28+$0x30]  }
0x32: {  	[tilespmem:s28+$0xFFFFFFC0] =	vst v0;
	v0 =	vmul.f32 $8.000000000e+00, v4;
	v4 =	vld [tilespmem:s28+$0x40]  }
0x33: {  	[tilespmem:s28+$0xFFFFFFD0] =	vst v1;
	v1 =	vmul.f32 $8.000000000e+00, v5;
	v5 =	vld [tilespmem:s28+$0x50]  }
0x34: {  	[tilespmem:s28+$0xFFFFFFE0] =	vst v0;
	v0 =	vmul.f32 $8.000000000e+00, v6;
	v6 =	vld [tilespmem:s28+$0x60]  }
0x35: {  	[tilespmem:s28+$0x0] =	vst v1;
	v1 =	vmul.f32 $8.000000000e+00, v2;
	v2 =	vld [tilespmem:s28+$0x70]  }
0x36: {  	[tilespmem:s28+$0x10] =	vst v0;
	v0 =	vmul.f32 $8.000000000e+00, v3;
	v3 =	vld [tilespmem:s28+$0x80]  }
0x37: {  	[tilespmem:s28+$0x20] =	vst v1;
	v1 =	vmul.f32 $8.000000000e+00, v4;
	v4 =	vld [tilespmem:s28+$0x90]  }
0x38: {  	[tilespmem:s28+$0x30] =	vst v0;
	v0 =	vmul.f32 $8.000000000e+00, v5;
	v5 =	vld [tilespmem:s28+$0xA0]  }
0x39: {  	[tilespmem:s28+$0x40] =	vst v1;
	v1 =	vmul.f32 $8.000000000e+00, v6;
	v6 =	vld [tilespmem:s28+$0xB0]  }
0x3a: {  	[tilespmem:s28+$0x50] =	vst v0;
	v2 =	vmul.f32 $8.000000000e+00, v2;
	v0 =	vld [tilespmem:s28+$0xC0]  }
0x3b: {  	[tilespmem:s28+$0x60] =	vst v1;
	v3 =	vmul.f32 $8.000000000e+00, v3;
	v1 =	vld [tilespmem:s28+$0xD0]  }
0x3c: {  	[tilespmem:s28+$0x70] =	vst v2;
	v7 =	vmul.f32 $8.000000000e+00, v4;
	v2 =	vld [tilespmem:s28+$0xE0]  }
0x3d: {  	[tilespmem:s28+$0x80] =	vst v3;
	v3 =	vld [tilespmem:s28+$0xF0];
	v5 =	vmul.f32 $8.000000000e+00, v5  }
0x3e: {  	s30 =	simm.s32 $0x6700;
	s29 =	simm.s32 $0x0;
	v4 =	vld [tilespmem:s28+$0xFFFFFFF0];
	[tilespmem:s28+$0x90] =	vst v7;
	v6 =	vmul.f32 $8.000000000e+00, v6  }
.LBB2_3:
0x3f: {  	v7 =	vld [tilespmem:s30+$0xFFFFFF00];
	[tilespmem:s28+$0xA0] =	vst v5;
	v0 =	vmul.f32 $8.000000000e+00, v0  }
0x40: {  	v5 =	vld [tilespmem:s30+$0xFFFFFF10];
	[tilespmem:s28+$0xB0] =	vst v6;
	v1 =	vmul.f32 $8.000000000e+00, v1  }
0x41: {  	v6 =	vld [tilespmem:s30+$0xFFFFFF20];
	[tilespmem:s28+$0xC0] =	vst v0;
	v0 =	vmul.f32 $8.000000000e+00, v2  }
0x42: {  	v2 =	vld [tilespmem:s30+$0xFFFFFF30];
	[tilespmem:s28+$0xD0] =	vst v1;
	v1 =	vmul.f32 $8.000000000e+00, v3  }
0x43: {  	v3 =	vld [tilespmem:s30+$0xFFFFFF40];
	v4 =	vmul.f32 $8.000000000e+00, v4;
	[tilespmem:s28+$0xE0] =	vst v0  }
0x44: {  	v0 =	vmul.f32 $8.000000000e+00, v7;
	v7 =	vld [tilespmem:s30+$0xFFFFFF50];
	[tilespmem:s28+$0xF0] =	vst v1  }
0x45: {  	v1 =	vmul.f32 $8.000000000e+00, v5;
	v5 =	vld [tilespmem:s30+$0xFFFFFF60];
	[tilespmem:s28+$0xFFFFFFF0] =	vst v4;
	s28 =	smov.u32 s30  }
0x46: {  	[tilespmem:s30+$0xFFFFFF00] =	vst v0;
	v0 =	vmul.f32 $8.000000000e+00, v6;
	v4 =	vld [tilespmem:s30+$0xFFFFFF70]  }
0x47: {  	[tilespmem:s30+$0xFFFFFF10] =	vst v1;
	v1 =	vmul.f32 $8.000000000e+00, v2;
	v2 =	vld [tilespmem:s30+$0xFFFFFF80]  }
0x48: {  	[tilespmem:s30+$0xFFFFFF20] =	vst v0;
	v0 =	vmul.f32 $8.000000000e+00, v3;
	v3 =	vld [tilespmem:s30+$0xFFFFFF90]  }
0x49: {  	[tilespmem:s30+$0xFFFFFF30] =	vst v1;
	v1 =	vmul.f32 $8.000000000e+00, v7;
	v6 =	vld [tilespmem:s30+$0xFFFFFFA0]  }
0x4a: {  	[tilespmem:s30+$0xFFFFFF40] =	vst v0;
	v0 =	vmul.f32 $8.000000000e+00, v5;
	v5 =	vld [tilespmem:s30+$0xFFFFFFB0]  }
0x4b: {  	[tilespmem:s30+$0xFFFFFF50] =	vst v1;
	v1 =	vmul.f32 $8.000000000e+00, v4;
	v4 =	vld [tilespmem:s30+$0xFFFFFFC0]  }
0x4c: {  	[tilespmem:s30+$0xFFFFFF60] =	vst v0;
	v0 =	vmul.f32 $8.000000000e+00, v2;
	v2 =	vld [tilespmem:s30+$0xFFFFFFD0]  }
0x4d: {  	[tilespmem:s30+$0xFFFFFF70] =	vst v1;
	v1 =	vmul.f32 $8.000000000e+00, v3;
	v3 =	vld [tilespmem:s30+$0xFFFFFFE0]  }
0x4e: {  	[tilespmem:s30+$0xFFFFFF80] =	vst v0;
	v0 =	vmul.f32 $8.000000000e+00, v6;
	v6 =	vld [tilespmem:s30+$0x0]  }
0x4f: {  	[tilespmem:s30+$0xFFFFFF90] =	vst v1;
	v1 =	vmul.f32 $8.000000000e+00, v5;
	v5 =	vld [tilespmem:s30+$0x10]  }
0x50: {  	[tilespmem:s30+$0xFFFFFFA0] =	vst v0;
	v0 =	vmul.f32 $8.000000000e+00, v4;
	v4 =	vld [tilespmem:s30+$0x20]  }
0x51: {  	[tilespmem:s30+$0xFFFFFFB0] =	vst v1;
	v1 =	vmul.f32 $8.000000000e+00, v2;
	v2 =	vld [tilespmem:s30+$0x30]  }
0x52: {  	[tilespmem:s30+$0xFFFFFFC0] =	vst v0;
	v0 =	vmul.f32 $8.000000000e+00, v3;
	v3 =	vld [tilespmem:s30+$0x40]  }
0x53: {  	[tilespmem:s30+$0xFFFFFFD0] =	vst v1;
	v1 =	vmul.f32 $8.000000000e+00, v6;
	v6 =	vld [tilespmem:s30+$0x50]  }
0x54: {  	[tilespmem:s30+$0xFFFFFFE0] =	vst v0;
	v0 =	vmul.f32 $8.000000000e+00, v5;
	v5 =	vld [tilespmem:s30+$0x60]  }
0x55: {  	[tilespmem:s30+$0x0] =	vst v1;
	v1 =	vmul.f32 $8.000000000e+00, v4;
	v4 =	vld [tilespmem:s30+$0x70]  }
0x56: {  	[tilespmem:s30+$0x10] =	vst v0;
	v0 =	vmul.f32 $8.000000000e+00, v2;
	v2 =	vld [tilespmem:s30+$0x80]  }
0x57: {  	[tilespmem:s30+$0x20] =	vst v1;
	v1 =	vmul.f32 $8.000000000e+00, v3;
	v3 =	vld [tilespmem:s30+$0x90]  }
0x58: {  	s29 =	sadd.s32 $0x8, s29;
	[tilespmem:s30+$0x30] =	vst v0;
	v0 =	vmul.f32 $8.000000000e+00, v6;
	v6 =	vld [tilespmem:s30+$0xA0]  }
0x59: {  	p1 =	slt.u32 s29, $0x78;
	[tilespmem:s30+$0x40] =	vst v1;
	v1 =	vmul.f32 $8.000000000e+00, v5;
	v7 =	vld [tilespmem:s30+$0xB0]  }
.Ltmp0:
0x5a: {  	[tilespmem:s30+$0x50] =	vst v0;
	v4 =	vmul.f32 $8.000000000e+00, v4;
	v0 =	vld [tilespmem:s30+$0xC0];
	(pc) =	sbr.rel @p1 .LBB2_3-.Ltmp0, $4  }
0x5b: {  	[tilespmem:s30+$0x60] =	vst v1;
	v5 =	vmul.f32 $8.000000000e+00, v2;
	v1 =	vld [tilespmem:s30+$0xD0]  }
0x5c: {  	[tilespmem:s30+$0x70] =	vst v4;
	v8 =	vmul.f32 $8.000000000e+00, v3;
	v2 =	vld [tilespmem:s30+$0xE0]  }
0x5d: {  	[tilespmem:s30+$0x80] =	vst v5;
	v5 =	vmul.f32 $8.000000000e+00, v6;
	v3 =	vld [tilespmem:s30+$0xF0]  }
0x5e: {  	s30 =	sadd.s32 $0x200, s30;
	v4 =	vld [tilespmem:s28+$0xFFFFFFF0];
	[tilespmem:s28+$0x90] =	vst v8;
	v6 =	vmul.f32 $8.000000000e+00, v7  }
0x5f: {  	[tilespmem:s28+$0xA0] =	vst v5;
	v0 =	vmul.f32 $8.000000000e+00, v0  }
0x60: {  	[tilespmem:s28+$0xB0] =	vst v6;
	v1 =	vmul.f32 $8.000000000e+00, v1  }
0x61: {  	[tilespmem:s28+$0xC0] =	vst v0;
	v0 =	vmul.f32 $8.000000000e+00, v2  }
0x62: {  	s29 =	sshll.u32 s24, $0xF;
	[tilespmem:s28+$0xD0] =	vst v1;
	v1 =	vmul.f32 $8.000000000e+00, v3  }
0x63: {  	s29 =	sadd.s32 s6, s29;
	v2 =	vmul.f32 $8.000000000e+00, v4;
	[tilespmem:s28+$0xE0] =	vst v0  }
0x64: {  	s29 =	sshrl.u32 s29, $0x3;
	[tilespmem:s28+$0xF0] =	vst v1  }
0x65: {  	[tilespmem:s28+$0xFFFFFFF0] =	vst v2;
	s28 =	sadd.s32 s2, s29  }
0x66: {  	[hbm4b:s28+s3] =	stream.linear.scatter [tilespmem:s11], [sflag:$0x5], $0x2000, $0x38;
	[tilespmem:$0xE400] =	vst v63  }
0x67: {  	s28 =	simm.s32 @!p0 $0x8  }
0x68: {  	s26 =	sor.u32 $0x3, s26;
	_ =	swait.ge @!p0 [sflag:s28], $0x2000  }
0x69: {  	s29 =	sshll.u32 s26, $0x7;
	[sflag:s28] =	ssyncset.done @!p0 $0x0  }
0x6a: {  	[sflag:s28] =	ssyncadd.s32 @!p0 $0xFFFFE000;
	s28 =	sand.u32 $0x3FFFFF80, s29  }
0x6b: {  	[tilespmem:s15], [sflag:$0x4] =	stream.indirect.gather [hbm4b:s4+s10], $0x40, s28, s10, $0xb8;
	[tilespmem:$0xE400] =	vst v63  }
0x6c: {  	_ =	swait.ge [sflag:s16], $0x2000  }
0x6d: {  	[sflag:s16] =	ssyncset.done $0x0  }
0x6e: {  	s28 =	simm.s32 $0x85F0;
	[sflag:s16] =	ssyncadd.s32 $0xFFFFE000  }
0x6f: {  	v0 =	vld [tilespmem:s28+$0xFFFFFE10]  }
0x70: {  	v1 =	vld [tilespmem:s28+$0xFFFFFE20]  }
0x71: {  	v2 =	vld [tilespmem:s28+$0xFFFFFE30]  }
0x72: {  	v3 =	vld [tilespmem:s28+$0xFFFFFE40]  }
0x73: {  	v4 =	vld [tilespmem:s28+$0xFFFFFE50]  }
0x74: {  	v5 =	vld [tilespmem:s28+$0xFFFFFE60];
	v0 =	vmul.f32 $8.000000000e+00, v0  }
0x75: {  	v6 =	vld [tilespmem:s28+$0xFFFFFE70];
	v1 =	vmul.f32 $8.000000000e+00, v1  }
0x76: {  	[tilespmem:s28+$0xFFFFFE10] =	vst v0;
	v0 =	vmul.f32 $8.000000000e+00, v2;
	v2 =	vld [tilespmem:s28+$0xFFFFFE80]  }
0x77: {  	[tilespmem:s28+$0xFFFFFE20] =	vst v1;
	v1 =	vmul.f32 $8.000000000e+00, v3;
	v3 =	vld [tilespmem:s28+$0xFFFFFE90]  }
0x78: {  	[tilespmem:s28+$0xFFFFFE30] =	vst v0;
	v0 =	vmul.f32 $8.000000000e+00, v4;
	v4 =	vld [tilespmem:s28+$0xFFFFFEA0]  }
0x79: {  	[tilespmem:s28+$0xFFFFFE40] =	vst v1;
	v1 =	vmul.f32 $8.000000000e+00, v5;
	v5 =	vld [tilespmem:s28+$0xFFFFFEB0]  }
0x7a: {  	[tilespmem:s28+$0xFFFFFE50] =	vst v0;
	v0 =	vmul.f32 $8.000000000e+00, v6;
	v6 =	vld [tilespmem:s28+$0xFFFFFEC0]  }
0x7b: {  	[tilespmem:s28+$0xFFFFFE60] =	vst v1;
	v1 =	vmul.f32 $8.000000000e+00, v2;
	v2 =	vld [tilespmem:s28+$0xFFFFFED0]  }
0x7c: {  	[tilespmem:s28+$0xFFFFFE70] =	vst v0;
	v0 =	vmul.f32 $8.000000000e+00, v3;
	v3 =	vld [tilespmem:s28+$0xFFFFFEE0]  }
0x7d: {  	[tilespmem:s28+$0xFFFFFE80] =	vst v1;
	v1 =	vmul.f32 $8.000000000e+00, v4;
	v4 =	vld [tilespmem:s28+$0xFFFFFEF0]  }
0x7e: {  	[tilespmem:s28+$0xFFFFFE90] =	vst v0;
	v0 =	vmul.f32 $8.000000000e+00, v5;
	v5 =	vld [tilespmem:s28+$0xFFFFFF00]  }
0x7f: {  	[tilespmem:s28+$0xFFFFFEA0] =	vst v1;
	v1 =	vmul.f32 $8.000000000e+00, v6;
	v6 =	vld [tilespmem:s28+$0xFFFFFF10]  }
0x80: {  	[tilespmem:s28+$0xFFFFFEB0] =	vst v0;
	v0 =	vmul.f32 $8.000000000e+00, v2;
	v2 =	vld [tilespmem:s28+$0xFFFFFF20]  }
0x81: {  	[tilespmem:s28+$0xFFFFFEC0] =	vst v1;
	v1 =	vmul.f32 $8.000000000e+00, v3;
	v3 =	vld [tilespmem:s28+$0xFFFFFF30]  }
0x82: {  	[tilespmem:s28+$0xFFFFFED0] =	vst v0;
	v0 =	vmul.f32 $8.000000000e+00, v4;
	v4 =	vld [tilespmem:s28+$0xFFFFFF40]  }
0x83: {  	[tilespmem:s28+$0xFFFFFEE0] =	vst v1;
	v1 =	vmul.f32 $8.000000000e+00, v5;
	v5 =	vld [tilespmem:s28+$0xFFFFFF50]  }
0x84: {  	[tilespmem:s28+$0xFFFFFEF0] =	vst v0;
	v0 =	vmul.f32 $8.000000000e+00, v6;
	v6 =	vld [tilespmem:s28+$0xFFFFFF60]  }
0x85: {  	[tilespmem:s28+$0xFFFFFF00] =	vst v1;
	v1 =	vmul.f32 $8.000000000e+00, v2;
	v2 =	vld [tilespmem:s28+$0xFFFFFF70]  }
0x86: {  	[tilespmem:s28+$0xFFFFFF10] =	vst v0;
	v0 =	vmul.f32 $8.000000000e+00, v3;
	v3 =	vld [tilespmem:s28+$0xFFFFFF80]  }
0x87: {  	[tilespmem:s28+$0xFFFFFF20] =	vst v1;
	v1 =	vmul.f32 $8.000000000e+00, v4;
	v4 =	vld [tilespmem:s28+$0xFFFFFF90]  }
0x88: {  	[tilespmem:s28+$0xFFFFFF30] =	vst v0;
	v0 =	vmul.f32 $8.000000000e+00, v5;
	v5 =	vld [tilespmem:s28+$0xFFFFFFA0]  }
0x89: {  	[tilespmem:s28+$0xFFFFFF40] =	vst v1;
	v1 =	vmul.f32 $8.000000000e+00, v6;
	v6 =	vld [tilespmem:s28+$0xFFFFFFB0]  }
0x8a: {  	[tilespmem:s28+$0xFFFFFF50] =	vst v0;
	v2 =	vmul.f32 $8.000000000e+00, v2;
	v0 =	vld [tilespmem:s28+$0xFFFFFFC0]  }
0x8b: {  	[tilespmem:s28+$0xFFFFFF60] =	vst v1;
	v3 =	vmul.f32 $8.000000000e+00, v3;
	v1 =	vld [tilespmem:s28+$0xFFFFFFD0]  }
0x8c: {  	[tilespmem:s28+$0xFFFFFF70] =	vst v2;
	v4 =	vmul.f32 $8.000000000e+00, v4;
	v2 =	vld [tilespmem:s28+$0xFFFFFFE0]  }
0x8d: {  	[tilespmem:s28+$0xFFFFFF80] =	vst v3;
	v3 =	vld [tilespmem:s28+$0x0];
	v5 =	vmul.f32 $8.000000000e+00, v5  }
0x8e: {  	s30 =	simm.s32 $0x87F0;
	s29 =	simm.s32 $0x0;
	[tilespmem:s28+$0xFFFFFF90] =	vst v4;
	v6 =	vmul.f32 $8.000000000e+00, v6;
	v4 =	vld [tilespmem:s28+$0xFFFFFFF0]  }
.LBB2_5:
0x8f: {  	v7 =	vld [tilespmem:s30+$0xFFFFFE10];
	[tilespmem:s28+$0xFFFFFFA0] =	vst v5;
	v0 =	vmul.f32 $8.000000000e+00, v0  }
0x90: {  	v5 =	vld [tilespmem:s30+$0xFFFFFE20];
	[tilespmem:s28+$0xFFFFFFB0] =	vst v6;
	v1 =	vmul.f32 $8.000000000e+00, v1  }
0x91: {  	v6 =	vld [tilespmem:s30+$0xFFFFFE30];
	[tilespmem:s28+$0xFFFFFFC0] =	vst v0;
	v0 =	vmul.f32 $8.000000000e+00, v2  }
0x92: {  	v2 =	vld [tilespmem:s30+$0xFFFFFE40];
	[tilespmem:s28+$0xFFFFFFD0] =	vst v1;
	v1 =	vmul.f32 $8.000000000e+00, v3  }
0x93: {  	v3 =	vld [tilespmem:s30+$0xFFFFFE50];
	[tilespmem:s28+$0xFFFFFFE0] =	vst v0;
	v0 =	vmul.f32 $8.000000000e+00, v4  }
0x94: {  	v4 =	vmul.f32 $8.000000000e+00, v7;
	v7 =	vld [tilespmem:s30+$0xFFFFFE60];
	[tilespmem:s28+$0x0] =	vst v1  }
0x95: {  	v1 =	vmul.f32 $8.000000000e+00, v5;
	v5 =	vld [tilespmem:s30+$0xFFFFFE70];
	[tilespmem:s28+$0xFFFFFFF0] =	vst v0;
	s28 =	smov.u32 s30  }
0x96: {  	[tilespmem:s30+$0xFFFFFE10] =	vst v4;
	v0 =	vmul.f32 $8.000000000e+00, v6;
	v4 =	vld [tilespmem:s30+$0xFFFFFE80]  }
0x97: {  	[tilespmem:s30+$0xFFFFFE20] =	vst v1;
	v1 =	vmul.f32 $8.000000000e+00, v2;
	v2 =	vld [tilespmem:s30+$0xFFFFFE90]  }
0x98: {  	[tilespmem:s30+$0xFFFFFE30] =	vst v0;
	v0 =	vmul.f32 $8.000000000e+00, v3;
	v3 =	vld [tilespmem:s30+$0xFFFFFEA0]  }
0x99: {  	[tilespmem:s30+$0xFFFFFE40] =	vst v1;
	v1 =	vmul.f32 $8.000000000e+00, v7;
	v6 =	vld [tilespmem:s30+$0xFFFFFEB0]  }
0x9a: {  	[tilespmem:s30+$0xFFFFFE50] =	vst v0;
	v0 =	vmul.f32 $8.000000000e+00, v5;
	v5 =	vld [tilespmem:s30+$0xFFFFFEC0]  }
0x9b: {  	[tilespmem:s30+$0xFFFFFE60] =	vst v1;
	v1 =	vmul.f32 $8.000000000e+00, v4;
	v4 =	vld [tilespmem:s30+$0xFFFFFED0]  }
0x9c: {  	[tilespmem:s30+$0xFFFFFE70] =	vst v0;
	v0 =	vmul.f32 $8.000000000e+00, v2;
	v2 =	vld [tilespmem:s30+$0xFFFFFEE0]  }
0x9d: {  	[tilespmem:s30+$0xFFFFFE80] =	vst v1;
	v1 =	vmul.f32 $8.000000000e+00, v3;
	v3 =	vld [tilespmem:s30+$0xFFFFFEF0]  }
0x9e: {  	[tilespmem:s30+$0xFFFFFE90] =	vst v0;
	v0 =	vmul.f32 $8.000000000e+00, v6;
	v6 =	vld [tilespmem:s30+$0xFFFFFF00]  }
0x9f: {  	[tilespmem:s30+$0xFFFFFEA0] =	vst v1;
	v1 =	vmul.f32 $8.000000000e+00, v5;
	v5 =	vld [tilespmem:s30+$0xFFFFFF10]  }
0xa0: {  	[tilespmem:s30+$0xFFFFFEB0] =	vst v0;
	v0 =	vmul.f32 $8.000000000e+00, v4;
	v4 =	vld [tilespmem:s30+$0xFFFFFF20]  }
0xa1: {  	[tilespmem:s30+$0xFFFFFEC0] =	vst v1;
	v1 =	vmul.f32 $8.000000000e+00, v2;
	v2 =	vld [tilespmem:s30+$0xFFFFFF30]  }
0xa2: {  	[tilespmem:s30+$0xFFFFFED0] =	vst v0;
	v0 =	vmul.f32 $8.000000000e+00, v3;
	v3 =	vld [tilespmem:s30+$0xFFFFFF40]  }
0xa3: {  	[tilespmem:s30+$0xFFFFFEE0] =	vst v1;
	v1 =	vmul.f32 $8.000000000e+00, v6;
	v6 =	vld [tilespmem:s30+$0xFFFFFF50]  }
0xa4: {  	[tilespmem:s30+$0xFFFFFEF0] =	vst v0;
	v0 =	vmul.f32 $8.000000000e+00, v5;
	v5 =	vld [tilespmem:s30+$0xFFFFFF60]  }
0xa5: {  	[tilespmem:s30+$0xFFFFFF00] =	vst v1;
	v1 =	vmul.f32 $8.000000000e+00, v4;
	v4 =	vld [tilespmem:s30+$0xFFFFFF70]  }
0xa6: {  	[tilespmem:s30+$0xFFFFFF10] =	vst v0;
	v0 =	vmul.f32 $8.000000000e+00, v2;
	v2 =	vld [tilespmem:s30+$0xFFFFFF80]  }
0xa7: {  	[tilespmem:s30+$0xFFFFFF20] =	vst v1;
	v1 =	vmul.f32 $8.000000000e+00, v3;
	v3 =	vld [tilespmem:s30+$0xFFFFFF90]  }
0xa8: {  	s29 =	sadd.s32 $0x8, s29;
	[tilespmem:s30+$0xFFFFFF30] =	vst v0;
	v0 =	vmul.f32 $8.000000000e+00, v6;
	v6 =	vld [tilespmem:s30+$0xFFFFFFA0]  }
0xa9: {  	p0 =	slt.u32 s29, $0x78;
	[tilespmem:s30+$0xFFFFFF40] =	vst v1;
	v1 =	vmul.f32 $8.000000000e+00, v5;
	v7 =	vld [tilespmem:s30+$0xFFFFFFB0]  }
.Ltmp1:
0xaa: {  	[tilespmem:s30+$0xFFFFFF50] =	vst v0;
	v4 =	vmul.f32 $8.000000000e+00, v4;
	v0 =	vld [tilespmem:s30+$0xFFFFFFC0];
	(pc) =	sbr.rel @p0 .LBB2_5-.Ltmp1, $4  }
0xab: {  	[tilespmem:s30+$0xFFFFFF60] =	vst v1;
	v5 =	vmul.f32 $8.000000000e+00, v2;
	v1 =	vld [tilespmem:s30+$0xFFFFFFD0]  }
0xac: {  	[tilespmem:s30+$0xFFFFFF70] =	vst v4;
	v4 =	vmul.f32 $8.000000000e+00, v3;
	v2 =	vld [tilespmem:s30+$0xFFFFFFE0]  }
0xad: {  	[tilespmem:s30+$0xFFFFFF80] =	vst v5;
	v5 =	vmul.f32 $8.000000000e+00, v6;
	v3 =	vld [tilespmem:s30+$0x0]  }
0xae: {  	s30 =	sadd.s32 $0x200, s30;
	[tilespmem:s28+$0xFFFFFF90] =	vst v4;
	v6 =	vmul.f32 $8.000000000e+00, v7;
	v4 =	vld [tilespmem:s28+$0xFFFFFFF0]  }
0xaf: {  	[tilespmem:s28+$0xFFFFFFA0] =	vst v5;
	v0 =	vmul.f32 $8.000000000e+00, v0  }
0xb0: {  	[tilespmem:s28+$0xFFFFFFB0] =	vst v6;
	v1 =	vmul.f32 $8.000000000e+00, v1  }
0xb1: {  	[tilespmem:s28+$0xFFFFFFC0] =	vst v0;
	v0 =	vmul.f32 $8.000000000e+00, v2  }
0xb2: {  	[tilespmem:s28+$0xFFFFFFD0] =	vst v1;
	v1 =	vmul.f32 $8.000000000e+00, v3  }
0xb3: {  	[tilespmem:s28+$0xFFFFFFE0] =	vst v0;
	v0 =	vmul.f32 $8.000000000e+00, v4  }
0xb4: {  	s29 =	sshll.u32 s24, $0xC;
	[tilespmem:s28+$0x0] =	vst v1  }
0xb5: {  	p0 =	seq.s32 s24, $0x31;
	[tilespmem:s28+$0xFFFFFFF0] =	vst v0;
	s28 =	sadd.s32 s8, s29  }
0xb6: {  	[hbm4b:s28+s3] =	stream.linear.scatter [tilespmem:s12], [sflag:$0x6], $0x2000, $0x38;
	[tilespmem:$0xE400] =	vst v63  }
0xb7: {  	s28 =	simm.s32 @!p0 $0x5  }
0xb8: {  	_ =	swait.ge @!p0 [sflag:s28], $0x2000  }
0xb9: {  	s29 =	sshll.u32 @!p0 s24, $0x9;
	[sflag:s28] =	ssyncset.done @!p0 $0x0  }
0xba: {  	[sflag:s28] =	ssyncadd.s32 @!p0 $0xFFFFE000;
	s28 =	sand.u32 @!p0 $0x3FFFFE00, s29  }
0xbb: {  	s30 =	simm.s32 @!p0 $0x80;
	s31 =	simm.s32 @!p0 $0x6400;
	s29 =	sadd.s32 @!p0 $0x200, s28  }
0xbc: {  	[tilespmem:s31], [sflag:$0x1] =	stream.indirect.gather @!p0 [hbm4b:s4+s30], $0x40, s29, s30, $0xb8;
	[tilespmem:$0xE400] =	vst v63  }
0xbd: {  	_ =	swait.ge [sflag:s17], $0x2000  }
0xbe: {  	[sflag:s17] =	ssyncset.done $0x0  }
0xbf: {  	s29 =	simm.s32 $0xA400;
	[sflag:s17] =	ssyncadd.s32 $0xFFFFE000  }
0xc0: {  	v0 =	vld [tilespmem:s29+$0x1A0]  }
0xc1: {  	v1 =	vld [tilespmem:s29+$0xA0]  }
0xc2: {  	v2 =	vld [tilespmem:s29+$0x90]  }
0xc3: {  	v3 =	vld [tilespmem:s29+$0x80]  }
0xc4: {  	v4 =	vld [tilespmem:s29+$0xB0]  }
0xc5: {  	v5 =	vld [tilespmem:s29+$0x70]  }
0xc6: {  	v6 =	vld [tilespmem:s29+$0xC0]  }
0xc7: {  	v12 =	vld [tilespmem:s29+$0x60]  }
0xc8: {  	v7 =	vld [tilespmem:s29+$0xD0]  }
0xc9: {  	v8 =	vld [tilespmem:s29+$0xE0]  }
0xca: {  	v9 =	vld [tilespmem:s29+$0x1D0]  }
0xcb: {  	v10 =	vld [tilespmem:s29+$0x1E0]  }
0xcc: {  	v11 =	vld [tilespmem:s29+$0x0]  }
0xcd: {  	v13 =	vld [tilespmem:s29+$0xF0]  }
0xce: {  	v14 =	vld [tilespmem:s29+$0x100];
	v0 =	vmul.f32 $8.000000000e+00, v0  }
0xcf: {  	v15 =	vld [tilespmem:s29+$0x110];
	v9 =	vmul.f32 $8.000000000e+00, v9  }
0xd0: {  	v16 =	vld [tilespmem:s29+$0x120];
	v17 =	vmul.f32 $8.000000000e+00, v8;
	[tilespmem:s29+$0x1A0] =	vst v0  }
0xd1: {  	v18 =	vld [tilespmem:s29+$0x30];
	v20 =	vmul.f32 $8.000000000e+00, v6;
	[tilespmem:s29+$0x1D0] =	vst v9  }
0xd2: {  	v21 =	vld [tilespmem:s29+$0x10];
	v0 =	vmul.f32 $8.000000000e+00, v10;
	[tilespmem:s29+$0xE0] =	vst v17  }
0xd3: {  	v10 =	vmul.f32 $8.000000000e+00, v11;
	v11 =	vld [tilespmem:s29+$0x130];
	[tilespmem:s29+$0xC0] =	vst v20  }
0xd4: {  	v9 =	vmul.f32 $8.000000000e+00, v13;
	v13 =	vld [tilespmem:s29+$0x140];
	[tilespmem:s29+$0x1E0] =	vst v0  }
0xd5: {  	[tilespmem:s29+$0x0] =	vst v10;
	v0 =	vmul.f32 $8.000000000e+00, v14;
	v10 =	vld [tilespmem:s29+$0x150]  }
0xd6: {  	[tilespmem:s29+$0xF0] =	vst v9;
	v9 =	vmul.f32 $8.000000000e+00, v15;
	v14 =	vld [tilespmem:s29+$0x1F0]  }
0xd7: {  	v8 =	vmul.f32 $8.000000000e+00, v1;
	v15 =	vld [tilespmem:s29+$0x50];
	[tilespmem:s29+$0x100] =	vst v0;
	v0 =	vmul.f32 $8.000000000e+00, v16  }
0xd8: {  	v19 =	vld [tilespmem:s29+$0x20];
	v6 =	vmul.f32 $8.000000000e+00, v12;
	[tilespmem:s29+$0x110] =	vst v9;
	v9 =	vmul.f32 $8.000000000e+00, v11  }
0xd9: {  	v22 =	vld [tilespmem:s29+$0x1B0];
	v1 =	vmul.f32 $8.000000000e+00, v21;
	[tilespmem:s29+$0x120] =	vst v0;
	v0 =	vmul.f32 $8.000000000e+00, v13  }
0xda: {  	v16 =	vld [tilespmem:s29+$0x40];
	v13 =	vmul.f32 $8.000000000e+00, v7;
	[tilespmem:s29+$0x130] =	vst v9;
	v7 =	vmul.f32 $8.000000000e+00, v10  }
0xdb: {  	v11 =	vld [tilespmem:s29+$0x190];
	v9 =	vmul.f32 $8.000000000e+00, v2;
	v10 =	vmul.f32 $8.000000000e+00, v3;
	[tilespmem:s29+$0x140] =	vst v0  }
0xdc: {  	v12 =	vld [tilespmem:s29+$0x1C0];
	v3 =	vmul.f32 $8.000000000e+00, v15;
	v0 =	vmul.f32 $8.000000000e+00, v14;
	[tilespmem:s29+$0xD0] =	vst v13  }
0xdd: {  	v2 =	vmul.f32 $8.000000000e+00, v18;
	v14 =	vmul.f32 $8.000000000e+00, v4;
	v13 =	vld [tilespmem:s29+$0x180];
	[tilespmem:s29+$0x150] =	vst v7  }
0xde: {  	v15 =	vld [tilespmem:s29+$0x170];
	v4 =	vmul.f32 $8.000000000e+00, v19;
	v7 =	vmul.f32 $8.000000000e+00, v5;
	[tilespmem:s29+$0x1F0] =	vst v0  }
0xdf: {  	s30 =	simm.s32 $0x0;
	s31 =	simm.s32 $0xA600;
	v5 =	vmul.f32 $8.000000000e+00, v22;
	v0 =	vmul.f32 $8.000000000e+00, v16;
	[tilespmem:s29+$0xB0] =	vst v14;
	v14 =	vld [tilespmem:s29+$0x160]  }
.LBB2_7:
0xe0: {  	v16 =	vld [tilespmem:s31+$0x1A0];
	s30 =	sadd.s32 $0x8, s30;
	[tilespmem:s29+$0xA0] =	vst v8;
	v8 =	vmul.f32 $8.000000000e+00, v11  }
0xe1: {  	v11 =	vld [tilespmem:s31+$0xA0];
	p1 =	slt.u32 s30, $0x78;
	[tilespmem:s29+$0x90] =	vst v9;
	v9 =	vmul.f32 $8.000000000e+00, v12  }
0xe2: {  	v12 =	vld [tilespmem:s31+$0x90];
	[tilespmem:s29+$0x80] =	vst v10;
	v10 =	vmul.f32 $8.000000000e+00, v13  }
0xe3: {  	v13 =	vld [tilespmem:s31+$0x80];
	v15 =	vmul.f32 $8.000000000e+00, v15;
	[tilespmem:s29+$0x1C0] =	vst v9  }
0xe4: {  	v9 =	vld [tilespmem:s31+$0xB0];
	[tilespmem:s29+$0x70] =	vst v7;
	v7 =	vmul.f32 $8.000000000e+00, v14  }
0xe5: {  	v14 =	vld [tilespmem:s31+$0x70];
	v16 =	vmul.f32 $8.000000000e+00, v16;
	[tilespmem:s29+$0x180] =	vst v10  }
0xe6: {  	v10 =	vld [tilespmem:s31+$0xC0];
	[tilespmem:s29+$0x60] =	vst v6  }
0xe7: {  	v6 =	vld [tilespmem:s31+$0x60];
	[tilespmem:s29+$0x170] =	vst v15  }
0xe8: {  	v15 =	vld [tilespmem:s31+$0xD0];
	[tilespmem:s29+$0x50] =	vst v3  }
0xe9: {  	v3 =	vld [tilespmem:s31+$0xE0];
	[tilespmem:s29+$0x160] =	vst v7  }
0xea: {  	v7 =	vld [tilespmem:s31+$0x1D0];
	[tilespmem:s29+$0x40] =	vst v0  }
0xeb: {  	v0 =	vld [tilespmem:s31+$0x1E0];
	[tilespmem:s29+$0x30] =	vst v2  }
0xec: {  	v2 =	vld [tilespmem:s31+$0x0];
	[tilespmem:s29+$0x20] =	vst v4  }
0xed: {  	v4 =	vld [tilespmem:s31+$0xF0];
	[tilespmem:s29+$0x190] =	vst v8  }
0xee: {  	v8 =	vld [tilespmem:s31+$0x100];
	[tilespmem:s29+$0x10] =	vst v1  }
0xef: {  	v1 =	vld [tilespmem:s31+$0x110];
	v7 =	vmul.f32 $8.000000000e+00, v7;
	[tilespmem:s29+$0x1B0] =	vst v5;
	s29 =	smov.u32 s31  }
0xf0: {  	v5 =	vld [tilespmem:s31+$0x120];
	[tilespmem:s31+$0x1A0] =	vst v16;
	v0 =	vmul.f32 $8.000000000e+00, v0  }
0xf1: {  	v16 =	vmul.f32 $8.000000000e+00, v3;
	v2 =	vmul.f32 $8.000000000e+00, v2;
	v3 =	vld [tilespmem:s31+$0x130];
	[tilespmem:s31+$0x1D0] =	vst v7  }
0xf2: {  	v15 =	vmul.f32 $8.000000000e+00, v15;
	v4 =	vmul.f32 $8.000000000e+00, v4;
	v7 =	vld [tilespmem:s31+$0x140];
	[tilespmem:s31+$0x1E0] =	vst v0  }
0xf3: {  	v17 =	vmul.f32 $8.000000000e+00, v10;
	[tilespmem:s31+$0x0] =	vst v2;
	v0 =	vmul.f32 $8.000000000e+00, v8;
	v2 =	vld [tilespmem:s31+$0x150]  }
0xf4: {  	v18 =	vmul.f32 $8.000000000e+00, v9;
	[tilespmem:s31+$0xF0] =	vst v4;
	v1 =	vmul.f32 $8.000000000e+00, v1;
	v4 =	vld [tilespmem:s31+$0x1F0]  }
0xf5: {  	v8 =	vmul.f32 $8.000000000e+00, v11;
	v19 =	vld [tilespmem:s31+$0x50];
	[tilespmem:s31+$0x100] =	vst v0;
	v0 =	vmul.f32 $8.000000000e+00, v5  }
0xf6: {  	v9 =	vmul.f32 $8.000000000e+00, v12;
	v5 =	vld [tilespmem:s31+$0x40];
	[tilespmem:s31+$0x110] =	vst v1;
	v1 =	vmul.f32 $8.000000000e+00, v3  }
0xf7: {  	v10 =	vmul.f32 $8.000000000e+00, v13;
	v12 =	vld [tilespmem:s31+$0x30];
	[tilespmem:s31+$0x120] =	vst v0;
	v0 =	vmul.f32 $8.000000000e+00, v7  }
0xf8: {  	v7 =	vmul.f32 $8.000000000e+00, v14;
	v13 =	vld [tilespmem:s31+$0x20];
	[tilespmem:s31+$0x130] =	vst v1;
	v1 =	vmul.f32 $8.000000000e+00, v2  }
0xf9: {  	v6 =	vmul.f32 $8.000000000e+00, v6;
	v14 =	vld [tilespmem:s31+$0x10];
	[tilespmem:s31+$0x140] =	vst v0;
	v2 =	vmul.f32 $8.000000000e+00, v4  }
0xfa: {  	v3 =	vmul.f32 $8.000000000e+00, v19;
	[tilespmem:s31+$0x150] =	vst v1;
	v19 =	vld [tilespmem:s31+$0x1B0]  }
.Ltmp2:
0xfb: {  	v0 =	vmul.f32 $8.000000000e+00, v5;
	v11 =	vld [tilespmem:s31+$0x190];
	[tilespmem:s31+$0x1F0] =	vst v2;
	(pc) =	sbr.rel @p1 .LBB2_7-.Ltmp2, $4  }
0xfc: {  	v2 =	vmul.f32 $8.000000000e+00, v12;
	[tilespmem:s31+$0xE0] =	vst v16;
	v12 =	vld [tilespmem:s31+$0x1C0]  }
0xfd: {  	v4 =	vmul.f32 $8.000000000e+00, v13;
	[tilespmem:s31+$0xD0] =	vst v15;
	v13 =	vld [tilespmem:s31+$0x180]  }
0xfe: {  	v1 =	vmul.f32 $8.000000000e+00, v14;
	[tilespmem:s31+$0xC0] =	vst v17;
	v15 =	vld [tilespmem:s31+$0x170]  }
0xff: {  	s31 =	sadd.s32 $0x200, s31;
	[tilespmem:s29+$0xB0] =	vst v18;
	v14 =	vld [tilespmem:s29+$0x160];
	v5 =	vmul.f32 $8.000000000e+00, v19  }
0x100: {  	[tilespmem:s29+$0xA0] =	vst v8  }
0x101: {  	[tilespmem:s29+$0x90] =	vst v9  }
0x102: {  	[tilespmem:s29+$0x80] =	vst v10  }
0x103: {  	[tilespmem:s29+$0x70] =	vst v7  }
0x104: {  	[tilespmem:s29+$0x60] =	vst v6  }
0x105: {  	[tilespmem:s29+$0x50] =	vst v3  }
0x106: {  	[tilespmem:s29+$0x40] =	vst v0  }
0x107: {  	[tilespmem:s29+$0x30] =	vst v2  }
0x108: {  	[tilespmem:s29+$0x20] =	vst v4  }
0x109: {  	v0 =	vmul.f32 $8.000000000e+00, v11;
	[tilespmem:s29+$0x10] =	vst v1  }
0x10a: {  	v8 =	vmul.f32 $8.000000000e+00, v12;
	[tilespmem:s29+$0x1B0] =	vst v5  }
0x10b: {  	v9 =	vmul.f32 $8.000000000e+00, v13;
	[tilespmem:s29+$0x190] =	vst v0  }
0x10c: {  	s25 =	sshll.u32 s25, $0xD;
	[tilespmem:s29+$0x1C0] =	vst v8;
	v7 =	vmul.f32 $8.000000000e+00, v15  }
0x10d: {  	s25 =	sadd.s32 s6, s25;
	[tilespmem:s29+$0x180] =	vst v9;
	v6 =	vmul.f32 $8.000000000e+00, v14  }
0x10e: {  	s25 =	sshrl.u32 s25, $0x3;
	[tilespmem:s29+$0x170] =	vst v7  }
0x10f: {  	s25 =	sadd.s32 s2, s25;
	[tilespmem:s29+$0x160] =	vst v6  }
0x110: {  	[hbm4b:s25+s3] =	stream.linear.scatter [tilespmem:s13], [sflag:$0x7], $0x2000, $0x38;
	[tilespmem:$0xE400] =	vst v63  }
0x111: {  	s25 =	simm.s32 @!p0 $0x6  }
0x112: {  	_ =	swait.ge @!p0 [sflag:s25], $0x2000  }
0x113: {  	s29 =	simm.s32 @!p0 $0x8400;
	[sflag:s25] =	ssyncset.done @!p0 $0x0  }
0x114: {  	[sflag:s25] =	ssyncadd.s32 @!p0 $0xFFFFE000;
	s25 =	sadd.s32 @!p0 $0x280, s28;
	s28 =	simm.s32 @!p0 $0x80  }
0x115: {  	[tilespmem:s29], [sflag:$0x2] =	stream.indirect.gather @!p0 [hbm4b:s4+s28], $0x40, s25, s28, $0xb8;
	[tilespmem:$0xE400] =	vst v63  }
0x116: {  	_ =	swait.ge [sflag:s18], $0x2000  }
0x117: {  	[sflag:s18] =	ssyncset.done $0x0  }
0x118: {  	s25 =	simm.s32 $0xC400;
	[sflag:s18] =	ssyncadd.s32 $0xFFFFE000  }
0x119: {  	v0 =	vld [tilespmem:s25+$0x1A0]  }
0x11a: {  	v1 =	vld [tilespmem:s25+$0xA0]  }
0x11b: {  	v2 =	vld [tilespmem:s25+$0x90]  }
0x11c: {  	v3 =	vld [tilespmem:s25+$0x80]  }
0x11d: {  	v4 =	vld [tilespmem:s25+$0xB0]  }
0x11e: {  	v5 =	vld [tilespmem:s25+$0x70]  }
0x11f: {  	v6 =	vld [tilespmem:s25+$0xC0]  }
0x120: {  	v12 =	vld [tilespmem:s25+$0x60]  }
0x121: {  	v7 =	vld [tilespmem:s25+$0xD0]  }
0x122: {  	v8 =	vld [tilespmem:s25+$0xE0]  }
0x123: {  	v9 =	vld [tilespmem:s25+$0x1D0]  }
0x124: {  	v10 =	vld [tilespmem:s25+$0x1E0]  }
0x125: {  	v11 =	vld [tilespmem:s25+$0x0]  }
0x126: {  	v13 =	vld [tilespmem:s25+$0xF0]  }
0x127: {  	v14 =	vld [tilespmem:s25+$0x100];
	v0 =	vmul.f32 $8.000000000e+00, v0  }
0x128: {  	v15 =	vld [tilespmem:s25+$0x110];
	v9 =	vmul.f32 $8.000000000e+00, v9  }
0x129: {  	v16 =	vld [tilespmem:s25+$0x120];
	v17 =	vmul.f32 $8.000000000e+00, v8;
	[tilespmem:s25+$0x1A0] =	vst v0  }
0x12a: {  	v18 =	vld [tilespmem:s25+$0x30];
	v20 =	vmul.f32 $8.000000000e+00, v6;
	[tilespmem:s25+$0x1D0] =	vst v9  }
0x12b: {  	v21 =	vld [tilespmem:s25+$0x10];
	v0 =	vmul.f32 $8.000000000e+00, v10;
	[tilespmem:s25+$0xE0] =	vst v17  }
0x12c: {  	v10 =	vmul.f32 $8.000000000e+00, v11;
	v11 =	vld [tilespmem:s25+$0x130];
	[tilespmem:s25+$0xC0] =	vst v20  }
0x12d: {  	v9 =	vmul.f32 $8.000000000e+00, v13;
	v13 =	vld [tilespmem:s25+$0x140];
	[tilespmem:s25+$0x1E0] =	vst v0  }
0x12e: {  	[tilespmem:s25+$0x0] =	vst v10;
	v0 =	vmul.f32 $8.000000000e+00, v14;
	v10 =	vld [tilespmem:s25+$0x150]  }
0x12f: {  	[tilespmem:s25+$0xF0] =	vst v9;
	v9 =	vmul.f32 $8.000000000e+00, v15;
	v14 =	vld [tilespmem:s25+$0x1F0]  }
0x130: {  	v8 =	vmul.f32 $8.000000000e+00, v1;
	v15 =	vld [tilespmem:s25+$0x50];
	[tilespmem:s25+$0x100] =	vst v0;
	v0 =	vmul.f32 $8.000000000e+00, v16  }
0x131: {  	v19 =	vld [tilespmem:s25+$0x20];
	v6 =	vmul.f32 $8.000000000e+00, v12;
	[tilespmem:s25+$0x110] =	vst v9;
	v9 =	vmul.f32 $8.000000000e+00, v11  }
0x132: {  	v22 =	vld [tilespmem:s25+$0x1B0];
	v1 =	vmul.f32 $8.000000000e+00, v21;
	[tilespmem:s25+$0x120] =	vst v0;
	v0 =	vmul.f32 $8.000000000e+00, v13  }
0x133: {  	v16 =	vld [tilespmem:s25+$0x40];
	v13 =	vmul.f32 $8.000000000e+00, v7;
	[tilespmem:s25+$0x130] =	vst v9;
	v7 =	vmul.f32 $8.000000000e+00, v10  }
0x134: {  	v11 =	vld [tilespmem:s25+$0x190];
	v9 =	vmul.f32 $8.000000000e+00, v2;
	v10 =	vmul.f32 $8.000000000e+00, v3;
	[tilespmem:s25+$0x140] =	vst v0  }
0x135: {  	v12 =	vld [tilespmem:s25+$0x1C0];
	v3 =	vmul.f32 $8.000000000e+00, v15;
	v0 =	vmul.f32 $8.000000000e+00, v14;
	[tilespmem:s25+$0xD0] =	vst v13  }
0x136: {  	v2 =	vmul.f32 $8.000000000e+00, v18;
	v14 =	vmul.f32 $8.000000000e+00, v4;
	v13 =	vld [tilespmem:s25+$0x180];
	[tilespmem:s25+$0x150] =	vst v7  }
0x137: {  	v15 =	vld [tilespmem:s25+$0x170];
	v4 =	vmul.f32 $8.000000000e+00, v19;
	v7 =	vmul.f32 $8.000000000e+00, v5;
	[tilespmem:s25+$0x1F0] =	vst v0  }
0x138: {  	s28 =	simm.s32 $0x0;
	s29 =	simm.s32 $0xC600;
	v5 =	vmul.f32 $8.000000000e+00, v22;
	v0 =	vmul.f32 $8.000000000e+00, v16;
	[tilespmem:s25+$0xB0] =	vst v14;
	v14 =	vld [tilespmem:s25+$0x160]  }
.LBB2_9:
0x139: {  	v16 =	vld [tilespmem:s29+$0x1A0];
	s28 =	sadd.s32 $0x8, s28;
	[tilespmem:s25+$0xA0] =	vst v8;
	v8 =	vmul.f32 $8.000000000e+00, v11  }
0x13a: {  	v11 =	vld [tilespmem:s29+$0xA0];
	p0 =	slt.u32 s28, $0x78;
	[tilespmem:s25+$0x90] =	vst v9;
	v9 =	vmul.f32 $8.000000000e+00, v12  }
0x13b: {  	v12 =	vld [tilespmem:s29+$0x90];
	[tilespmem:s25+$0x80] =	vst v10;
	v10 =	vmul.f32 $8.000000000e+00, v13  }
0x13c: {  	v13 =	vld [tilespmem:s29+$0x80];
	v15 =	vmul.f32 $8.000000000e+00, v15;
	[tilespmem:s25+$0x1C0] =	vst v9  }
0x13d: {  	v9 =	vld [tilespmem:s29+$0xB0];
	[tilespmem:s25+$0x70] =	vst v7;
	v7 =	vmul.f32 $8.000000000e+00, v14  }
0x13e: {  	v14 =	vld [tilespmem:s29+$0x70];
	v16 =	vmul.f32 $8.000000000e+00, v16;
	[tilespmem:s25+$0x180] =	vst v10  }
0x13f: {  	v10 =	vld [tilespmem:s29+$0xC0];
	[tilespmem:s25+$0x60] =	vst v6  }
0x140: {  	v6 =	vld [tilespmem:s29+$0x60];
	[tilespmem:s25+$0x170] =	vst v15  }
0x141: {  	v15 =	vld [tilespmem:s29+$0xD0];
	[tilespmem:s25+$0x50] =	vst v3  }
0x142: {  	v3 =	vld [tilespmem:s29+$0xE0];
	[tilespmem:s25+$0x160] =	vst v7  }
0x143: {  	v7 =	vld [tilespmem:s29+$0x1D0];
	[tilespmem:s25+$0x40] =	vst v0  }
0x144: {  	v0 =	vld [tilespmem:s29+$0x1E0];
	[tilespmem:s25+$0x30] =	vst v2  }
0x145: {  	v2 =	vld [tilespmem:s29+$0x0];
	[tilespmem:s25+$0x20] =	vst v4  }
0x146: {  	v4 =	vld [tilespmem:s29+$0xF0];
	[tilespmem:s25+$0x190] =	vst v8  }
0x147: {  	v8 =	vld [tilespmem:s29+$0x100];
	[tilespmem:s25+$0x10] =	vst v1  }
0x148: {  	v1 =	vld [tilespmem:s29+$0x110];
	v7 =	vmul.f32 $8.000000000e+00, v7;
	[tilespmem:s25+$0x1B0] =	vst v5;
	s25 =	smov.u32 s29  }
0x149: {  	v5 =	vld [tilespmem:s29+$0x120];
	[tilespmem:s29+$0x1A0] =	vst v16;
	v0 =	vmul.f32 $8.000000000e+00, v0  }
0x14a: {  	v16 =	vmul.f32 $8.000000000e+00, v3;
	v2 =	vmul.f32 $8.000000000e+00, v2;
	v3 =	vld [tilespmem:s29+$0x130];
	[tilespmem:s29+$0x1D0] =	vst v7  }
0x14b: {  	v15 =	vmul.f32 $8.000000000e+00, v15;
	v4 =	vmul.f32 $8.000000000e+00, v4;
	v7 =	vld [tilespmem:s29+$0x140];
	[tilespmem:s29+$0x1E0] =	vst v0  }
0x14c: {  	v17 =	vmul.f32 $8.000000000e+00, v10;
	[tilespmem:s29+$0x0] =	vst v2;
	v0 =	vmul.f32 $8.000000000e+00, v8;
	v2 =	vld [tilespmem:s29+$0x150]  }
0x14d: {  	v18 =	vmul.f32 $8.000000000e+00, v9;
	[tilespmem:s29+$0xF0] =	vst v4;
	v1 =	vmul.f32 $8.000000000e+00, v1;
	v4 =	vld [tilespmem:s29+$0x1F0]  }
0x14e: {  	v8 =	vmul.f32 $8.000000000e+00, v11;
	v19 =	vld [tilespmem:s29+$0x50];
	[tilespmem:s29+$0x100] =	vst v0;
	v0 =	vmul.f32 $8.000000000e+00, v5  }
0x14f: {  	v9 =	vmul.f32 $8.000000000e+00, v12;
	v5 =	vld [tilespmem:s29+$0x40];
	[tilespmem:s29+$0x110] =	vst v1;
	v1 =	vmul.f32 $8.000000000e+00, v3  }
0x150: {  	v10 =	vmul.f32 $8.000000000e+00, v13;
	v12 =	vld [tilespmem:s29+$0x30];
	[tilespmem:s29+$0x120] =	vst v0;
	v0 =	vmul.f32 $8.000000000e+00, v7  }
0x151: {  	v7 =	vmul.f32 $8.000000000e+00, v14;
	v13 =	vld [tilespmem:s29+$0x20];
	[tilespmem:s29+$0x130] =	vst v1;
	v1 =	vmul.f32 $8.000000000e+00, v2  }
0x152: {  	v6 =	vmul.f32 $8.000000000e+00, v6;
	v14 =	vld [tilespmem:s29+$0x10];
	[tilespmem:s29+$0x140] =	vst v0;
	v2 =	vmul.f32 $8.000000000e+00, v4  }
0x153: {  	v3 =	vmul.f32 $8.000000000e+00, v19;
	[tilespmem:s29+$0x150] =	vst v1;
	v19 =	vld [tilespmem:s29+$0x1B0]  }
.Ltmp3:
0x154: {  	v0 =	vmul.f32 $8.000000000e+00, v5;
	v11 =	vld [tilespmem:s29+$0x190];
	[tilespmem:s29+$0x1F0] =	vst v2;
	(pc) =	sbr.rel @p0 .LBB2_9-.Ltmp3, $4  }
0x155: {  	v2 =	vmul.f32 $8.000000000e+00, v12;
	[tilespmem:s29+$0xE0] =	vst v16;
	v12 =	vld [tilespmem:s29+$0x1C0]  }
0x156: {  	v4 =	vmul.f32 $8.000000000e+00, v13;
	[tilespmem:s29+$0xD0] =	vst v15;
	v13 =	vld [tilespmem:s29+$0x180]  }
0x157: {  	v1 =	vmul.f32 $8.000000000e+00, v14;
	[tilespmem:s29+$0xC0] =	vst v17;
	v15 =	vld [tilespmem:s29+$0x170]  }
0x158: {  	s29 =	sadd.s32 $0x200, s29;
	[tilespmem:s25+$0xB0] =	vst v18;
	v14 =	vld [tilespmem:s25+$0x160];
	v5 =	vmul.f32 $8.000000000e+00, v19  }
0x159: {  	[tilespmem:s25+$0xA0] =	vst v8  }
0x15a: {  	[tilespmem:s25+$0x90] =	vst v9  }
0x15b: {  	[tilespmem:s25+$0x80] =	vst v10  }
0x15c: {  	[tilespmem:s25+$0x70] =	vst v7  }
0x15d: {  	[tilespmem:s25+$0x60] =	vst v6  }
0x15e: {  	[tilespmem:s25+$0x50] =	vst v3  }
0x15f: {  	[tilespmem:s25+$0x40] =	vst v0  }
0x160: {  	[tilespmem:s25+$0x30] =	vst v2  }
0x161: {  	[tilespmem:s25+$0x20] =	vst v4  }
0x162: {  	v63 =	vmul.f32 $8.000000000e+00, v11;
	[tilespmem:s25+$0x10] =	vst v1  }
0x163: {  	s24 =	sadd.s32 $0x1, s24;
	v59 =	vmul.f32 $8.000000000e+00, v12;
	[tilespmem:s25+$0x1B0] =	vst v5  }
0x164: {  	p0 =	sne.s32 s24, $0x32;
	v60 =	vmul.f32 $8.000000000e+00, v13;
	[tilespmem:s25+$0x190] =	vst v63  }
.Ltmp4:
0x165: {  	s26 =	sshll.u32 s26, $0xD;
	[tilespmem:s25+$0x1C0] =	vst v59;
	v61 =	vmul.f32 $8.000000000e+00, v15;
	(pc) =	sbr.rel @p0 .LBB2_2-.Ltmp4, $4  }
0x166: {  	s26 =	sadd.s32 s6, s26;
	[tilespmem:s25+$0x180] =	vst v60;
	v62 =	vmul.f32 $8.000000000e+00, v14  }
0x167: {  	s26 =	sshrl.u32 s26, $0x3;
	[tilespmem:s25+$0x170] =	vst v61  }
0x168: {  	s31 =	sadd.s32 s2, s26;
	[tilespmem:s25+$0x160] =	vst v62  }
0x169: {  	[hbm4b:s31+s3] =	stream.linear.scatter [tilespmem:s15], [sflag:$0x8], $0x2000, $0x38;
	[tilespmem:$0xE400] =	vst v63  }
0x16a: {  	_ =	swait.ge [sflag:s19], $0x2000  }
0x16b: {  	[sflag:s19] =	ssyncset.done $0x0  }
0x16c: {  	[sflag:s19] =	ssyncadd.s32 $0xFFFFE000  }
0x16d: {  	_ =	swait.ge [sflag:s20], $0x2000  }
0x16e: {  	[sflag:s20] =	ssyncset.done $0x0  }
0x16f: {  	s23 =	sadd.s32 $0x1, s23;
	[sflag:s20] =	ssyncadd.s32 $0xFFFFE000  }
0x170: {  	p0 =	sne.s32 s23, s7;
	_ =	swait.ge [sflag:s21], $0x2000  }
.Ltmp5:
0x171: {  	[sflag:s21] =	ssyncset.done $0x0;
	(pc) =	sbr.rel @p0 .LBB2_1-.Ltmp5, $4  }
0x172: {  	[sflag:s21] =	ssyncadd.s32 $0xFFFFE000  }
0x173: {  	_ =	swait.ge [sflag:s22], $0x2000  }
0x174: {  	[sflag:s22] =	ssyncset.done $0x0  }
0x175: {  	[sflag:s22] =	ssyncadd.s32 $0xFFFFE000  }
0x176: {  	_ =	sfence.sel $0x180000  }
0x177: {  	[bflag:$0x0] =	sbarrier.arrive $0xFFFF  }
0x178: {  	p0 =	sne.s32 s0, $0x0;
	_ =	strace $0x90000047  }
0x179: {  	s0 =	sadd.s32 @!p0 $0x100000, s1;
	[bflag:$0x2] =	sbarrier.arrive $0xFFFF  }
0x17a: {  	[sflag:s0] =	ssyncadd.tile.s32 @!p0 $0x1;
	_ =	shalt  }
.Lfunc_end2:
_tile_overlayer_lowered:
.L_overlay_start_2:
0x17b: {  	(tag) =	ssettag $0x2  }
0x17c: {  	s0 =	rddreg [dreg:$0x0];
	s2 =	stileid.u32  }
0x17d: {  	s1 =	rddreg [dreg:$0x1];
	p0 =	sne.s32 s2, $0x0  }
0x17e: {  	s3 =	rddreg [dreg:$0x2];
	[bflag:$0x3] =	sbarrier.arrive $0xFFFF;
	s2 =	simm.s32 @!p0 $0x1C09  }
0x17f: {  	[timem:s3], [sflag:s2] =	dma.local @!p0 [hbm:s0], s1  }
0x180: {  	s0 =	simm.s32 @!p0 $0x9  }
0x181: {  	_ =	swait.ge @!p0 [sflag:s0], s1  }
0x182: {  	s1 =	ssub.s32 @!p0 $0x0, s1;
	[sflag:s0] =	ssyncset.done @!p0 $0x0  }
0x183: {  	[sflag:s0] =	ssyncadd.s32 @!p0 s1  }
0x184: {  	[bflag:$0x3] =	sbarrier.arrive $0xFFFF  }
0x185: {  	_ =	shalt  }

// kernel: sparse-core-data-format-call.cloned.1.call-start
scs
called_computation_lowered:
.L_overlay_start_0:
0x0: {  	s2 =	sld [smem:$0x3FD9]  }
0x1: {  	s3 =	sld [smem:$0x3FFE];
	_ =	sdelay $0x1  }
0x2: {  	s1 =	srdreg.scid  }
0x3: {  	s0 =	sand.u32 $0x1, s1  }
0x4: {  	s18 =	sshll.u32 s0, $0xA;
	s2 =	sadd.s32 s3, s2  }
0x5: {  	s2 =	sadd.s32 s2, s18  }
0x6: {  	[smem:$0x3FC6] =	sst s2  }
0x7: {  	_ = 	snop  }
0x8: {  	s2 =	sld [smem:$0x3FD0];
	(tm) =	ssettm $0x1  }
0x9: {  	s19 =	sld [smem:$0x3FFB];
	_ =	sdelay $0x3  }
0xa: {  	_ =	strace s19  }
0xb: {  	s3 =	sld [smem:$0x3FFC];
	_ =	sdelay $0x3  }
0xc: {  	_ =	strace s3  }
0xd: {  	s3 =	sld [smem:$0x3FFD];
	_ =	sdelay $0x3  }
0xe: {  	_ =	strace s3  }
0xf: {  	_ =	strace $0x8FFFFFFF  }
0x10: {  	s20 =	sld [smem:$0x3FDB];
	_ =	sdelay $0x1  }
0x11: {  	s4 =	simm.s32 $_scs_section_size  }
0x12: {  	s5 =	simm.s32 $_size__tile_overlayer_lowered;
	s6 =	simm.s32 $_tile_overlayer_lowered  }
0x13: {  	s23 =	simm.s32 $0x1BFF;
	s22 =	sshll.u32 s6, $0x1;
	s3 =	sadd.s32 s4, s20  }
0x14: {  	s7 =	simm.s32 $0x0;
	s21 =	sshll.u32 s5, $0x1;
	s5 =	sadd.s32 s22, s3  }
0x15: {  	[timem:s7], [sflag:s23] =	dma.local [hbm:s5], s21  }
0x16: {  	_ =	swait.ge [sflag:s23], s21  }
0x17: {  	s4 =	ssub.s32 $0x0, s21;
	[sflag:s23] =	ssyncset.done $0x0  }
0x18: {  	[sflag:s23] =	ssyncadd.s32 s4;
	_ =	sdelay $0x1  }
0x19: {  	s24 =	simm.s32 $0x1B8B  }
0x1a: {  	_ =	swait.ge [sflag:s24], $0x1  }
0x1b: {  	[sflag:s24] =	ssyncset.done $0x0  }
0x1c: {  	s26 =	simm.s32 $0x1B8E;
	s25 =	sld [smem:$0x3FFE];
	[sflag:s24] =	ssyncadd.s32 $0xFFFFFFFF  }
0x1d: {  	s27 =	simm.s32 $execute0_lowered;
	[smem:$0x3FD2] =	sst s26  }
0x1e: {  	s5 =	sshll.u32 s27, $0x1;
	_ =	strace $0x80000049;
	[dreg:$0x1] =	wrdreg $0xFFFFFFFF  }
0x1f: {  	s28 =	simm.s32 $_size_execute0_lowered;
	s3 =	sadd.s32 s3, s5;
	[dreg:$0x0] =	wrdreg $0x0  }
0x20: {  	s5 =	sshll.u32 s28, $0x1;
	[dreg:$0x2] =	wrdreg s3  }
0x21: {  	[dreg:$0x3] =	wrdreg s5  }
0x22: {  	[dreg:$0x4] =	wrdreg $0xC0  }
0x23: {  	_ =	task [dreg:s7], $0x5FFFF  }
0x24: {  	[dreg:$0x1] =	wrdreg $0xFFFFFFFF  }
0x25: {  	[dreg:$0x0] =	wrdreg $0x60  }
0x26: {  	[dreg:$0x2] =	wrdreg s25  }
0x27: {  	[dreg:$0x3] =	wrdreg s2  }
0x28: {  	[dreg:$0x4] =	wrdreg $0x9  }
0x29: {  	_ =	task.clear_ibuf [dreg:s7], $0x5FFFF;
	_ =	strace $0x90000049  }
0x2a: {  	s29 =	simm.s32 $0x9;
	_ =	strace $0x8000004B  }
0x2b: {  	_ =	swait.ge [sflag:s29], $0x1  }
0x2c: {  	[sflag:s29] =	ssyncadd.s32 $0xFFFFFFFF  }
0x2d: {  	_ =	strace $0x9000004B  }
0x2e: {  	_ =	sfence  }
0x2f: {  	s30 =	sld [smem:$0x0];
	_ =	sdelay $0x2  }
0x30: {  	s31 =	sshll.u32 s1, $0xD;
	s1 =	sshrl.u32 s1, $0x2  }
0x31: {  	s3 =	sand.u32 $0x4000, s31;
	s1 =	sadd.s32 s1, s30  }
0x32: {  	s0 =	sor.u32 s3, s0;
	s1 =	sshll.u32 s1, $0x11  }
0x33: {  	s0 =	sor.u32 s1, s0  }
0x34: {  	s0 =	sadd.s32 $0x8F2B, s0  }
0x35: {  	[sflag:s0] =	ssyncadd.remote.s32 $0x1  }
0x36: {  	_ =	sfence.sel $0xFFFF  }
0x37: {  	[dreg:$0x0] =	wrdreg $0xFFFFFFFF;
	(pc) =	sbr.abs _section_cstart, $3  }
0x38: {  	[dreg:$0x1] =	wrdreg $0xFFFFFFFF  }
0x39: {  	_ =	task.clear_ibuf [dreg:s7], $0x2FFFF;
	_ =	strace $0x9FFFFFFF  }
0x3a: {  	(tm) =	ssettm $0x7FFFFFFF  }
0x3b: {  	_ =	shalt  }
tec
execute0_lowered:
.L_overlay_start_1:
0x0: {  	(tag) =	ssettag $0x1  }
0x1: {  	s0 =	srdreg.scid  }
0x2: {  	s1 =	sshll.u32 s0, $0x4  }
0x3: {  	s4 =	rddreg [dreg:$0x0];
	s0 =	stileid.u32;
	s1 =	sand.u32 $0x10, s1  }
0x4: {  	s2 =	rddreg [dreg:$0x1];
	s7 =	simm.s32 $0x1;
	s1 =	sor.u32 s0, s1  }
0x5: {  	s8 =	simm.s32 $0x2;
	s11 =	simm.s32 $0x0;
	s3 =	sshll.u32 s1, $0x7  }
0x6: {  	s10 =	simm.s32 $0x0;
	s4 =	sadd.s32 $0x800, s4;
	s6 =	ssub.s32 $0xC8000, s3  }
.Ltmp0:
0x7: {  	s1 =	rddreg [dreg:$0x2];
	s5 =	sand.u32 $0xF80, s6;
	(pc) =	sbr.rel .LBB1_1-.Ltmp0, $4  }
0x8: {  	_ =	strace $0x8000004A;
	s9 =	smov.u32 s3;
	p0 =	sne.s32 s5, $0x0  }
0x9: {  	s6 =	sshrl.u32 s6, $0xC;
	s5 =	simm.s32 $0x1;
	s7 =	simm.s32 @!p0 $0x0  }
0xa: {  	[sflag:s5] =	ssyncpa.u1 $0x0;
	p0 =	por $0x0, $0x0;
	s6 =	sadd.s32 s7, s6  }
0xb: {  	[sflag:s8] =	ssyncpa.u1 $0x0;
	s8 =	simm.s32 $0x640000;
	s7 =	sadd.s32 $0x1, s6  }
.LBB1_4:
0xc: {  	s14 =	sshll.u32 s11, $0x3  }
0xd: {  	s30 =	sand.u32 $0x7F, s11;
	s15 =	sand.u32 $0xFFFFFC00, s14  }
0xe: {  	s11 =	sor.u32 s30, s15  }
0xf: {  	s15 =	smulhi.u32 $0x51EB851F, s11  }
0x10: {  	s14 =	smulhi.u32 $0x51EB851F, s14  }
0x11: {  	s15 =	sshrl.u32 s15, $0x12  }
0x12: {  	s14 =	sshrl.u32 s14, $0x12;
	s15 =	smul.u32 $0xC8000, s15  }
0x13: {  	s14 =	sand.u32 $0x3F, s14  }
0x14: {  	s14 =	smul.u32 $0x19000, s14;
	s11 =	ssub.s32 s11, s15  }
0x15: {  	[tilespmem:s13+$0x810 ss:$0x81] =	vst.msk $0xffff, v2;
	s15 =	sand.u32 $0x7, s11  }
0x16: {  	[tilespmem:s13+$0x1020 ss:$0x81] =	vst.msk $0xffff, v0;
	s14 =	sadd.s32 s2, s14;
	s11 =	sshrl.u32 s11, $0x3;
	s15 =	sshll.u32 s15, $0x12  }
0x17: {  	[tilespmem:s13+$0x0 ss:$0x81] =	vst.msk $0xffff, v1;
	s11 =	sadd.s32 s11, s14;
	s31 =	sor.u32 $0x400, s15  }
0x18: {  	[hbm4b:s11+s31] =	stream.strided.scatter [tilespmem:s12], [sflag:$0x2], $0x2000, s8, s31, $0x20;
	[tilespmem:$0x8080] =	vst v63  }
.LBB1_5:
0x19: {  	s13 =	sadd.s32 $0x1000, s9  }
0x1a: {  	p2 =	sgt.s32 s13, $0xC7FFF  }
0x1b: {  	s13 =	smov.u32 @p2 s3;
	p2 =	sne.s32 s10, s7  }
.Ltmp1:
0x1c: {  	p1 =	slt.u32 s10, $0x2;
	(pc) =	sbr.rel @!p2 .LBB1_6-.Ltmp1, $4  }
0x1d: {  	s12 =	simm.s32 @!p1 $0x2  }
0x1e: {  	s14 =	sadd.s32 $0x1, s10;
	_ =	swait.ge @!p1 [sflag:s12], $0x2000  }
0x1f: {  	s11 =	smov.u32 s9;
	p0 =	por !p0, !p0;
	[sflag:s12] =	ssyncset.done @!p1 $0x0  }
0x20: {  	s10 =	smov.u32 s14;
	s9 =	smov.u32 s13;
	[sflag:s12] =	ssyncadd.s32 @!p1 $0xFFFFE000  }
.LBB1_1:
0x21: {  	p1 =	sge.u32 s10, s6  }
0x22: {  	s12 =	sand.u32 @!p1 $0x1FFFFFF, s9  }
0x23: {  	s13 =	smulhi.u32 @!p1 $0x147AE15, s12;
	_ =	sdelay $0x1  }
0x24: {  	s13 =	sshrl.u32 @!p1 s13, $0xC  }
0x25: {  	s13 =	smul.u32 @!p1 $0xC8000, s13;
	_ =	sdelay $0x1  }
0x26: {  	s31 =	sadd.s32 $0xFFFFFFFF, s10;
	s14 =	sxor.u32 @!p1 $0xFFFFFFFF, s10;
	s12 =	ssub.s32 @!p1 s12, s13  }
0x27: {  	s15 =	simm.s32 @!p1 $0x80;
	s14 =	sshll.u32 @!p1 s14, $0xD;
	s12 =	sshll.u32 @!p1 s12, $0x4  }
0x28: {  	s13 =	sand.u32 @!p1 $0x2000, s14;
	s14 =	simm.s32 @!p1 $0x40;
	s12 =	sadd.s32 @!p1 s4, s12  }
0x29: {  	[tilespmem:s13], [sflag:$0x1] =	stream.strided.gather @!p1 [hbm4b:s12+s14], $0x2000, s15, s14, $0x38;
	[tilespmem:$0x8080] =	vst v63  }
0x2a: {  	p1 =	sge.u32 s31, s6  }
.Ltmp2:
0x2b: {  	_ = 	snop;
	(pc) =	sbr.rel @p1 .LBB1_5-.Ltmp2, $1  }
0x2c: {  	_ =	sdelay $0x3  }
0x2d: {  	s12 =	simm.s32 $0x1  }
0x2e: {  	_ =	swait.ge [sflag:s5], $0x2000;
	s12 =	simm.s32 @!p0 $0x0  }
0x2f: {  	[sflag:s5] =	ssyncset.done $0x0;
	s13 =	sshll.u32 s12, $0xD  }
0x30: {  	[sflag:s5] =	ssyncadd.s32 $0xFFFFE000;
	s16 =	sor.u32 $0x20, s13  }
0x31: {  	s12 =	smul.u32 $0x8100, s12;
	v3 =	vld [tilespmem:s16+$0x10]  }
0x32: {  	s30 =	sand.u32 $0x1, s10;
	v2 =	vld [tilespmem:s16+$0xFFFFFFF0]  }
0x33: {  	s13 =	smul.u32 $0x8100, s30;
	s12 =	sshrl.u32 s12, $0x2;
	v0 =	vld [tilespmem:s16+$0x0]  }
0x34: {  	v1 =	vld [tilespmem:s16+$0xFFFFFFE0];
	s14 =	sor.u32 $0x4000, s12  }
0x35: {  	s31 =	sshrl.u32 s13, $0x2;
	s13 =	sadd.s32 $0x0, s14  }
0x36: {  	s15 =	simm.s32 $0x4;
	s16 =	sadd.s32 $0x40, s16;
	s12 =	sor.u32 $0x4000, s31;
	[tilespmem:s13+$0x1830 ss:$0x81] =	vst.msk $0xffff, v3  }
.LBB1_3:
0x37: {  	v3 =	vld [tilespmem:s16+$0x10];
	p1 =	sne.s32 s15, $0x1FC;
	[tilespmem:s13+$0x810 ss:$0x81] =	vst.msk $0xffff, v2;
	s17 =	smov.u32 s15;
	s15 =	sadd.s32 $0x4, s15  }
.Ltmp3:
0x38: {  	v2 =	vld [tilespmem:s16+$0xFFFFFFF0];
	[tilespmem:s13+$0x1020 ss:$0x81] =	vst.msk $0xffff, v0;
	(pc) =	sbr.rel @p1 .LBB1_3-.Ltmp3, $4  }
0x39: {  	v0 =	vld [tilespmem:s16+$0x0];
	[tilespmem:s13+$0x0 ss:$0x81] =	vst.msk $0xffff, v1  }
0x3a: {  	s13 =	sshra.s32 s17, $0x2;
	v1 =	vld [tilespmem:s16+$0xFFFFFFE0]  }
0x3b: {  	s13 =	sadd.s32 s13, s14  }
0x3c: {  	s16 =	sadd.s32 $0x40, s16;
	[tilespmem:s13+$0x1830 ss:$0x81] =	vst.msk $0xffff, v3  }
.Ltmp4:
0x3d: {  	_ = 	snop;
	(pc) =	sbr.rel .LBB1_4-.Ltmp4, $1  }
0x3e: {  	_ =	sdelay $0x3  }
.LBB1_6:
0x3f: {  	_ =	sfence.sel $0x180000  }
0x40: {  	s2 =	simm.s32 $0x1;
	[bflag:$0x0] =	sbarrier.arrive $0xFFFF  }
0x41: {  	s31 =	simm.s32 $0x2;
	[sflag:s2] =	ssyncpa.u1 $0x1  }
0x42: {  	[sflag:s31] =	ssyncpa.u1 $0x1  }
0x43: {  	p0 =	sne.s32 s0, $0x0;
	_ =	strace $0x9000004A  }
0x44: {  	s0 =	sadd.s32 @!p0 $0x100000, s1;
	[bflag:$0x2] =	sbarrier.arrive $0xFFFF  }
0x45: {  	[sflag:s0] =	ssyncadd.tile.s32 @!p0 $0x1;
	_ =	shalt  }
.Lfunc_end1:
_tile_overlayer_lowered:
.L_overlay_start_2:
0x46: {  	(tag) =	ssettag $0x2  }
0x47: {  	s0 =	rddreg [dreg:$0x0];
	s2 =	stileid.u32  }
0x48: {  	s1 =	rddreg [dreg:$0x1];
	p0 =	sne.s32 s2, $0x0  }
0x49: {  	s3 =	rddreg [dreg:$0x2];
	[bflag:$0x3] =	sbarrier.arrive $0xFFFF;
	s2 =	simm.s32 @!p0 $0x1C01  }
0x4a: {  	[timem:s3], [sflag:s2] =	dma.local @!p0 [hbm:s0], s1  }
0x4b: {  	s0 =	simm.s32 @!p0 $0x1  }
0x4c: {  	_ =	swait.ge @!p0 [sflag:s0], s1  }
0x4d: {  	s1 =	ssub.s32 @!p0 $0x0, s1;
	[sflag:s0] =	ssyncset.done @!p0 $0x0  }
0x4e: {  	[sflag:s0] =	ssyncadd.s32 @!p0 s1  }
0x4f: {  	[bflag:$0x3] =	sbarrier.arrive $0xFFFF  }
0x50: {  	_ =	shalt  }

</sc_bundles>
